<compile_context>
chip_gen: v7x
topology: tpu7x:2x2x1
jax: 0.10.2.dev20260603
libtpu: 0.0.44.dev20260713+nightly
codegen_flags: <defaults>
</compile_context>

<pallas_src>
import functools

import jax
import jax.numpy as jnp
from jax import lax
from jax.experimental import pallas as pl
from jax.experimental.pallas import tpu as pltpu
from jax.experimental.pallas import tpu_sc as plsc

B, L, DIM = 4096, 200, 64
LN = 16
NCH = (L + LN - 1) // LN
LAST_OFF = L - LN

_PERM = (
    list(range(0, 32, 2)) + list(range(1, 32, 2))
    + list(range(32, 64, 2)) + list(range(33, 64, 2))
)


def _sc_pool(x, lengths, emb):
    info = plsc.get_sparse_core_info()
    nc, ns = info.num_cores, info.num_subcores
    nw = nc * ns
    bw = B // nw

    mesh = plsc.VectorSubcoreMesh(core_axis_name="c", subcore_axis_name="s")

    @functools.partial(
        pl.kernel,
        mesh=mesh,
        compiler_params=pltpu.CompilerParams(
            use_tc_tiling_on_sc=False, needs_layout_passes=False
        ),
        out_type=jax.ShapeDtypeStruct((B, DIM), jnp.float32),
        scratch_types=[
            pltpu.VMEM((bw, L), jnp.int32),
            pltpu.VMEM((bw + LN,), jnp.int32),
            pltpu.VMEM((2, NCH, LN, 2 * DIM), jnp.bfloat16),
            pltpu.VMEM((bw, DIM), jnp.float32),
            pltpu.SemaphoreType.DMA,
        ],
    )
    def pool(x_hbm, len_hbm, emb_hbm, out_hbm, xb, lens, gbuf, ob, sem):
        wid = lax.axis_index("s") * nc + lax.axis_index("c")
        base = wid * bw
        pltpu.sync_copy(x_hbm.at[pl.ds(base, bw), :], xb)
        pltpu.sync_copy(len_hbm.at[pl.ds(base, bw)], lens.at[pl.ds(0, bw)])

        def length_of(i):
            return lens[pl.ds(i, LN)][0]

        def chunk_copy(i, slot, j):
            off = jnp.minimum(j * LN, LAST_OFF)
            return pltpu.make_async_copy(
                emb_hbm.at[xb.at[i, pl.ds(off, LN)]], gbuf.at[slot, j], sem
            )

        def fire(i, slot):
            ln = length_of(i)
            nch = (ln + (LN - 1)) // LN

            def go(j, c):
                chunk_copy(i, slot, j).start()
                return c

            lax.fori_loop(0, nch, go, 0)

        def row_halves(slot, j, r):
            b0 = gbuf[slot, j, r, pl.ds(0, 2 * LN)]
            b1 = gbuf[slot, j, r, pl.ds(2 * LN, 2 * LN)]
            e0, o0 = plsc.unpack(b0, format=plsc.PackFormat.INTERLEAVED)
            e1, o1 = plsc.unpack(b1, format=plsc.PackFormat.INTERLEAVED)
            return (e0, o0, e1, o1)

        def drain(i, slot, ln):
            nch = (ln + (LN - 1)) // LN
            z = jnp.zeros((LN,), jnp.float32)

            def full_chunk(j, acc):
                chunk_copy(i, slot, j).wait()
                a0, a1, a2, a3 = acc
                for r in range(LN):
                    h = row_halves(slot, j, r)
                    a0 = a0 + h[0]
                    a1 = a1 + h[1]
                    a2 = a2 + h[2]
                    a3 = a3 + h[3]
                return (a0, a1, a2, a3)

            acc = lax.fori_loop(0, nch - 1, full_chunk, (z, z, z, z))

            last = nch - 1
            chunk_copy(i, slot, last).wait()
            off = jnp.minimum(last * LN, LAST_OFF)
            lo = last * LN
            acc = list(acc)
            for r in range(LN):
                pos = off + r
                gate = jnp.logical_and(pos >= lo, pos < ln).astype(jnp.float32)
                gv = lax.broadcast_in_dim(gate, (LN,), ())
                h = row_halves(slot, last, r)
                for g in range(4):
                    acc[g] = acc[g] + h[g] * gv

            lnv = lax.broadcast_in_dim(ln.astype(jnp.float32), (LN,), ())
            for g in range(4):
                ob[i, pl.ds(g * LN, LN)] = acc[g] / lnv

        fire(0, 0)

        def example(i, c):
            ln = length_of(i)

            @pl.when(i < bw - 1)
            def _():
                fire(i + 1, (i + 1) % 2)

            drain(i, i % 2, ln)
            return c

        lax.fori_loop(0, bw, example, 0)
        pltpu.sync_copy(ob, out_hbm.at[pl.ds(base, bw), :])

    return pool(x, lengths, emb)


def _mlp(avg, W1, b1, W2, b2):

    def body(a_ref, w1_ref, b1_ref, w2_ref, b2_ref, o_ref):
        a = a_ref[:, :]
        h = lax.dot_general(a, w1_ref[:, :], (((1,), (1,)), ((), ())),
                            preferred_element_type=jnp.float32)
        h = jnp.maximum(h + b1_ref[:][None, :], 0.0)
        lg = lax.dot_general(h, w2_ref[:, :], (((1,), (1,)), ((), ())),
                             preferred_element_type=jnp.float32)
        lg = lg + b2_ref[:][None, :]
        m = jnp.max(lg, axis=1, keepdims=True)
        s = jnp.log(jnp.sum(jnp.exp(lg - m), axis=1, keepdims=True)) + m
        o_ref[:, :] = lg - s

    return pl.pallas_call(
        body,
        out_shape=jax.ShapeDtypeStruct((B, W2.shape[0]), jnp.float32),
    )(avg, W1, b1, W2, b2)


def kernel(x, lengths, emb, W1, b1, W2, b2):
    x = x.astype(jnp.int32)
    lengths = lengths.astype(jnp.int32)
    embp = jnp.pad(emb.astype(jnp.bfloat16), ((0, 0), (0, DIM)))
    avg = _sc_pool(x, lengths, embp)
    w1p = W1[:, jnp.array(_PERM)]
    return _mlp(avg, w1p, b1, W2, b2)

# --- scband reference (transcript-rebuilt; emitter-appended) ---
"""Pipeline reference for scband-danbpe-10307921510866 (READ-ONLY COPY).

The authoritative reference and input builder live on the scoring server;
editing this copy changes nothing except your own understanding.
"""

import jax, jax.numpy as jnp
import numpy as np

VOCAB, DIM, HIDDEN, NCLS = 1000000, 64, 256, 2
B, L = 4096, 200

def setup_inputs(seed: int = 0) -> dict:
    key = jax.random.key(seed)
    ks = jax.random.split(key, 8)
    x = jax.random.randint(ks[0], (B, L), 0, VOCAB)
    lengths = jax.random.randint(ks[1], (B,), 1, L + 1)
    emb = jax.random.normal(ks[2], (VOCAB, DIM), dtype=jnp.float32) * 0.05
    emb = emb.at[0].set(0.0)  # padding_idx=0 row zeroed
    W1 = jax.random.normal(ks[3], (HIDDEN, DIM), dtype=jnp.float32) * (1.0 / np.sqrt(DIM))
    b1 = jnp.zeros((HIDDEN,), dtype=jnp.float32)
    W2 = jax.random.normal(ks[4], (NCLS, HIDDEN), dtype=jnp.float32) * (1.0 / np.sqrt(HIDDEN))
    b2 = jnp.zeros((NCLS,), dtype=jnp.float32)
    return {"x": x, "lengths": lengths, "emb": emb, "W1": W1, "b1": b1, "W2": W2, "b2": b2}

def reference(x, lengths, emb, W1, b1, W2, b2):
    # embedding gather
    embedded = jnp.take(emb, x, axis=0)  # [B, L, DIM]
    bsz, seq_len = x.shape
    mask = (jnp.arange(seq_len)[None, :] < lengths[:, None]).astype(jnp.float32)[:, :, None]
    masked_embedded = embedded * mask
    summed = masked_embedded.sum(axis=1)
    averaged = summed / lengths[:, None].astype(jnp.float32)
    # dropout_position='embedding' -> dropout is identity at inference
    h = jax.nn.relu(averaged @ W1.T + b1)
    logits = h @ W2.T + b2
    return jax.nn.log_softmax(logits, axis=1)

if __name__ == "__main__":
    import jax
    _d = setup_inputs()
    print(jax.jit(kernel)(*tuple(_d.values())))

</pallas_src>

<mosaic_0001>
#map = affine_map<(d0, d1) -> (0, 0)>
#map1 = affine_map<(d0, d1) -> (0)>
module attributes {stable_mosaic.version = 14 : i64} {
  func.func @pool(%arg0: i32, %arg1: i32, %arg2: memref<4096x200xi32, #tpu.memory_space<hbm>>, %arg3: memref<4096xi32, #tpu.memory_space<hbm>>, %arg4: memref<1000000x128xbf16, #tpu.memory_space<hbm>>, %arg5: memref<4096x64xf32, #tpu.memory_space<hbm>>, %arg6: memref<128x200xi32, #tpu.memory_space<vmem>>, %arg7: memref<144xi32, #tpu.memory_space<vmem>>, %arg8: memref<2x13x16x128xbf16, #tpu.memory_space<vmem>>, %arg9: memref<128x64xf32, #tpu.memory_space<vmem>>, %arg10: memref<!tpu.dma_semaphore, #tpu.memory_space<semaphore_mem>>) attributes {dimension_semantics = [#tpu.dimension_semantics<core_parallel>, #tpu.dimension_semantics<subcore_parallel>], iteration_bounds = array<i64: 2, 16>, scalar_prefetch = 0 : i64, scratch_operands = 5 : i64, tpu.core_type = #tpu.core_type<sc_vector_subcore>, window_params = [{transform_indices = #map}, {transform_indices = #map1}, {transform_indices = #map}, {transform_indices = #map}]} {
    %mul3A = arith.constant 2 : i32
    %mul3A_0 = arith.muli %arg1, %mul3A : i32
    %add3A = arith.addi %mul3A_0, %arg0 : i32
    %mul3A_1 = arith.constant 128 : i32
    %mul3A_2 = arith.muli %add3A, %mul3A_1 : i32
    "tpu.region"() ({
      %run_scoped3A = tpu.sem_alloc : memref<!tpu.dma_semaphore, #tpu.memory_space<semaphore_mem>>
      %dma_start3A = arith.constant 0 : i32
      %dma_start3A_36 = tpu.memref_slice %arg2[%mul3A_2, %dma_start3A] : memref<4096x200xi32, #tpu.memory_space<hbm>> -> memref<128x200xi32, #tpu.memory_space<hbm>>
      %dma_start3A_37 = arith.constant 0 : i32
      %dma_start3A_38 = tpu.memref_slice %arg2[%mul3A_2, %dma_start3A_37] : memref<4096x200xi32, #tpu.memory_space<hbm>> -> memref<128x200xi32, #tpu.memory_space<hbm>>
      tpu.enqueue_dma source(%dma_start3A_38 : memref<128x200xi32, #tpu.memory_space<hbm>>) target(%arg6 : memref<128x200xi32, #tpu.memory_space<vmem>>) target_semaphore(%run_scoped3A : memref<!tpu.dma_semaphore, #tpu.memory_space<semaphore_mem>>)
      %dma_wait3A = arith.constant 0 : i32
      %dma_wait3A_39 = tpu.memref_slice %arg2[%mul3A_2, %dma_wait3A] : memref<4096x200xi32, #tpu.memory_space<hbm>> -> memref<128x200xi32, #tpu.memory_space<hbm>>
      %dma_wait3A_40 = arith.constant 0 : i32
      %dma_wait3A_41 = tpu.memref_slice %arg2[%mul3A_2, %dma_wait3A_40] : memref<4096x200xi32, #tpu.memory_space<hbm>> -> memref<128x200xi32, #tpu.memory_space<hbm>>
      tpu.wait_dma2 semaphore(%run_scoped3A : memref<!tpu.dma_semaphore, #tpu.memory_space<semaphore_mem>>) src(%dma_wait3A_41 : memref<128x200xi32, #tpu.memory_space<hbm>>) dst(%arg6 : memref<128x200xi32, #tpu.memory_space<vmem>>)
      tpu.yield
    }) : () -> ()
    "tpu.region"() ({
      %run_scoped3A = tpu.sem_alloc : memref<!tpu.dma_semaphore, #tpu.memory_space<semaphore_mem>>
      %dma_start3A = arith.constant 0 : i32
      %dma_start3A_36 = tpu.memref_slice %arg7[%dma_start3A] : memref<144xi32, #tpu.memory_space<vmem>> -> memref<128xi32, #tpu.memory_space<vmem>>
      %dma_start3A_37 = tpu.memref_slice %arg3[%mul3A_2] : memref<4096xi32, #tpu.memory_space<hbm>> -> memref<128xi32, #tpu.memory_space<hbm>>
      %dma_start3A_38 = arith.constant 0 : i32
      %dma_start3A_39 = tpu.memref_slice %arg7[%dma_start3A_38] : memref<144xi32, #tpu.memory_space<vmem>> -> memref<128xi32, #tpu.memory_space<vmem>>
      %dma_start3A_40 = tpu.memref_slice %arg3[%mul3A_2] : memref<4096xi32, #tpu.memory_space<hbm>> -> memref<128xi32, #tpu.memory_space<hbm>>
      tpu.enqueue_dma source(%dma_start3A_40 : memref<128xi32, #tpu.memory_space<hbm>>) target(%dma_start3A_39 : memref<128xi32, #tpu.memory_space<vmem>>) target_semaphore(%run_scoped3A : memref<!tpu.dma_semaphore, #tpu.memory_space<semaphore_mem>>)
      %dma_wait3A = arith.constant 0 : i32
      %dma_wait3A_41 = tpu.memref_slice %arg7[%dma_wait3A] : memref<144xi32, #tpu.memory_space<vmem>> -> memref<128xi32, #tpu.memory_space<vmem>>
      %dma_wait3A_42 = tpu.memref_slice %arg3[%mul3A_2] : memref<4096xi32, #tpu.memory_space<hbm>> -> memref<128xi32, #tpu.memory_space<hbm>>
      %dma_wait3A_43 = arith.constant 0 : i32
      %dma_wait3A_44 = tpu.memref_slice %arg7[%dma_wait3A_43] : memref<144xi32, #tpu.memory_space<vmem>> -> memref<128xi32, #tpu.memory_space<vmem>>
      %dma_wait3A_45 = tpu.memref_slice %arg3[%mul3A_2] : memref<4096xi32, #tpu.memory_space<hbm>> -> memref<128xi32, #tpu.memory_space<hbm>>
      tpu.wait_dma2 semaphore(%run_scoped3A : memref<!tpu.dma_semaphore, #tpu.memory_space<semaphore_mem>>) src(%dma_wait3A_45 : memref<128xi32, #tpu.memory_space<hbm>>) dst(%dma_wait3A_44 : memref<128xi32, #tpu.memory_space<vmem>>)
      tpu.yield
    }) : () -> ()
    %get3A = arith.constant 0 : index
    %get3A_3 = tpu.vector_load %arg7[%get3A] {strides = array<i32>} : memref<144xi32, #tpu.memory_space<vmem>>, vector<16xi32>,
    %slice3A = vector.extract_strided_slice %get3A_3 {offsets = [0], sizes = [1], strides = [1]} : vector<16xi32> to vector<1xi32>
    %squeeze3A = vector.extract %slice3A[0] : i32 from vector<1xi32>
    %add3A_4 = arith.constant 15 : i32
    %add3A_5 = arith.addi %squeeze3A, %add3A_4 : i32
    %jit3A = arith.constant 16 : i32
    %div3A = arith.divsi %add3A_5, %jit3A : i32
    %sign3A = arith.constant 0 : i32
    %sign3A_6 = arith.cmpi sgt, %add3A_5, %sign3A : i32
    %sign3A_7 = arith.extui %sign3A_6 : i1 to i32
    %sign3A_8 = arith.constant 0 : i32
    %sign3A_9 = arith.cmpi slt, %add3A_5, %sign3A_8 : i32
    %sign3A_10 = arith.extui %sign3A_9 : i1 to i32
    %sign3A_11 = arith.subi %sign3A_7, %sign3A_10 : i32
    %sign3A_12 = arith.constant 0 : i32
    %sign3A_13 = arith.cmpi sgt, %jit3A, %sign3A_12 : i32
    %sign3A_14 = arith.extui %sign3A_13 : i1 to i32
    %sign3A_15 = arith.constant 0 : i32
    %sign3A_16 = arith.cmpi slt, %jit3A, %sign3A_15 : i32
    %sign3A_17 = arith.extui %sign3A_16 : i1 to i32
    %sign3A_18 = arith.subi %sign3A_14, %sign3A_17 : i32
    %ne3A = arith.cmpi ne, %sign3A_11, %sign3A_18 : i32
    %rem3A = arith.remsi %add3A_5, %jit3A : i32
    %ne3A_19 = arith.constant 0 : i32
    %ne3A_20 = arith.cmpi ne, %rem3A, %ne3A_19 : i32
    %and3A = arith.andi %ne3A, %ne3A_20 : i1
    %sub3A = arith.constant 1 : i32
    %sub3A_21 = arith.subi %div3A, %sub3A : i32
    %select_n3A = arith.select %and3A, %sub3A_21, %div3A : i32
    %while3A = arith.constant 0 : i32
    %while3A_22 = arith.constant 0 : i32
    %while3A_23 = arith.subi %select_n3A, %while3A_22 : i32
    %while3A_24 = arith.addi %while3A_22, %while3A_23 : i32
    %while3A_25 = arith.constant 1 : i32
    %while3A_26 = arith.divsi %while3A_23, %while3A_25 : i32
    %while3A_27 = arith.muli %while3A_26, %while3A_25 : i32
    %while3A_28 = arith.addi %while3A_22, %while3A_27 : i32
    %while3A_29 = arith.constant 1 : i32
    scf.for %while3A_36 = %while3A_22 to %while3A_28 step %while3A_29  : i32 {
      %mul3A_37 = arith.constant 16 : i32
      %mul3A_38 = arith.muli %while3A_36, %mul3A_37 : i32
      %min3A = arith.constant 184 : i32
      %min3A_39 = arith.minsi %mul3A_38, %min3A : i32
      %dma_start3A = arith.constant 0 : i32
      %dma_start3A_40 = arith.constant 0 : i32
      %dma_start3A_41 = arith.constant 0 : i32
      %dma_start3A_42 = arith.constant 0 : i32
      %dma_start3A_43 = tpu.memref_slice %arg8[%dma_start3A_40, %while3A_36, %dma_start3A_41, %dma_start3A_42] : memref<2x13x16x128xbf16, #tpu.memory_space<vmem>> -> memref<1x1x16x128xbf16, #tpu.memory_space<vmem>>
      %dma_start3A_44 = tpu.memref_squeeze %dma_start3A_43 : memref<1x1x16x128xbf16, #tpu.memory_space<vmem>> -> memref<16x128xbf16, #tpu.memory_space<vmem>>
      %dma_start3A_45 = tpu.memref_slice %arg6[%dma_start3A, %min3A_39] : memref<128x200xi32, #tpu.memory_space<vmem>> -> memref<1x16xi32, #tpu.memory_space<vmem>>
      %dma_start3A_46 = tpu.memref_squeeze %dma_start3A_45 : memref<1x16xi32, #tpu.memory_space<vmem>> -> memref<16xi32, #tpu.memory_space<vmem>>
      %dma_start3A_47 = arith.constant 0 : i32
      %dma_start3A_48 = arith.constant 0 : i32
      %dma_start3A_49 = tpu.memref_slice %arg4[%dma_start3A_47, %dma_start3A_48] : memref<1000000x128xbf16, #tpu.memory_space<hbm>> -> memref<1000000x128xbf16, #tpu.memory_space<hbm>>
      tpu.enqueue_indirect_dma source(%dma_start3A_49 : memref<1000000x128xbf16, #tpu.memory_space<hbm>>) target(%dma_start3A_44 : memref<16x128xbf16, #tpu.memory_space<vmem>>) offsets(%dma_start3A_46 : memref<16xi32, #tpu.memory_space<vmem>>) semaphore(%arg10 : memref<!tpu.dma_semaphore, #tpu.memory_space<semaphore_mem>>)
    }
    %while3A_30 = arith.constant 1 : i32
    scf.for %while3A_36 = %while3A_28 to %while3A_24 step %while3A_30  : i32 {
      %mul3A_37 = arith.constant 16 : i32
      %mul3A_38 = arith.muli %while3A_36, %mul3A_37 : i32
      %min3A = arith.constant 184 : i32
      %min3A_39 = arith.minsi %mul3A_38, %min3A : i32
      %dma_start3A = arith.constant 0 : i32
      %dma_start3A_40 = arith.constant 0 : i32
      %dma_start3A_41 = arith.constant 0 : i32
      %dma_start3A_42 = arith.constant 0 : i32
      %dma_start3A_43 = tpu.memref_slice %arg8[%dma_start3A_40, %while3A_36, %dma_start3A_41, %dma_start3A_42] : memref<2x13x16x128xbf16, #tpu.memory_space<vmem>> -> memref<1x1x16x128xbf16, #tpu.memory_space<vmem>>
      %dma_start3A_44 = tpu.memref_squeeze %dma_start3A_43 : memref<1x1x16x128xbf16, #tpu.memory_space<vmem>> -> memref<16x128xbf16, #tpu.memory_space<vmem>>
      %dma_start3A_45 = tpu.memref_slice %arg6[%dma_start3A, %min3A_39] : memref<128x200xi32, #tpu.memory_space<vmem>> -> memref<1x16xi32, #tpu.memory_space<vmem>>
      %dma_start3A_46 = tpu.memref_squeeze %dma_start3A_45 : memref<1x16xi32, #tpu.memory_space<vmem>> -> memref<16xi32, #tpu.memory_space<vmem>>
      %dma_start3A_47 = arith.constant 0 : i32
      %dma_start3A_48 = arith.constant 0 : i32
      %dma_start3A_49 = tpu.memref_slice %arg4[%dma_start3A_47, %dma_start3A_48] : memref<1000000x128xbf16, #tpu.memory_space<hbm>> -> memref<1000000x128xbf16, #tpu.memory_space<hbm>>
      tpu.enqueue_indirect_dma source(%dma_start3A_49 : memref<1000000x128xbf16, #tpu.memory_space<hbm>>) target(%dma_start3A_44 : memref<16x128xbf16, #tpu.memory_space<vmem>>) offsets(%dma_start3A_46 : memref<16xi32, #tpu.memory_space<vmem>>) semaphore(%arg10 : memref<!tpu.dma_semaphore, #tpu.memory_space<semaphore_mem>>)
    }
    %scan3A = arith.constant 0 : i32
    %scan3A_31 = arith.constant 0 : i32
    %scan3A_32 = arith.constant 128 : i32
    %scan3A_33 = arith.addi %scan3A_31, %scan3A_32 : i32
    %scan3A_34 = arith.constant 1 : i32
    scf.for %scan3A_36 = %scan3A_31 to %scan3A_33 step %scan3A_34  : i32 {
      %get3A_37 = arith.index_cast %scan3A_36 : i32 to index
      %get3A_38 = tpu.vector_load %arg7[%get3A_37] {strides = array<i32>} : memref<144xi32, #tpu.memory_space<vmem>>, vector<16xi32>,
      %slice3A_39 = vector.extract_strided_slice %get3A_38 {offsets = [0], sizes = [1], strides = [1]} : vector<16xi32> to vector<1xi32>
      %squeeze3A_40 = vector.extract %slice3A_39[0] : i32 from vector<1xi32>
      %lt3A = arith.constant 127 : i32
      %lt3A_41 = arith.cmpi slt, %scan3A_36, %lt3A : i32
      %convert_element_type3A = arith.extui %lt3A_41 : i1 to i32
      %cond3A = arith.constant 0 : i32
      %cond3A_42 = arith.cmpi ne, %convert_element_type3A, %cond3A : i32
      scf.if %cond3A_42 {
        %add3A_644 = arith.constant 1 : i32
        %add3A_645 = arith.addi %scan3A_36, %add3A_644 : i32
        %add3A_646 = arith.constant 1 : i32
        %add3A_647 = arith.addi %scan3A_36, %add3A_646 : i32
        %jit3A_648 = arith.constant 2 : i32
        %eq3A_649 = arith.constant 0 : i32
        %eq3A_650 = arith.cmpi eq, %jit3A_648, %eq3A_649 : i32
        %jit3A_651 = arith.constant 1 : i32
        %select_n3A_652 = arith.select %eq3A_650, %jit3A_651, %jit3A_648 : i32
        %rem3A_653 = arith.remsi %add3A_647, %select_n3A_652 : i32
        %ne3A_654 = arith.constant 0 : i32
        %ne3A_655 = arith.cmpi ne, %rem3A_653, %ne3A_654 : i32
        %lt3A_656 = arith.constant 0 : i32
        %lt3A_657 = arith.cmpi slt, %rem3A_653, %lt3A_656 : i32
        %lt3A_658 = arith.constant 0 : i32
        %lt3A_659 = arith.cmpi slt, %select_n3A_652, %lt3A_658 : i32
        %ne3A_660 = arith.xori %lt3A_657, %lt3A_659 : i1
        %and3A_661 = arith.andi %ne3A_660, %ne3A_655 : i1
        %add3A_662 = arith.addi %rem3A_653, %select_n3A_652 : i32
        %select_n3A_663 = arith.select %and3A_661, %add3A_662, %rem3A_653 : i32
        %get3A_664 = arith.index_cast %add3A_645 : i32 to index
        %get3A_665 = tpu.vector_load %arg7[%get3A_664] {strides = array<i32>} : memref<144xi32, #tpu.memory_space<vmem>>, vector<16xi32>,
        %slice3A_666 = vector.extract_strided_slice %get3A_665 {offsets = [0], sizes = [1], strides = [1]} : vector<16xi32> to vector<1xi32>
        %squeeze3A_667 = vector.extract %slice3A_666[0] : i32 from vector<1xi32>
        %add3A_668 = arith.constant 15 : i32
        %add3A_669 = arith.addi %squeeze3A_667, %add3A_668 : i32
        %jit3A_670 = arith.constant 16 : i32
        %div3A_671 = arith.divsi %add3A_669, %jit3A_670 : i32
        %sign3A_672 = arith.constant 0 : i32
        %sign3A_673 = arith.cmpi sgt, %add3A_669, %sign3A_672 : i32
        %sign3A_674 = arith.extui %sign3A_673 : i1 to i32
        %sign3A_675 = arith.constant 0 : i32
        %sign3A_676 = arith.cmpi slt, %add3A_669, %sign3A_675 : i32
        %sign3A_677 = arith.extui %sign3A_676 : i1 to i32
        %sign3A_678 = arith.subi %sign3A_674, %sign3A_677 : i32
        %sign3A_679 = arith.constant 0 : i32
        %sign3A_680 = arith.cmpi sgt, %jit3A_670, %sign3A_679 : i32
        %sign3A_681 = arith.extui %sign3A_680 : i1 to i32
        %sign3A_682 = arith.constant 0 : i32
        %sign3A_683 = arith.cmpi slt, %jit3A_670, %sign3A_682 : i32
        %sign3A_684 = arith.extui %sign3A_683 : i1 to i32
        %sign3A_685 = arith.subi %sign3A_681, %sign3A_684 : i32
        %ne3A_686 = arith.cmpi ne, %sign3A_678, %sign3A_685 : i32
        %rem3A_687 = arith.remsi %add3A_669, %jit3A_670 : i32
        %ne3A_688 = arith.constant 0 : i32
        %ne3A_689 = arith.cmpi ne, %rem3A_687, %ne3A_688 : i32
        %and3A_690 = arith.andi %ne3A_686, %ne3A_689 : i1
        %sub3A_691 = arith.constant 1 : i32
        %sub3A_692 = arith.subi %div3A_671, %sub3A_691 : i32
        %select_n3A_693 = arith.select %and3A_690, %sub3A_692, %div3A_671 : i32
        %while3A_694 = arith.constant 0 : i32
        %while3A_695 = arith.constant 0 : i32
        %while3A_696 = arith.subi %select_n3A_693, %while3A_695 : i32
        %while3A_697 = arith.addi %while3A_695, %while3A_696 : i32
        %while3A_698 = arith.constant 1 : i32
        %while3A_699 = arith.divsi %while3A_696, %while3A_698 : i32
        %while3A_700 = arith.muli %while3A_699, %while3A_698 : i32
        %while3A_701 = arith.addi %while3A_695, %while3A_700 : i32
        %while3A_702 = arith.constant 1 : i32
        scf.for %while3A_704 = %while3A_695 to %while3A_701 step %while3A_702  : i32 {
          %mul3A_705 = arith.constant 16 : i32
          %mul3A_706 = arith.muli %while3A_704, %mul3A_705 : i32
          %min3A_707 = arith.constant 184 : i32
          %min3A_708 = arith.minsi %mul3A_706, %min3A_707 : i32
          %dma_start3A = arith.constant 0 : i32
          %dma_start3A_709 = arith.constant 0 : i32
          %dma_start3A_710 = tpu.memref_slice %arg8[%select_n3A_663, %while3A_704, %dma_start3A, %dma_start3A_709] : memref<2x13x16x128xbf16, #tpu.memory_space<vmem>> -> memref<1x1x16x128xbf16, #tpu.memory_space<vmem>>
          %dma_start3A_711 = tpu.memref_squeeze %dma_start3A_710 : memref<1x1x16x128xbf16, #tpu.memory_space<vmem>> -> memref<16x128xbf16, #tpu.memory_space<vmem>>
          %dma_start3A_712 = tpu.memref_slice %arg6[%add3A_645, %min3A_708] : memref<128x200xi32, #tpu.memory_space<vmem>> -> memref<1x16xi32, #tpu.memory_space<vmem>>
          %dma_start3A_713 = tpu.memref_squeeze %dma_start3A_712 : memref<1x16xi32, #tpu.memory_space<vmem>> -> memref<16xi32, #tpu.memory_space<vmem>>
          %dma_start3A_714 = arith.constant 0 : i32
          %dma_start3A_715 = arith.constant 0 : i32
          %dma_start3A_716 = tpu.memref_slice %arg4[%dma_start3A_714, %dma_start3A_715] : memref<1000000x128xbf16, #tpu.memory_space<hbm>> -> memref<1000000x128xbf16, #tpu.memory_space<hbm>>
          tpu.enqueue_indirect_dma source(%dma_start3A_716 : memref<1000000x128xbf16, #tpu.memory_space<hbm>>) target(%dma_start3A_711 : memref<16x128xbf16, #tpu.memory_space<vmem>>) offsets(%dma_start3A_713 : memref<16xi32, #tpu.memory_space<vmem>>) semaphore(%arg10 : memref<!tpu.dma_semaphore, #tpu.memory_space<semaphore_mem>>)
        }
        %while3A_703 = arith.constant 1 : i32
        scf.for %while3A_704 = %while3A_701 to %while3A_697 step %while3A_703  : i32 {
          %mul3A_705 = arith.constant 16 : i32
          %mul3A_706 = arith.muli %while3A_704, %mul3A_705 : i32
          %min3A_707 = arith.constant 184 : i32
          %min3A_708 = arith.minsi %mul3A_706, %min3A_707 : i32
          %dma_start3A = arith.constant 0 : i32
          %dma_start3A_709 = arith.constant 0 : i32
          %dma_start3A_710 = tpu.memref_slice %arg8[%select_n3A_663, %while3A_704, %dma_start3A, %dma_start3A_709] : memref<2x13x16x128xbf16, #tpu.memory_space<vmem>> -> memref<1x1x16x128xbf16, #tpu.memory_space<vmem>>
          %dma_start3A_711 = tpu.memref_squeeze %dma_start3A_710 : memref<1x1x16x128xbf16, #tpu.memory_space<vmem>> -> memref<16x128xbf16, #tpu.memory_space<vmem>>
          %dma_start3A_712 = tpu.memref_slice %arg6[%add3A_645, %min3A_708] : memref<128x200xi32, #tpu.memory_space<vmem>> -> memref<1x16xi32, #tpu.memory_space<vmem>>
          %dma_start3A_713 = tpu.memref_squeeze %dma_start3A_712 : memref<1x16xi32, #tpu.memory_space<vmem>> -> memref<16xi32, #tpu.memory_space<vmem>>
          %dma_start3A_714 = arith.constant 0 : i32
          %dma_start3A_715 = arith.constant 0 : i32
          %dma_start3A_716 = tpu.memref_slice %arg4[%dma_start3A_714, %dma_start3A_715] : memref<1000000x128xbf16, #tpu.memory_space<hbm>> -> memref<1000000x128xbf16, #tpu.memory_space<hbm>>
          tpu.enqueue_indirect_dma source(%dma_start3A_716 : memref<1000000x128xbf16, #tpu.memory_space<hbm>>) target(%dma_start3A_711 : memref<16x128xbf16, #tpu.memory_space<vmem>>) offsets(%dma_start3A_713 : memref<16xi32, #tpu.memory_space<vmem>>) semaphore(%arg10 : memref<!tpu.dma_semaphore, #tpu.memory_space<semaphore_mem>>)
        }
      } else {
      }
      %jit3A_43 = arith.constant 2 : i32
      %eq3A = arith.constant 0 : i32
      %eq3A_44 = arith.cmpi eq, %jit3A_43, %eq3A : i32
      %jit3A_45 = arith.constant 1 : i32
      %select_n3A_46 = arith.select %eq3A_44, %jit3A_45, %jit3A_43 : i32
      %rem3A_47 = arith.remsi %scan3A_36, %select_n3A_46 : i32
      %ne3A_48 = arith.constant 0 : i32
      %ne3A_49 = arith.cmpi ne, %rem3A_47, %ne3A_48 : i32
      %lt3A_50 = arith.constant 0 : i32
      %lt3A_51 = arith.cmpi slt, %rem3A_47, %lt3A_50 : i32
      %lt3A_52 = arith.constant 0 : i32
      %lt3A_53 = arith.cmpi slt, %select_n3A_46, %lt3A_52 : i32
      %ne3A_54 = arith.xori %lt3A_51, %lt3A_53 : i1
      %and3A_55 = arith.andi %ne3A_54, %ne3A_49 : i1
      %add3A_56 = arith.addi %rem3A_47, %select_n3A_46 : i32
      %select_n3A_57 = arith.select %and3A_55, %add3A_56, %rem3A_47 : i32
      %add3A_58 = arith.constant 15 : i32
      %add3A_59 = arith.addi %squeeze3A_40, %add3A_58 : i32
      %jit3A_60 = arith.constant 16 : i32
      %div3A_61 = arith.divsi %add3A_59, %jit3A_60 : i32
      %sign3A_62 = arith.constant 0 : i32
      %sign3A_63 = arith.cmpi sgt, %add3A_59, %sign3A_62 : i32
      %sign3A_64 = arith.extui %sign3A_63 : i1 to i32
      %sign3A_65 = arith.constant 0 : i32
      %sign3A_66 = arith.cmpi slt, %add3A_59, %sign3A_65 : i32
      %sign3A_67 = arith.extui %sign3A_66 : i1 to i32
      %sign3A_68 = arith.subi %sign3A_64, %sign3A_67 : i32
      %sign3A_69 = arith.constant 0 : i32
      %sign3A_70 = arith.cmpi sgt, %jit3A_60, %sign3A_69 : i32
      %sign3A_71 = arith.extui %sign3A_70 : i1 to i32
      %sign3A_72 = arith.constant 0 : i32
      %sign3A_73 = arith.cmpi slt, %jit3A_60, %sign3A_72 : i32
      %sign3A_74 = arith.extui %sign3A_73 : i1 to i32
      %sign3A_75 = arith.subi %sign3A_71, %sign3A_74 : i32
      %ne3A_76 = arith.cmpi ne, %sign3A_68, %sign3A_75 : i32
      %rem3A_77 = arith.remsi %add3A_59, %jit3A_60 : i32
      %ne3A_78 = arith.constant 0 : i32
      %ne3A_79 = arith.cmpi ne, %rem3A_77, %ne3A_78 : i32
      %and3A_80 = arith.andi %ne3A_76, %ne3A_79 : i1
      %sub3A_81 = arith.constant 1 : i32
      %sub3A_82 = arith.subi %div3A_61, %sub3A_81 : i32
      %select_n3A_83 = arith.select %and3A_80, %sub3A_82, %div3A_61 : i32
      %broadcast_in_dim3A = arith.constant 0.000000e+00 : f32
      %broadcast_in_dim3A_84 = vector.broadcast %broadcast_in_dim3A : f32 to vector<16xf32>
      %sub3A_85 = arith.constant 1 : i32
      %sub3A_86 = arith.subi %select_n3A_83, %sub3A_85 : i32
      %while3A_87 = arith.constant 0 : i32
      %while3A_88 = arith.subi %sub3A_86, %while3A_87 : i32
      %while3A_89 = arith.addi %while3A_87, %while3A_88 : i32
      %while3A_90 = arith.constant 1 : i32
      %while3A_91 = arith.divsi %while3A_88, %while3A_90 : i32
      %while3A_92 = arith.muli %while3A_91, %while3A_90 : i32
      %while3A_93 = arith.addi %while3A_87, %while3A_92 : i32
      %while3A_94 = arith.constant 1 : i32
      %while3A_95:4 = scf.for %while3A_644 = %while3A_87 to %while3A_93 step %while3A_94 iter_args(%while3A_645 = %broadcast_in_dim3A_84, %while3A_646 = %broadcast_in_dim3A_84, %while3A_647 = %broadcast_in_dim3A_84, %while3A_648 = %broadcast_in_dim3A_84) -> (vector<16xf32>, vector<16xf32>, vector<16xf32>, vector<16xf32>)  : i32 {
        %mul3A_649 = arith.constant 16 : i32
        %mul3A_650 = arith.muli %while3A_644, %mul3A_649 : i32
        %min3A_651 = arith.constant 184 : i32
        %min3A_652 = arith.minsi %mul3A_650, %min3A_651 : i32
        %dma_wait3A_653 = arith.constant 0 : i32
        %dma_wait3A_654 = arith.constant 0 : i32
        %dma_wait3A_655 = tpu.memref_slice %arg8[%select_n3A_57, %while3A_644, %dma_wait3A_653, %dma_wait3A_654] : memref<2x13x16x128xbf16, #tpu.memory_space<vmem>> -> memref<1x1x16x128xbf16, #tpu.memory_space<vmem>>
        %dma_wait3A_656 = tpu.memref_squeeze %dma_wait3A_655 : memref<1x1x16x128xbf16, #tpu.memory_space<vmem>> -> memref<16x128xbf16, #tpu.memory_space<vmem>>
        %dma_wait3A_657 = tpu.memref_slice %arg6[%scan3A_36, %min3A_652] : memref<128x200xi32, #tpu.memory_space<vmem>> -> memref<1x16xi32, #tpu.memory_space<vmem>>
        %dma_wait3A_658 = tpu.memref_squeeze %dma_wait3A_657 : memref<1x16xi32, #tpu.memory_space<vmem>> -> memref<16xi32, #tpu.memory_space<vmem>>
        %dma_wait3A_659 = arith.constant 0 : i32
        %dma_wait3A_660 = arith.constant 0 : i32
        %dma_wait3A_661 = tpu.memref_slice %arg4[%dma_wait3A_659, %dma_wait3A_660] : memref<1000000x128xbf16, #tpu.memory_space<hbm>> -> memref<1000000x128xbf16, #tpu.memory_space<hbm>>
        tpu.wait_indirect_dma semaphore(%arg10 : memref<!tpu.dma_semaphore, #tpu.memory_space<semaphore_mem>>) src(%dma_wait3A_661 : memref<1000000x128xbf16, #tpu.memory_space<hbm>>) dst(%dma_wait3A_656 : memref<16x128xbf16, #tpu.memory_space<vmem>>)
        %get3A_662 = arith.constant 0 : i32
        %get3A_663 = arith.index_cast %select_n3A_57 : i32 to index
        %get3A_664 = arith.index_cast %while3A_644 : i32 to index
        %get3A_665 = arith.index_cast %get3A_662 : i32 to index
        %get3A_666 = arith.constant 0 : index
        %get3A_667 = tpu.vector_load %arg8[%get3A_663, %get3A_664, %get3A_665, %get3A_666] {strides = array<i32>} : memref<2x13x16x128xbf16, #tpu.memory_space<vmem>>, vector<32xbf16>,
        %get3A_668 = arith.constant 0 : i32
        %get3A_669 = arith.index_cast %select_n3A_57 : i32 to index
        %get3A_670 = arith.index_cast %while3A_644 : i32 to index
        %get3A_671 = arith.index_cast %get3A_668 : i32 to index
        %get3A_672 = arith.constant 32 : index
        %get3A_673 = tpu.vector_load %arg8[%get3A_669, %get3A_670, %get3A_671, %get3A_672] {strides = array<i32>} : memref<2x13x16x128xbf16, #tpu.memory_space<vmem>>, vector<32xbf16>,
        %unpack3A_674 = tpu.unpack_subelements %get3A_667, 0 {pack_format = #tpu.pack_format<interleaved>} : vector<32xbf16> -> vector<16xf32>
        %unpack3A_675 = tpu.unpack_subelements %get3A_667, 1 {pack_format = #tpu.pack_format<interleaved>} : vector<32xbf16> -> vector<16xf32>
        %unpack3A_676 = tpu.unpack_subelements %get3A_673, 0 {pack_format = #tpu.pack_format<interleaved>} : vector<32xbf16> -> vector<16xf32>
        %unpack3A_677 = tpu.unpack_subelements %get3A_673, 1 {pack_format = #tpu.pack_format<interleaved>} : vector<32xbf16> -> vector<16xf32>
        %add3A_678 = arith.addf %while3A_645, %unpack3A_674 : vector<16xf32>
        %add3A_679 = arith.addf %while3A_646, %unpack3A_675 : vector<16xf32>
        %add3A_680 = arith.addf %while3A_647, %unpack3A_676 : vector<16xf32>
        %add3A_681 = arith.addf %while3A_648, %unpack3A_677 : vector<16xf32>
        %get3A_682 = arith.constant 1 : i32
        %get3A_683 = arith.index_cast %select_n3A_57 : i32 to index
        %get3A_684 = arith.index_cast %while3A_644 : i32 to index
        %get3A_685 = arith.index_cast %get3A_682 : i32 to index
        %get3A_686 = arith.constant 0 : index
        %get3A_687 = tpu.vector_load %arg8[%get3A_683, %get3A_684, %get3A_685, %get3A_686] {strides = array<i32>} : memref<2x13x16x128xbf16, #tpu.memory_space<vmem>>, vector<32xbf16>,
        %get3A_688 = arith.constant 1 : i32
        %get3A_689 = arith.index_cast %select_n3A_57 : i32 to index
        %get3A_690 = arith.index_cast %while3A_644 : i32 to index
        %get3A_691 = arith.index_cast %get3A_688 : i32 to index
        %get3A_692 = arith.constant 32 : index
        %get3A_693 = tpu.vector_load %arg8[%get3A_689, %get3A_690, %get3A_691, %get3A_692] {strides = array<i32>} : memref<2x13x16x128xbf16, #tpu.memory_space<vmem>>, vector<32xbf16>,
        %unpack3A_694 = tpu.unpack_subelements %get3A_687, 0 {pack_format = #tpu.pack_format<interleaved>} : vector<32xbf16> -> vector<16xf32>
        %unpack3A_695 = tpu.unpack_subelements %get3A_687, 1 {pack_format = #tpu.pack_format<interleaved>} : vector<32xbf16> -> vector<16xf32>
        %unpack3A_696 = tpu.unpack_subelements %get3A_693, 0 {pack_format = #tpu.pack_format<interleaved>} : vector<32xbf16> -> vector<16xf32>
        %unpack3A_697 = tpu.unpack_subelements %get3A_693, 1 {pack_format = #tpu.pack_format<interleaved>} : vector<32xbf16> -> vector<16xf32>
        %add3A_698 = arith.addf %add3A_678, %unpack3A_694 : vector<16xf32>
        %add3A_699 = arith.addf %add3A_679, %unpack3A_695 : vector<16xf32>
        %add3A_700 = arith.addf %add3A_680, %unpack3A_696 : vector<16xf32>
        %add3A_701 = arith.addf %add3A_681, %unpack3A_697 : vector<16xf32>
        %get3A_702 = arith.constant 2 : i32
        %get3A_703 = arith.index_cast %select_n3A_57 : i32 to index
        %get3A_704 = arith.index_cast %while3A_644 : i32 to index
        %get3A_705 = arith.index_cast %get3A_702 : i32 to index
        %get3A_706 = arith.constant 0 : index
        %get3A_707 = tpu.vector_load %arg8[%get3A_703, %get3A_704, %get3A_705, %get3A_706] {strides = array<i32>} : memref<2x13x16x128xbf16, #tpu.memory_space<vmem>>, vector<32xbf16>,
        %get3A_708 = arith.constant 2 : i32
        %get3A_709 = arith.index_cast %select_n3A_57 : i32 to index
        %get3A_710 = arith.index_cast %while3A_644 : i32 to index
        %get3A_711 = arith.index_cast %get3A_708 : i32 to index
        %get3A_712 = arith.constant 32 : index
        %get3A_713 = tpu.vector_load %arg8[%get3A_709, %get3A_710, %get3A_711, %get3A_712] {strides = array<i32>} : memref<2x13x16x128xbf16, #tpu.memory_space<vmem>>, vector<32xbf16>,
        %unpack3A_714 = tpu.unpack_subelements %get3A_707, 0 {pack_format = #tpu.pack_format<interleaved>} : vector<32xbf16> -> vector<16xf32>
        %unpack3A_715 = tpu.unpack_subelements %get3A_707, 1 {pack_format = #tpu.pack_format<interleaved>} : vector<32xbf16> -> vector<16xf32>
        %unpack3A_716 = tpu.unpack_subelements %get3A_713, 0 {pack_format = #tpu.pack_format<interleaved>} : vector<32xbf16> -> vector<16xf32>
        %unpack3A_717 = tpu.unpack_subelements %get3A_713, 1 {pack_format = #tpu.pack_format<interleaved>} : vector<32xbf16> -> vector<16xf32>
        %add3A_718 = arith.addf %add3A_698, %unpack3A_714 : vector<16xf32>
        %add3A_719 = arith.addf %add3A_699, %unpack3A_715 : vector<16xf32>
        %add3A_720 = arith.addf %add3A_700, %unpack3A_716 : vector<16xf32>
        %add3A_721 = arith.addf %add3A_701, %unpack3A_717 : vector<16xf32>
        %get3A_722 = arith.constant 3 : i32
        %get3A_723 = arith.index_cast %select_n3A_57 : i32 to index
        %get3A_724 = arith.index_cast %while3A_644 : i32 to index
        %get3A_725 = arith.index_cast %get3A_722 : i32 to index
        %get3A_726 = arith.constant 0 : index
        %get3A_727 = tpu.vector_load %arg8[%get3A_723, %get3A_724, %get3A_725, %get3A_726] {strides = array<i32>} : memref<2x13x16x128xbf16, #tpu.memory_space<vmem>>, vector<32xbf16>,
        %get3A_728 = arith.constant 3 : i32
        %get3A_729 = arith.index_cast %select_n3A_57 : i32 to index
        %get3A_730 = arith.index_cast %while3A_644 : i32 to index
        %get3A_731 = arith.index_cast %get3A_728 : i32 to index
        %get3A_732 = arith.constant 32 : index
        %get3A_733 = tpu.vector_load %arg8[%get3A_729, %get3A_730, %get3A_731, %get3A_732] {strides = array<i32>} : memref<2x13x16x128xbf16, #tpu.memory_space<vmem>>, vector<32xbf16>,
        %unpack3A_734 = tpu.unpack_subelements %get3A_727, 0 {pack_format = #tpu.pack_format<interleaved>} : vector<32xbf16> -> vector<16xf32>
        %unpack3A_735 = tpu.unpack_subelements %get3A_727, 1 {pack_format = #tpu.pack_format<interleaved>} : vector<32xbf16> -> vector<16xf32>
        %unpack3A_736 = tpu.unpack_subelements %get3A_733, 0 {pack_format = #tpu.pack_format<interleaved>} : vector<32xbf16> -> vector<16xf32>
        %unpack3A_737 = tpu.unpack_subelements %get3A_733, 1 {pack_format = #tpu.pack_format<interleaved>} : vector<32xbf16> -> vector<16xf32>
        %add3A_738 = arith.addf %add3A_718, %unpack3A_734 : vector<16xf32>
        %add3A_739 = arith.addf %add3A_719, %unpack3A_735 : vector<16xf32>
        %add3A_740 = arith.addf %add3A_720, %unpack3A_736 : vector<16xf32>
        %add3A_741 = arith.addf %add3A_721, %unpack3A_737 : vector<16xf32>
        %get3A_742 = arith.constant 4 : i32
        %get3A_743 = arith.index_cast %select_n3A_57 : i32 to index
        %get3A_744 = arith.index_cast %while3A_644 : i32 to index
        %get3A_745 = arith.index_cast %get3A_742 : i32 to index
        %get3A_746 = arith.constant 0 : index
        %get3A_747 = tpu.vector_load %arg8[%get3A_743, %get3A_744, %get3A_745, %get3A_746] {strides = array<i32>} : memref<2x13x16x128xbf16, #tpu.memory_space<vmem>>, vector<32xbf16>,
        %get3A_748 = arith.constant 4 : i32
        %get3A_749 = arith.index_cast %select_n3A_57 : i32 to index
        %get3A_750 = arith.index_cast %while3A_644 : i32 to index
        %get3A_751 = arith.index_cast %get3A_748 : i32 to index
        %get3A_752 = arith.constant 32 : index
        %get3A_753 = tpu.vector_load %arg8[%get3A_749, %get3A_750, %get3A_751, %get3A_752] {strides = array<i32>} : memref<2x13x16x128xbf16, #tpu.memory_space<vmem>>, vector<32xbf16>,
        %unpack3A_754 = tpu.unpack_subelements %get3A_747, 0 {pack_format = #tpu.pack_format<interleaved>} : vector<32xbf16> -> vector<16xf32>
        %unpack3A_755 = tpu.unpack_subelements %get3A_747, 1 {pack_format = #tpu.pack_format<interleaved>} : vector<32xbf16> -> vector<16xf32>
        %unpack3A_756 = tpu.unpack_subelements %get3A_753, 0 {pack_format = #tpu.pack_format<interleaved>} : vector<32xbf16> -> vector<16xf32>
        %unpack3A_757 = tpu.unpack_subelements %get3A_753, 1 {pack_format = #tpu.pack_format<interleaved>} : vector<32xbf16> -> vector<16xf32>
        %add3A_758 = arith.addf %add3A_738, %unpack3A_754 : vector<16xf32>
        %add3A_759 = arith.addf %add3A_739, %unpack3A_755 : vector<16xf32>
        %add3A_760 = arith.addf %add3A_740, %unpack3A_756 : vector<16xf32>
        %add3A_761 = arith.addf %add3A_741, %unpack3A_757 : vector<16xf32>
        %get3A_762 = arith.constant 5 : i32
        %get3A_763 = arith.index_cast %select_n3A_57 : i32 to index
        %get3A_764 = arith.index_cast %while3A_644 : i32 to index
        %get3A_765 = arith.index_cast %get3A_762 : i32 to index
        %get3A_766 = arith.constant 0 : index
        %get3A_767 = tpu.vector_load %arg8[%get3A_763, %get3A_764, %get3A_765, %get3A_766] {strides = array<i32>} : memref<2x13x16x128xbf16, #tpu.memory_space<vmem>>, vector<32xbf16>,
        %get3A_768 = arith.constant 5 : i32
        %get3A_769 = arith.index_cast %select_n3A_57 : i32 to index
        %get3A_770 = arith.index_cast %while3A_644 : i32 to index
        %get3A_771 = arith.index_cast %get3A_768 : i32 to index
        %get3A_772 = arith.constant 32 : index
        %get3A_773 = tpu.vector_load %arg8[%get3A_769, %get3A_770, %get3A_771, %get3A_772] {strides = array<i32>} : memref<2x13x16x128xbf16, #tpu.memory_space<vmem>>, vector<32xbf16>,
        %unpack3A_774 = tpu.unpack_subelements %get3A_767, 0 {pack_format = #tpu.pack_format<interleaved>} : vector<32xbf16> -> vector<16xf32>
        %unpack3A_775 = tpu.unpack_subelements %get3A_767, 1 {pack_format = #tpu.pack_format<interleaved>} : vector<32xbf16> -> vector<16xf32>
        %unpack3A_776 = tpu.unpack_subelements %get3A_773, 0 {pack_format = #tpu.pack_format<interleaved>} : vector<32xbf16> -> vector<16xf32>
        %unpack3A_777 = tpu.unpack_subelements %get3A_773, 1 {pack_format = #tpu.pack_format<interleaved>} : vector<32xbf16> -> vector<16xf32>
        %add3A_778 = arith.addf %add3A_758, %unpack3A_774 : vector<16xf32>
        %add3A_779 = arith.addf %add3A_759, %unpack3A_775 : vector<16xf32>
        %add3A_780 = arith.addf %add3A_760, %unpack3A_776 : vector<16xf32>
        %add3A_781 = arith.addf %add3A_761, %unpack3A_777 : vector<16xf32>
        %get3A_782 = arith.constant 6 : i32
        %get3A_783 = arith.index_cast %select_n3A_57 : i32 to index
        %get3A_784 = arith.index_cast %while3A_644 : i32 to index
        %get3A_785 = arith.index_cast %get3A_782 : i32 to index
        %get3A_786 = arith.constant 0 : index
        %get3A_787 = tpu.vector_load %arg8[%get3A_783, %get3A_784, %get3A_785, %get3A_786] {strides = array<i32>} : memref<2x13x16x128xbf16, #tpu.memory_space<vmem>>, vector<32xbf16>,
        %get3A_788 = arith.constant 6 : i32
        %get3A_789 = arith.index_cast %select_n3A_57 : i32 to index
        %get3A_790 = arith.index_cast %while3A_644 : i32 to index
        %get3A_791 = arith.index_cast %get3A_788 : i32 to index
        %get3A_792 = arith.constant 32 : index
        %get3A_793 = tpu.vector_load %arg8[%get3A_789, %get3A_790, %get3A_791, %get3A_792] {strides = array<i32>} : memref<2x13x16x128xbf16, #tpu.memory_space<vmem>>, vector<32xbf16>,
        %unpack3A_794 = tpu.unpack_subelements %get3A_787, 0 {pack_format = #tpu.pack_format<interleaved>} : vector<32xbf16> -> vector<16xf32>
        %unpack3A_795 = tpu.unpack_subelements %get3A_787, 1 {pack_format = #tpu.pack_format<interleaved>} : vector<32xbf16> -> vector<16xf32>
        %unpack3A_796 = tpu.unpack_subelements %get3A_793, 0 {pack_format = #tpu.pack_format<interleaved>} : vector<32xbf16> -> vector<16xf32>
        %unpack3A_797 = tpu.unpack_subelements %get3A_793, 1 {pack_format = #tpu.pack_format<interleaved>} : vector<32xbf16> -> vector<16xf32>
        %add3A_798 = arith.addf %add3A_778, %unpack3A_794 : vector<16xf32>
        %add3A_799 = arith.addf %add3A_779, %unpack3A_795 : vector<16xf32>
        %add3A_800 = arith.addf %add3A_780, %unpack3A_796 : vector<16xf32>
        %add3A_801 = arith.addf %add3A_781, %unpack3A_797 : vector<16xf32>
        %get3A_802 = arith.constant 7 : i32
        %get3A_803 = arith.index_cast %select_n3A_57 : i32 to index
        %get3A_804 = arith.index_cast %while3A_644 : i32 to index
        %get3A_805 = arith.index_cast %get3A_802 : i32 to index
        %get3A_806 = arith.constant 0 : index
        %get3A_807 = tpu.vector_load %arg8[%get3A_803, %get3A_804, %get3A_805, %get3A_806] {strides = array<i32>} : memref<2x13x16x128xbf16, #tpu.memory_space<vmem>>, vector<32xbf16>,
        %get3A_808 = arith.constant 7 : i32
        %get3A_809 = arith.index_cast %select_n3A_57 : i32 to index
        %get3A_810 = arith.index_cast %while3A_644 : i32 to index
        %get3A_811 = arith.index_cast %get3A_808 : i32 to index
        %get3A_812 = arith.constant 32 : index
        %get3A_813 = tpu.vector_load %arg8[%get3A_809, %get3A_810, %get3A_811, %get3A_812] {strides = array<i32>} : memref<2x13x16x128xbf16, #tpu.memory_space<vmem>>, vector<32xbf16>,
        %unpack3A_814 = tpu.unpack_subelements %get3A_807, 0 {pack_format = #tpu.pack_format<interleaved>} : vector<32xbf16> -> vector<16xf32>
        %unpack3A_815 = tpu.unpack_subelements %get3A_807, 1 {pack_format = #tpu.pack_format<interleaved>} : vector<32xbf16> -> vector<16xf32>
        %unpack3A_816 = tpu.unpack_subelements %get3A_813, 0 {pack_format = #tpu.pack_format<interleaved>} : vector<32xbf16> -> vector<16xf32>
        %unpack3A_817 = tpu.unpack_subelements %get3A_813, 1 {pack_format = #tpu.pack_format<interleaved>} : vector<32xbf16> -> vector<16xf32>
        %add3A_818 = arith.addf %add3A_798, %unpack3A_814 : vector<16xf32>
        %add3A_819 = arith.addf %add3A_799, %unpack3A_815 : vector<16xf32>
        %add3A_820 = arith.addf %add3A_800, %unpack3A_816 : vector<16xf32>
        %add3A_821 = arith.addf %add3A_801, %unpack3A_817 : vector<16xf32>
        %get3A_822 = arith.constant 8 : i32
        %get3A_823 = arith.index_cast %select_n3A_57 : i32 to index
        %get3A_824 = arith.index_cast %while3A_644 : i32 to index
        %get3A_825 = arith.index_cast %get3A_822 : i32 to index
        %get3A_826 = arith.constant 0 : index
        %get3A_827 = tpu.vector_load %arg8[%get3A_823, %get3A_824, %get3A_825, %get3A_826] {strides = array<i32>} : memref<2x13x16x128xbf16, #tpu.memory_space<vmem>>, vector<32xbf16>,
        %get3A_828 = arith.constant 8 : i32
        %get3A_829 = arith.index_cast %select_n3A_57 : i32 to index
        %get3A_830 = arith.index_cast %while3A_644 : i32 to index
        %get3A_831 = arith.index_cast %get3A_828 : i32 to index
        %get3A_832 = arith.constant 32 : index
        %get3A_833 = tpu.vector_load %arg8[%get3A_829, %get3A_830, %get3A_831, %get3A_832] {strides = array<i32>} : memref<2x13x16x128xbf16, #tpu.memory_space<vmem>>, vector<32xbf16>,
        %unpack3A_834 = tpu.unpack_subelements %get3A_827, 0 {pack_format = #tpu.pack_format<interleaved>} : vector<32xbf16> -> vector<16xf32>
        %unpack3A_835 = tpu.unpack_subelements %get3A_827, 1 {pack_format = #tpu.pack_format<interleaved>} : vector<32xbf16> -> vector<16xf32>
        %unpack3A_836 = tpu.unpack_subelements %get3A_833, 0 {pack_format = #tpu.pack_format<interleaved>} : vector<32xbf16> -> vector<16xf32>
        %unpack3A_837 = tpu.unpack_subelements %get3A_833, 1 {pack_format = #tpu.pack_format<interleaved>} : vector<32xbf16> -> vector<16xf32>
        %add3A_838 = arith.addf %add3A_818, %unpack3A_834 : vector<16xf32>
        %add3A_839 = arith.addf %add3A_819, %unpack3A_835 : vector<16xf32>
        %add3A_840 = arith.addf %add3A_820, %unpack3A_836 : vector<16xf32>
        %add3A_841 = arith.addf %add3A_821, %unpack3A_837 : vector<16xf32>
        %get3A_842 = arith.constant 9 : i32
        %get3A_843 = arith.index_cast %select_n3A_57 : i32 to index
        %get3A_844 = arith.index_cast %while3A_644 : i32 to index
        %get3A_845 = arith.index_cast %get3A_842 : i32 to index
        %get3A_846 = arith.constant 0 : index
        %get3A_847 = tpu.vector_load %arg8[%get3A_843, %get3A_844, %get3A_845, %get3A_846] {strides = array<i32>} : memref<2x13x16x128xbf16, #tpu.memory_space<vmem>>, vector<32xbf16>,
        %get3A_848 = arith.constant 9 : i32
        %get3A_849 = arith.index_cast %select_n3A_57 : i32 to index
        %get3A_850 = arith.index_cast %while3A_644 : i32 to index
        %get3A_851 = arith.index_cast %get3A_848 : i32 to index
        %get3A_852 = arith.constant 32 : index
        %get3A_853 = tpu.vector_load %arg8[%get3A_849, %get3A_850, %get3A_851, %get3A_852] {strides = array<i32>} : memref<2x13x16x128xbf16, #tpu.memory_space<vmem>>, vector<32xbf16>,
        %unpack3A_854 = tpu.unpack_subelements %get3A_847, 0 {pack_format = #tpu.pack_format<interleaved>} : vector<32xbf16> -> vector<16xf32>
        %unpack3A_855 = tpu.unpack_subelements %get3A_847, 1 {pack_format = #tpu.pack_format<interleaved>} : vector<32xbf16> -> vector<16xf32>
        %unpack3A_856 = tpu.unpack_subelements %get3A_853, 0 {pack_format = #tpu.pack_format<interleaved>} : vector<32xbf16> -> vector<16xf32>
        %unpack3A_857 = tpu.unpack_subelements %get3A_853, 1 {pack_format = #tpu.pack_format<interleaved>} : vector<32xbf16> -> vector<16xf32>
        %add3A_858 = arith.addf %add3A_838, %unpack3A_854 : vector<16xf32>
        %add3A_859 = arith.addf %add3A_839, %unpack3A_855 : vector<16xf32>
        %add3A_860 = arith.addf %add3A_840, %unpack3A_856 : vector<16xf32>
        %add3A_861 = arith.addf %add3A_841, %unpack3A_857 : vector<16xf32>
        %get3A_862 = arith.constant 10 : i32
        %get3A_863 = arith.index_cast %select_n3A_57 : i32 to index
        %get3A_864 = arith.index_cast %while3A_644 : i32 to index
        %get3A_865 = arith.index_cast %get3A_862 : i32 to index
        %get3A_866 = arith.constant 0 : index
        %get3A_867 = tpu.vector_load %arg8[%get3A_863, %get3A_864, %get3A_865, %get3A_866] {strides = array<i32>} : memref<2x13x16x128xbf16, #tpu.memory_space<vmem>>, vector<32xbf16>,
        %get3A_868 = arith.constant 10 : i32
        %get3A_869 = arith.index_cast %select_n3A_57 : i32 to index
        %get3A_870 = arith.index_cast %while3A_644 : i32 to index
        %get3A_871 = arith.index_cast %get3A_868 : i32 to index
        %get3A_872 = arith.constant 32 : index
        %get3A_873 = tpu.vector_load %arg8[%get3A_869, %get3A_870, %get3A_871, %get3A_872] {strides = array<i32>} : memref<2x13x16x128xbf16, #tpu.memory_space<vmem>>, vector<32xbf16>,
        %unpack3A_874 = tpu.unpack_subelements %get3A_867, 0 {pack_format = #tpu.pack_format<interleaved>} : vector<32xbf16> -> vector<16xf32>
        %unpack3A_875 = tpu.unpack_subelements %get3A_867, 1 {pack_format = #tpu.pack_format<interleaved>} : vector<32xbf16> -> vector<16xf32>
        %unpack3A_876 = tpu.unpack_subelements %get3A_873, 0 {pack_format = #tpu.pack_format<interleaved>} : vector<32xbf16> -> vector<16xf32>
        %unpack3A_877 = tpu.unpack_subelements %get3A_873, 1 {pack_format = #tpu.pack_format<interleaved>} : vector<32xbf16> -> vector<16xf32>
        %add3A_878 = arith.addf %add3A_858, %unpack3A_874 : vector<16xf32>
        %add3A_879 = arith.addf %add3A_859, %unpack3A_875 : vector<16xf32>
        %add3A_880 = arith.addf %add3A_860, %unpack3A_876 : vector<16xf32>
        %add3A_881 = arith.addf %add3A_861, %unpack3A_877 : vector<16xf32>
        %get3A_882 = arith.constant 11 : i32
        %get3A_883 = arith.index_cast %select_n3A_57 : i32 to index
        %get3A_884 = arith.index_cast %while3A_644 : i32 to index
        %get3A_885 = arith.index_cast %get3A_882 : i32 to index
        %get3A_886 = arith.constant 0 : index
        %get3A_887 = tpu.vector_load %arg8[%get3A_883, %get3A_884, %get3A_885, %get3A_886] {strides = array<i32>} : memref<2x13x16x128xbf16, #tpu.memory_space<vmem>>, vector<32xbf16>,
        %get3A_888 = arith.constant 11 : i32
        %get3A_889 = arith.index_cast %select_n3A_57 : i32 to index
        %get3A_890 = arith.index_cast %while3A_644 : i32 to index
        %get3A_891 = arith.index_cast %get3A_888 : i32 to index
        %get3A_892 = arith.constant 32 : index
        %get3A_893 = tpu.vector_load %arg8[%get3A_889, %get3A_890, %get3A_891, %get3A_892] {strides = array<i32>} : memref<2x13x16x128xbf16, #tpu.memory_space<vmem>>, vector<32xbf16>,
        %unpack3A_894 = tpu.unpack_subelements %get3A_887, 0 {pack_format = #tpu.pack_format<interleaved>} : vector<32xbf16> -> vector<16xf32>
        %unpack3A_895 = tpu.unpack_subelements %get3A_887, 1 {pack_format = #tpu.pack_format<interleaved>} : vector<32xbf16> -> vector<16xf32>
        %unpack3A_896 = tpu.unpack_subelements %get3A_893, 0 {pack_format = #tpu.pack_format<interleaved>} : vector<32xbf16> -> vector<16xf32>
        %unpack3A_897 = tpu.unpack_subelements %get3A_893, 1 {pack_format = #tpu.pack_format<interleaved>} : vector<32xbf16> -> vector<16xf32>
        %add3A_898 = arith.addf %add3A_878, %unpack3A_894 : vector<16xf32>
        %add3A_899 = arith.addf %add3A_879, %unpack3A_895 : vector<16xf32>
        %add3A_900 = arith.addf %add3A_880, %unpack3A_896 : vector<16xf32>
        %add3A_901 = arith.addf %add3A_881, %unpack3A_897 : vector<16xf32>
        %get3A_902 = arith.constant 12 : i32
        %get3A_903 = arith.index_cast %select_n3A_57 : i32 to index
        %get3A_904 = arith.index_cast %while3A_644 : i32 to index
        %get3A_905 = arith.index_cast %get3A_902 : i32 to index
        %get3A_906 = arith.constant 0 : index
        %get3A_907 = tpu.vector_load %arg8[%get3A_903, %get3A_904, %get3A_905, %get3A_906] {strides = array<i32>} : memref<2x13x16x128xbf16, #tpu.memory_space<vmem>>, vector<32xbf16>,
        %get3A_908 = arith.constant 12 : i32
        %get3A_909 = arith.index_cast %select_n3A_57 : i32 to index
        %get3A_910 = arith.index_cast %while3A_644 : i32 to index
        %get3A_911 = arith.index_cast %get3A_908 : i32 to index
        %get3A_912 = arith.constant 32 : index
        %get3A_913 = tpu.vector_load %arg8[%get3A_909, %get3A_910, %get3A_911, %get3A_912] {strides = array<i32>} : memref<2x13x16x128xbf16, #tpu.memory_space<vmem>>, vector<32xbf16>,
        %unpack3A_914 = tpu.unpack_subelements %get3A_907, 0 {pack_format = #tpu.pack_format<interleaved>} : vector<32xbf16> -> vector<16xf32>
        %unpack3A_915 = tpu.unpack_subelements %get3A_907, 1 {pack_format = #tpu.pack_format<interleaved>} : vector<32xbf16> -> vector<16xf32>
        %unpack3A_916 = tpu.unpack_subelements %get3A_913, 0 {pack_format = #tpu.pack_format<interleaved>} : vector<32xbf16> -> vector<16xf32>
        %unpack3A_917 = tpu.unpack_subelements %get3A_913, 1 {pack_format = #tpu.pack_format<interleaved>} : vector<32xbf16> -> vector<16xf32>
        %add3A_918 = arith.addf %add3A_898, %unpack3A_914 : vector<16xf32>
        %add3A_919 = arith.addf %add3A_899, %unpack3A_915 : vector<16xf32>
        %add3A_920 = arith.addf %add3A_900, %unpack3A_916 : vector<16xf32>
        %add3A_921 = arith.addf %add3A_901, %unpack3A_917 : vector<16xf32>
        %get3A_922 = arith.constant 13 : i32
        %get3A_923 = arith.index_cast %select_n3A_57 : i32 to index
        %get3A_924 = arith.index_cast %while3A_644 : i32 to index
        %get3A_925 = arith.index_cast %get3A_922 : i32 to index
        %get3A_926 = arith.constant 0 : index
        %get3A_927 = tpu.vector_load %arg8[%get3A_923, %get3A_924, %get3A_925, %get3A_926] {strides = array<i32>} : memref<2x13x16x128xbf16, #tpu.memory_space<vmem>>, vector<32xbf16>,
        %get3A_928 = arith.constant 13 : i32
        %get3A_929 = arith.index_cast %select_n3A_57 : i32 to index
        %get3A_930 = arith.index_cast %while3A_644 : i32 to index
        %get3A_931 = arith.index_cast %get3A_928 : i32 to index
        %get3A_932 = arith.constant 32 : index
        %get3A_933 = tpu.vector_load %arg8[%get3A_929, %get3A_930, %get3A_931, %get3A_932] {strides = array<i32>} : memref<2x13x16x128xbf16, #tpu.memory_space<vmem>>, vector<32xbf16>,
        %unpack3A_934 = tpu.unpack_subelements %get3A_927, 0 {pack_format = #tpu.pack_format<interleaved>} : vector<32xbf16> -> vector<16xf32>
        %unpack3A_935 = tpu.unpack_subelements %get3A_927, 1 {pack_format = #tpu.pack_format<interleaved>} : vector<32xbf16> -> vector<16xf32>
        %unpack3A_936 = tpu.unpack_subelements %get3A_933, 0 {pack_format = #tpu.pack_format<interleaved>} : vector<32xbf16> -> vector<16xf32>
        %unpack3A_937 = tpu.unpack_subelements %get3A_933, 1 {pack_format = #tpu.pack_format<interleaved>} : vector<32xbf16> -> vector<16xf32>
        %add3A_938 = arith.addf %add3A_918, %unpack3A_934 : vector<16xf32>
        %add3A_939 = arith.addf %add3A_919, %unpack3A_935 : vector<16xf32>
        %add3A_940 = arith.addf %add3A_920, %unpack3A_936 : vector<16xf32>
        %add3A_941 = arith.addf %add3A_921, %unpack3A_937 : vector<16xf32>
        %get3A_942 = arith.constant 14 : i32
        %get3A_943 = arith.index_cast %select_n3A_57 : i32 to index
        %get3A_944 = arith.index_cast %while3A_644 : i32 to index
        %get3A_945 = arith.index_cast %get3A_942 : i32 to index
        %get3A_946 = arith.constant 0 : index
        %get3A_947 = tpu.vector_load %arg8[%get3A_943, %get3A_944, %get3A_945, %get3A_946] {strides = array<i32>} : memref<2x13x16x128xbf16, #tpu.memory_space<vmem>>, vector<32xbf16>,
        %get3A_948 = arith.constant 14 : i32
        %get3A_949 = arith.index_cast %select_n3A_57 : i32 to index
        %get3A_950 = arith.index_cast %while3A_644 : i32 to index
        %get3A_951 = arith.index_cast %get3A_948 : i32 to index
        %get3A_952 = arith.constant 32 : index
        %get3A_953 = tpu.vector_load %arg8[%get3A_949, %get3A_950, %get3A_951, %get3A_952] {strides = array<i32>} : memref<2x13x16x128xbf16, #tpu.memory_space<vmem>>, vector<32xbf16>,
        %unpack3A_954 = tpu.unpack_subelements %get3A_947, 0 {pack_format = #tpu.pack_format<interleaved>} : vector<32xbf16> -> vector<16xf32>
        %unpack3A_955 = tpu.unpack_subelements %get3A_947, 1 {pack_format = #tpu.pack_format<interleaved>} : vector<32xbf16> -> vector<16xf32>
        %unpack3A_956 = tpu.unpack_subelements %get3A_953, 0 {pack_format = #tpu.pack_format<interleaved>} : vector<32xbf16> -> vector<16xf32>
        %unpack3A_957 = tpu.unpack_subelements %get3A_953, 1 {pack_format = #tpu.pack_format<interleaved>} : vector<32xbf16> -> vector<16xf32>
        %add3A_958 = arith.addf %add3A_938, %unpack3A_954 : vector<16xf32>
        %add3A_959 = arith.addf %add3A_939, %unpack3A_955 : vector<16xf32>
        %add3A_960 = arith.addf %add3A_940, %unpack3A_956 : vector<16xf32>
        %add3A_961 = arith.addf %add3A_941, %unpack3A_957 : vector<16xf32>
        %get3A_962 = arith.constant 15 : i32
        %get3A_963 = arith.index_cast %select_n3A_57 : i32 to index
        %get3A_964 = arith.index_cast %while3A_644 : i32 to index
        %get3A_965 = arith.index_cast %get3A_962 : i32 to index
        %get3A_966 = arith.constant 0 : index
        %get3A_967 = tpu.vector_load %arg8[%get3A_963, %get3A_964, %get3A_965, %get3A_966] {strides = array<i32>} : memref<2x13x16x128xbf16, #tpu.memory_space<vmem>>, vector<32xbf16>,
        %get3A_968 = arith.constant 15 : i32
        %get3A_969 = arith.index_cast %select_n3A_57 : i32 to index
        %get3A_970 = arith.index_cast %while3A_644 : i32 to index
        %get3A_971 = arith.index_cast %get3A_968 : i32 to index
        %get3A_972 = arith.constant 32 : index
        %get3A_973 = tpu.vector_load %arg8[%get3A_969, %get3A_970, %get3A_971, %get3A_972] {strides = array<i32>} : memref<2x13x16x128xbf16, #tpu.memory_space<vmem>>, vector<32xbf16>,
        %unpack3A_974 = tpu.unpack_subelements %get3A_967, 0 {pack_format = #tpu.pack_format<interleaved>} : vector<32xbf16> -> vector<16xf32>
        %unpack3A_975 = tpu.unpack_subelements %get3A_967, 1 {pack_format = #tpu.pack_format<interleaved>} : vector<32xbf16> -> vector<16xf32>
        %unpack3A_976 = tpu.unpack_subelements %get3A_973, 0 {pack_format = #tpu.pack_format<interleaved>} : vector<32xbf16> -> vector<16xf32>
        %unpack3A_977 = tpu.unpack_subelements %get3A_973, 1 {pack_format = #tpu.pack_format<interleaved>} : vector<32xbf16> -> vector<16xf32>
        %add3A_978 = arith.addf %add3A_958, %unpack3A_974 : vector<16xf32>
        %add3A_979 = arith.addf %add3A_959, %unpack3A_975 : vector<16xf32>
        %add3A_980 = arith.addf %add3A_960, %unpack3A_976 : vector<16xf32>
        %add3A_981 = arith.addf %add3A_961, %unpack3A_977 : vector<16xf32>
        scf.yield %add3A_978, %add3A_979, %add3A_980, %add3A_981 : vector<16xf32>, vector<16xf32>, vector<16xf32>, vector<16xf32>
      }
      %while3A_96 = arith.constant 1 : i32
      %while3A_97:4 = scf.for %while3A_644 = %while3A_93 to %while3A_89 step %while3A_96 iter_args(%while3A_645 = %while3A_95#0, %while3A_646 = %while3A_95#1, %while3A_647 = %while3A_95#2, %while3A_648 = %while3A_95#3) -> (vector<16xf32>, vector<16xf32>, vector<16xf32>, vector<16xf32>)  : i32 {
        %mul3A_649 = arith.constant 16 : i32
        %mul3A_650 = arith.muli %while3A_644, %mul3A_649 : i32
        %min3A_651 = arith.constant 184 : i32
        %min3A_652 = arith.minsi %mul3A_650, %min3A_651 : i32
        %dma_wait3A_653 = arith.constant 0 : i32
        %dma_wait3A_654 = arith.constant 0 : i32
        %dma_wait3A_655 = tpu.memref_slice %arg8[%select_n3A_57, %while3A_644, %dma_wait3A_653, %dma_wait3A_654] : memref<2x13x16x128xbf16, #tpu.memory_space<vmem>> -> memref<1x1x16x128xbf16, #tpu.memory_space<vmem>>
        %dma_wait3A_656 = tpu.memref_squeeze %dma_wait3A_655 : memref<1x1x16x128xbf16, #tpu.memory_space<vmem>> -> memref<16x128xbf16, #tpu.memory_space<vmem>>
        %dma_wait3A_657 = tpu.memref_slice %arg6[%scan3A_36, %min3A_652] : memref<128x200xi32, #tpu.memory_space<vmem>> -> memref<1x16xi32, #tpu.memory_space<vmem>>
        %dma_wait3A_658 = tpu.memref_squeeze %dma_wait3A_657 : memref<1x16xi32, #tpu.memory_space<vmem>> -> memref<16xi32, #tpu.memory_space<vmem>>
        %dma_wait3A_659 = arith.constant 0 : i32
        %dma_wait3A_660 = arith.constant 0 : i32
        %dma_wait3A_661 = tpu.memref_slice %arg4[%dma_wait3A_659, %dma_wait3A_660] : memref<1000000x128xbf16, #tpu.memory_space<hbm>> -> memref<1000000x128xbf16, #tpu.memory_space<hbm>>
        tpu.wait_indirect_dma semaphore(%arg10 : memref<!tpu.dma_semaphore, #tpu.memory_space<semaphore_mem>>) src(%dma_wait3A_661 : memref<1000000x128xbf16, #tpu.memory_space<hbm>>) dst(%dma_wait3A_656 : memref<16x128xbf16, #tpu.memory_space<vmem>>)
        %get3A_662 = arith.constant 0 : i32
        %get3A_663 = arith.index_cast %select_n3A_57 : i32 to index
        %get3A_664 = arith.index_cast %while3A_644 : i32 to index
        %get3A_665 = arith.index_cast %get3A_662 : i32 to index
        %get3A_666 = arith.constant 0 : index
        %get3A_667 = tpu.vector_load %arg8[%get3A_663, %get3A_664, %get3A_665, %get3A_666] {strides = array<i32>} : memref<2x13x16x128xbf16, #tpu.memory_space<vmem>>, vector<32xbf16>,
        %get3A_668 = arith.constant 0 : i32
        %get3A_669 = arith.index_cast %select_n3A_57 : i32 to index
        %get3A_670 = arith.index_cast %while3A_644 : i32 to index
        %get3A_671 = arith.index_cast %get3A_668 : i32 to index
        %get3A_672 = arith.constant 32 : index
        %get3A_673 = tpu.vector_load %arg8[%get3A_669, %get3A_670, %get3A_671, %get3A_672] {strides = array<i32>} : memref<2x13x16x128xbf16, #tpu.memory_space<vmem>>, vector<32xbf16>,
        %unpack3A_674 = tpu.unpack_subelements %get3A_667, 0 {pack_format = #tpu.pack_format<interleaved>} : vector<32xbf16> -> vector<16xf32>
        %unpack3A_675 = tpu.unpack_subelements %get3A_667, 1 {pack_format = #tpu.pack_format<interleaved>} : vector<32xbf16> -> vector<16xf32>
        %unpack3A_676 = tpu.unpack_subelements %get3A_673, 0 {pack_format = #tpu.pack_format<interleaved>} : vector<32xbf16> -> vector<16xf32>
        %unpack3A_677 = tpu.unpack_subelements %get3A_673, 1 {pack_format = #tpu.pack_format<interleaved>} : vector<32xbf16> -> vector<16xf32>
        %add3A_678 = arith.addf %while3A_645, %unpack3A_674 : vector<16xf32>
        %add3A_679 = arith.addf %while3A_646, %unpack3A_675 : vector<16xf32>
        %add3A_680 = arith.addf %while3A_647, %unpack3A_676 : vector<16xf32>
        %add3A_681 = arith.addf %while3A_648, %unpack3A_677 : vector<16xf32>
        %get3A_682 = arith.constant 1 : i32
        %get3A_683 = arith.index_cast %select_n3A_57 : i32 to index
        %get3A_684 = arith.index_cast %while3A_644 : i32 to index
        %get3A_685 = arith.index_cast %get3A_682 : i32 to index
        %get3A_686 = arith.constant 0 : index
        %get3A_687 = tpu.vector_load %arg8[%get3A_683, %get3A_684, %get3A_685, %get3A_686] {strides = array<i32>} : memref<2x13x16x128xbf16, #tpu.memory_space<vmem>>, vector<32xbf16>,
        %get3A_688 = arith.constant 1 : i32
        %get3A_689 = arith.index_cast %select_n3A_57 : i32 to index
        %get3A_690 = arith.index_cast %while3A_644 : i32 to index
        %get3A_691 = arith.index_cast %get3A_688 : i32 to index
        %get3A_692 = arith.constant 32 : index
        %get3A_693 = tpu.vector_load %arg8[%get3A_689, %get3A_690, %get3A_691, %get3A_692] {strides = array<i32>} : memref<2x13x16x128xbf16, #tpu.memory_space<vmem>>, vector<32xbf16>,
        %unpack3A_694 = tpu.unpack_subelements %get3A_687, 0 {pack_format = #tpu.pack_format<interleaved>} : vector<32xbf16> -> vector<16xf32>
        %unpack3A_695 = tpu.unpack_subelements %get3A_687, 1 {pack_format = #tpu.pack_format<interleaved>} : vector<32xbf16> -> vector<16xf32>
        %unpack3A_696 = tpu.unpack_subelements %get3A_693, 0 {pack_format = #tpu.pack_format<interleaved>} : vector<32xbf16> -> vector<16xf32>
        %unpack3A_697 = tpu.unpack_subelements %get3A_693, 1 {pack_format = #tpu.pack_format<interleaved>} : vector<32xbf16> -> vector<16xf32>
        %add3A_698 = arith.addf %add3A_678, %unpack3A_694 : vector<16xf32>
        %add3A_699 = arith.addf %add3A_679, %unpack3A_695 : vector<16xf32>
        %add3A_700 = arith.addf %add3A_680, %unpack3A_696 : vector<16xf32>
        %add3A_701 = arith.addf %add3A_681, %unpack3A_697 : vector<16xf32>
        %get3A_702 = arith.constant 2 : i32
        %get3A_703 = arith.index_cast %select_n3A_57 : i32 to index
        %get3A_704 = arith.index_cast %while3A_644 : i32 to index
        %get3A_705 = arith.index_cast %get3A_702 : i32 to index
        %get3A_706 = arith.constant 0 : index
        %get3A_707 = tpu.vector_load %arg8[%get3A_703, %get3A_704, %get3A_705, %get3A_706] {strides = array<i32>} : memref<2x13x16x128xbf16, #tpu.memory_space<vmem>>, vector<32xbf16>,
        %get3A_708 = arith.constant 2 : i32
        %get3A_709 = arith.index_cast %select_n3A_57 : i32 to index
        %get3A_710 = arith.index_cast %while3A_644 : i32 to index
        %get3A_711 = arith.index_cast %get3A_708 : i32 to index
        %get3A_712 = arith.constant 32 : index
        %get3A_713 = tpu.vector_load %arg8[%get3A_709, %get3A_710, %get3A_711, %get3A_712] {strides = array<i32>} : memref<2x13x16x128xbf16, #tpu.memory_space<vmem>>, vector<32xbf16>,
        %unpack3A_714 = tpu.unpack_subelements %get3A_707, 0 {pack_format = #tpu.pack_format<interleaved>} : vector<32xbf16> -> vector<16xf32>
        %unpack3A_715 = tpu.unpack_subelements %get3A_707, 1 {pack_format = #tpu.pack_format<interleaved>} : vector<32xbf16> -> vector<16xf32>
        %unpack3A_716 = tpu.unpack_subelements %get3A_713, 0 {pack_format = #tpu.pack_format<interleaved>} : vector<32xbf16> -> vector<16xf32>
        %unpack3A_717 = tpu.unpack_subelements %get3A_713, 1 {pack_format = #tpu.pack_format<interleaved>} : vector<32xbf16> -> vector<16xf32>
        %add3A_718 = arith.addf %add3A_698, %unpack3A_714 : vector<16xf32>
        %add3A_719 = arith.addf %add3A_699, %unpack3A_715 : vector<16xf32>
        %add3A_720 = arith.addf %add3A_700, %unpack3A_716 : vector<16xf32>
        %add3A_721 = arith.addf %add3A_701, %unpack3A_717 : vector<16xf32>
        %get3A_722 = arith.constant 3 : i32
        %get3A_723 = arith.index_cast %select_n3A_57 : i32 to index
        %get3A_724 = arith.index_cast %while3A_644 : i32 to index
        %get3A_725 = arith.index_cast %get3A_722 : i32 to index
        %get3A_726 = arith.constant 0 : index
        %get3A_727 = tpu.vector_load %arg8[%get3A_723, %get3A_724, %get3A_725, %get3A_726] {strides = array<i32>} : memref<2x13x16x128xbf16, #tpu.memory_space<vmem>>, vector<32xbf16>,
        %get3A_728 = arith.constant 3 : i32
        %get3A_729 = arith.index_cast %select_n3A_57 : i32 to index
        %get3A_730 = arith.index_cast %while3A_644 : i32 to index
        %get3A_731 = arith.index_cast %get3A_728 : i32 to index
        %get3A_732 = arith.constant 32 : index
        %get3A_733 = tpu.vector_load %arg8[%get3A_729, %get3A_730, %get3A_731, %get3A_732] {strides = array<i32>} : memref<2x13x16x128xbf16, #tpu.memory_space<vmem>>, vector<32xbf16>,
        %unpack3A_734 = tpu.unpack_subelements %get3A_727, 0 {pack_format = #tpu.pack_format<interleaved>} : vector<32xbf16> -> vector<16xf32>
        %unpack3A_735 = tpu.unpack_subelements %get3A_727, 1 {pack_format = #tpu.pack_format<interleaved>} : vector<32xbf16> -> vector<16xf32>
        %unpack3A_736 = tpu.unpack_subelements %get3A_733, 0 {pack_format = #tpu.pack_format<interleaved>} : vector<32xbf16> -> vector<16xf32>
        %unpack3A_737 = tpu.unpack_subelements %get3A_733, 1 {pack_format = #tpu.pack_format<interleaved>} : vector<32xbf16> -> vector<16xf32>
        %add3A_738 = arith.addf %add3A_718, %unpack3A_734 : vector<16xf32>
        %add3A_739 = arith.addf %add3A_719, %unpack3A_735 : vector<16xf32>
        %add3A_740 = arith.addf %add3A_720, %unpack3A_736 : vector<16xf32>
        %add3A_741 = arith.addf %add3A_721, %unpack3A_737 : vector<16xf32>
        %get3A_742 = arith.constant 4 : i32
        %get3A_743 = arith.index_cast %select_n3A_57 : i32 to index
        %get3A_744 = arith.index_cast %while3A_644 : i32 to index
        %get3A_745 = arith.index_cast %get3A_742 : i32 to index
        %get3A_746 = arith.constant 0 : index
        %get3A_747 = tpu.vector_load %arg8[%get3A_743, %get3A_744, %get3A_745, %get3A_746] {strides = array<i32>} : memref<2x13x16x128xbf16, #tpu.memory_space<vmem>>, vector<32xbf16>,
        %get3A_748 = arith.constant 4 : i32
        %get3A_749 = arith.index_cast %select_n3A_57 : i32 to index
        %get3A_750 = arith.index_cast %while3A_644 : i32 to index
        %get3A_751 = arith.index_cast %get3A_748 : i32 to index
        %get3A_752 = arith.constant 32 : index
        %get3A_753 = tpu.vector_load %arg8[%get3A_749, %get3A_750, %get3A_751, %get3A_752] {strides = array<i32>} : memref<2x13x16x128xbf16, #tpu.memory_space<vmem>>, vector<32xbf16>,
        %unpack3A_754 = tpu.unpack_subelements %get3A_747, 0 {pack_format = #tpu.pack_format<interleaved>} : vector<32xbf16> -> vector<16xf32>
        %unpack3A_755 = tpu.unpack_subelements %get3A_747, 1 {pack_format = #tpu.pack_format<interleaved>} : vector<32xbf16> -> vector<16xf32>
        %unpack3A_756 = tpu.unpack_subelements %get3A_753, 0 {pack_format = #tpu.pack_format<interleaved>} : vector<32xbf16> -> vector<16xf32>
        %unpack3A_757 = tpu.unpack_subelements %get3A_753, 1 {pack_format = #tpu.pack_format<interleaved>} : vector<32xbf16> -> vector<16xf32>
        %add3A_758 = arith.addf %add3A_738, %unpack3A_754 : vector<16xf32>
        %add3A_759 = arith.addf %add3A_739, %unpack3A_755 : vector<16xf32>
        %add3A_760 = arith.addf %add3A_740, %unpack3A_756 : vector<16xf32>
        %add3A_761 = arith.addf %add3A_741, %unpack3A_757 : vector<16xf32>
        %get3A_762 = arith.constant 5 : i32
        %get3A_763 = arith.index_cast %select_n3A_57 : i32 to index
        %get3A_764 = arith.index_cast %while3A_644 : i32 to index
        %get3A_765 = arith.index_cast %get3A_762 : i32 to index
        %get3A_766 = arith.constant 0 : index
        %get3A_767 = tpu.vector_load %arg8[%get3A_763, %get3A_764, %get3A_765, %get3A_766] {strides = array<i32>} : memref<2x13x16x128xbf16, #tpu.memory_space<vmem>>, vector<32xbf16>,
        %get3A_768 = arith.constant 5 : i32
        %get3A_769 = arith.index_cast %select_n3A_57 : i32 to index
        %get3A_770 = arith.index_cast %while3A_644 : i32 to index
        %get3A_771 = arith.index_cast %get3A_768 : i32 to index
        %get3A_772 = arith.constant 32 : index
        %get3A_773 = tpu.vector_load %arg8[%get3A_769, %get3A_770, %get3A_771, %get3A_772] {strides = array<i32>} : memref<2x13x16x128xbf16, #tpu.memory_space<vmem>>, vector<32xbf16>,
        %unpack3A_774 = tpu.unpack_subelements %get3A_767, 0 {pack_format = #tpu.pack_format<interleaved>} : vector<32xbf16> -> vector<16xf32>
        %unpack3A_775 = tpu.unpack_subelements %get3A_767, 1 {pack_format = #tpu.pack_format<interleaved>} : vector<32xbf16> -> vector<16xf32>
        %unpack3A_776 = tpu.unpack_subelements %get3A_773, 0 {pack_format = #tpu.pack_format<interleaved>} : vector<32xbf16> -> vector<16xf32>
        %unpack3A_777 = tpu.unpack_subelements %get3A_773, 1 {pack_format = #tpu.pack_format<interleaved>} : vector<32xbf16> -> vector<16xf32>
        %add3A_778 = arith.addf %add3A_758, %unpack3A_774 : vector<16xf32>
        %add3A_779 = arith.addf %add3A_759, %unpack3A_775 : vector<16xf32>
        %add3A_780 = arith.addf %add3A_760, %unpack3A_776 : vector<16xf32>
        %add3A_781 = arith.addf %add3A_761, %unpack3A_777 : vector<16xf32>
        %get3A_782 = arith.constant 6 : i32
        %get3A_783 = arith.index_cast %select_n3A_57 : i32 to index
        %get3A_784 = arith.index_cast %while3A_644 : i32 to index
        %get3A_785 = arith.index_cast %get3A_782 : i32 to index
        %get3A_786 = arith.constant 0 : index
        %get3A_787 = tpu.vector_load %arg8[%get3A_783, %get3A_784, %get3A_785, %get3A_786] {strides = array<i32>} : memref<2x13x16x128xbf16, #tpu.memory_space<vmem>>, vector<32xbf16>,
        %get3A_788 = arith.constant 6 : i32
        %get3A_789 = arith.index_cast %select_n3A_57 : i32 to index
        %get3A_790 = arith.index_cast %while3A_644 : i32 to index
        %get3A_791 = arith.index_cast %get3A_788 : i32 to index
        %get3A_792 = arith.constant 32 : index
        %get3A_793 = tpu.vector_load %arg8[%get3A_789, %get3A_790, %get3A_791, %get3A_792] {strides = array<i32>} : memref<2x13x16x128xbf16, #tpu.memory_space<vmem>>, vector<32xbf16>,
        %unpack3A_794 = tpu.unpack_subelements %get3A_787, 0 {pack_format = #tpu.pack_format<interleaved>} : vector<32xbf16> -> vector<16xf32>
        %unpack3A_795 = tpu.unpack_subelements %get3A_787, 1 {pack_format = #tpu.pack_format<interleaved>} : vector<32xbf16> -> vector<16xf32>
        %unpack3A_796 = tpu.unpack_subelements %get3A_793, 0 {pack_format = #tpu.pack_format<interleaved>} : vector<32xbf16> -> vector<16xf32>
        %unpack3A_797 = tpu.unpack_subelements %get3A_793, 1 {pack_format = #tpu.pack_format<interleaved>} : vector<32xbf16> -> vector<16xf32>
        %add3A_798 = arith.addf %add3A_778, %unpack3A_794 : vector<16xf32>
        %add3A_799 = arith.addf %add3A_779, %unpack3A_795 : vector<16xf32>
        %add3A_800 = arith.addf %add3A_780, %unpack3A_796 : vector<16xf32>
        %add3A_801 = arith.addf %add3A_781, %unpack3A_797 : vector<16xf32>
        %get3A_802 = arith.constant 7 : i32
        %get3A_803 = arith.index_cast %select_n3A_57 : i32 to index
        %get3A_804 = arith.index_cast %while3A_644 : i32 to index
        %get3A_805 = arith.index_cast %get3A_802 : i32 to index
        %get3A_806 = arith.constant 0 : index
        %get3A_807 = tpu.vector_load %arg8[%get3A_803, %get3A_804, %get3A_805, %get3A_806] {strides = array<i32>} : memref<2x13x16x128xbf16, #tpu.memory_space<vmem>>, vector<32xbf16>,
        %get3A_808 = arith.constant 7 : i32
        %get3A_809 = arith.index_cast %select_n3A_57 : i32 to index
        %get3A_810 = arith.index_cast %while3A_644 : i32 to index
        %get3A_811 = arith.index_cast %get3A_808 : i32 to index
        %get3A_812 = arith.constant 32 : index
        %get3A_813 = tpu.vector_load %arg8[%get3A_809, %get3A_810, %get3A_811, %get3A_812] {strides = array<i32>} : memref<2x13x16x128xbf16, #tpu.memory_space<vmem>>, vector<32xbf16>,
        %unpack3A_814 = tpu.unpack_subelements %get3A_807, 0 {pack_format = #tpu.pack_format<interleaved>} : vector<32xbf16> -> vector<16xf32>
        %unpack3A_815 = tpu.unpack_subelements %get3A_807, 1 {pack_format = #tpu.pack_format<interleaved>} : vector<32xbf16> -> vector<16xf32>
        %unpack3A_816 = tpu.unpack_subelements %get3A_813, 0 {pack_format = #tpu.pack_format<interleaved>} : vector<32xbf16> -> vector<16xf32>
        %unpack3A_817 = tpu.unpack_subelements %get3A_813, 1 {pack_format = #tpu.pack_format<interleaved>} : vector<32xbf16> -> vector<16xf32>
        %add3A_818 = arith.addf %add3A_798, %unpack3A_814 : vector<16xf32>
        %add3A_819 = arith.addf %add3A_799, %unpack3A_815 : vector<16xf32>
        %add3A_820 = arith.addf %add3A_800, %unpack3A_816 : vector<16xf32>
        %add3A_821 = arith.addf %add3A_801, %unpack3A_817 : vector<16xf32>
        %get3A_822 = arith.constant 8 : i32
        %get3A_823 = arith.index_cast %select_n3A_57 : i32 to index
        %get3A_824 = arith.index_cast %while3A_644 : i32 to index
        %get3A_825 = arith.index_cast %get3A_822 : i32 to index
        %get3A_826 = arith.constant 0 : index
        %get3A_827 = tpu.vector_load %arg8[%get3A_823, %get3A_824, %get3A_825, %get3A_826] {strides = array<i32>} : memref<2x13x16x128xbf16, #tpu.memory_space<vmem>>, vector<32xbf16>,
        %get3A_828 = arith.constant 8 : i32
        %get3A_829 = arith.index_cast %select_n3A_57 : i32 to index
        %get3A_830 = arith.index_cast %while3A_644 : i32 to index
        %get3A_831 = arith.index_cast %get3A_828 : i32 to index
        %get3A_832 = arith.constant 32 : index
        %get3A_833 = tpu.vector_load %arg8[%get3A_829, %get3A_830, %get3A_831, %get3A_832] {strides = array<i32>} : memref<2x13x16x128xbf16, #tpu.memory_space<vmem>>, vector<32xbf16>,
        %unpack3A_834 = tpu.unpack_subelements %get3A_827, 0 {pack_format = #tpu.pack_format<interleaved>} : vector<32xbf16> -> vector<16xf32>
        %unpack3A_835 = tpu.unpack_subelements %get3A_827, 1 {pack_format = #tpu.pack_format<interleaved>} : vector<32xbf16> -> vector<16xf32>
        %unpack3A_836 = tpu.unpack_subelements %get3A_833, 0 {pack_format = #tpu.pack_format<interleaved>} : vector<32xbf16> -> vector<16xf32>
        %unpack3A_837 = tpu.unpack_subelements %get3A_833, 1 {pack_format = #tpu.pack_format<interleaved>} : vector<32xbf16> -> vector<16xf32>
        %add3A_838 = arith.addf %add3A_818, %unpack3A_834 : vector<16xf32>
        %add3A_839 = arith.addf %add3A_819, %unpack3A_835 : vector<16xf32>
        %add3A_840 = arith.addf %add3A_820, %unpack3A_836 : vector<16xf32>
        %add3A_841 = arith.addf %add3A_821, %unpack3A_837 : vector<16xf32>
        %get3A_842 = arith.constant 9 : i32
        %get3A_843 = arith.index_cast %select_n3A_57 : i32 to index
        %get3A_844 = arith.index_cast %while3A_644 : i32 to index
        %get3A_845 = arith.index_cast %get3A_842 : i32 to index
        %get3A_846 = arith.constant 0 : index
        %get3A_847 = tpu.vector_load %arg8[%get3A_843, %get3A_844, %get3A_845, %get3A_846] {strides = array<i32>} : memref<2x13x16x128xbf16, #tpu.memory_space<vmem>>, vector<32xbf16>,
        %get3A_848 = arith.constant 9 : i32
        %get3A_849 = arith.index_cast %select_n3A_57 : i32 to index
        %get3A_850 = arith.index_cast %while3A_644 : i32 to index
        %get3A_851 = arith.index_cast %get3A_848 : i32 to index
        %get3A_852 = arith.constant 32 : index
        %get3A_853 = tpu.vector_load %arg8[%get3A_849, %get3A_850, %get3A_851, %get3A_852] {strides = array<i32>} : memref<2x13x16x128xbf16, #tpu.memory_space<vmem>>, vector<32xbf16>,
        %unpack3A_854 = tpu.unpack_subelements %get3A_847, 0 {pack_format = #tpu.pack_format<interleaved>} : vector<32xbf16> -> vector<16xf32>
        %unpack3A_855 = tpu.unpack_subelements %get3A_847, 1 {pack_format = #tpu.pack_format<interleaved>} : vector<32xbf16> -> vector<16xf32>
        %unpack3A_856 = tpu.unpack_subelements %get3A_853, 0 {pack_format = #tpu.pack_format<interleaved>} : vector<32xbf16> -> vector<16xf32>
        %unpack3A_857 = tpu.unpack_subelements %get3A_853, 1 {pack_format = #tpu.pack_format<interleaved>} : vector<32xbf16> -> vector<16xf32>
        %add3A_858 = arith.addf %add3A_838, %unpack3A_854 : vector<16xf32>
        %add3A_859 = arith.addf %add3A_839, %unpack3A_855 : vector<16xf32>
        %add3A_860 = arith.addf %add3A_840, %unpack3A_856 : vector<16xf32>
        %add3A_861 = arith.addf %add3A_841, %unpack3A_857 : vector<16xf32>
        %get3A_862 = arith.constant 10 : i32
        %get3A_863 = arith.index_cast %select_n3A_57 : i32 to index
        %get3A_864 = arith.index_cast %while3A_644 : i32 to index
        %get3A_865 = arith.index_cast %get3A_862 : i32 to index
        %get3A_866 = arith.constant 0 : index
        %get3A_867 = tpu.vector_load %arg8[%get3A_863, %get3A_864, %get3A_865, %get3A_866] {strides = array<i32>} : memref<2x13x16x128xbf16, #tpu.memory_space<vmem>>, vector<32xbf16>,
        %get3A_868 = arith.constant 10 : i32
        %get3A_869 = arith.index_cast %select_n3A_57 : i32 to index
        %get3A_870 = arith.index_cast %while3A_644 : i32 to index
        %get3A_871 = arith.index_cast %get3A_868 : i32 to index
        %get3A_872 = arith.constant 32 : index
        %get3A_873 = tpu.vector_load %arg8[%get3A_869, %get3A_870, %get3A_871, %get3A_872] {strides = array<i32>} : memref<2x13x16x128xbf16, #tpu.memory_space<vmem>>, vector<32xbf16>,
        %unpack3A_874 = tpu.unpack_subelements %get3A_867, 0 {pack_format = #tpu.pack_format<interleaved>} : vector<32xbf16> -> vector<16xf32>
        %unpack3A_875 = tpu.unpack_subelements %get3A_867, 1 {pack_format = #tpu.pack_format<interleaved>} : vector<32xbf16> -> vector<16xf32>
        %unpack3A_876 = tpu.unpack_subelements %get3A_873, 0 {pack_format = #tpu.pack_format<interleaved>} : vector<32xbf16> -> vector<16xf32>
        %unpack3A_877 = tpu.unpack_subelements %get3A_873, 1 {pack_format = #tpu.pack_format<interleaved>} : vector<32xbf16> -> vector<16xf32>
        %add3A_878 = arith.addf %add3A_858, %unpack3A_874 : vector<16xf32>
        %add3A_879 = arith.addf %add3A_859, %unpack3A_875 : vector<16xf32>
        %add3A_880 = arith.addf %add3A_860, %unpack3A_876 : vector<16xf32>
        %add3A_881 = arith.addf %add3A_861, %unpack3A_877 : vector<16xf32>
        %get3A_882 = arith.constant 11 : i32
        %get3A_883 = arith.index_cast %select_n3A_57 : i32 to index
        %get3A_884 = arith.index_cast %while3A_644 : i32 to index
        %get3A_885 = arith.index_cast %get3A_882 : i32 to index
        %get3A_886 = arith.constant 0 : index
        %get3A_887 = tpu.vector_load %arg8[%get3A_883, %get3A_884, %get3A_885, %get3A_886] {strides = array<i32>} : memref<2x13x16x128xbf16, #tpu.memory_space<vmem>>, vector<32xbf16>,
        %get3A_888 = arith.constant 11 : i32
        %get3A_889 = arith.index_cast %select_n3A_57 : i32 to index
        %get3A_890 = arith.index_cast %while3A_644 : i32 to index
        %get3A_891 = arith.index_cast %get3A_888 : i32 to index
        %get3A_892 = arith.constant 32 : index
        %get3A_893 = tpu.vector_load %arg8[%get3A_889, %get3A_890, %get3A_891, %get3A_892] {strides = array<i32>} : memref<2x13x16x128xbf16, #tpu.memory_space<vmem>>, vector<32xbf16>,
        %unpack3A_894 = tpu.unpack_subelements %get3A_887, 0 {pack_format = #tpu.pack_format<interleaved>} : vector<32xbf16> -> vector<16xf32>
        %unpack3A_895 = tpu.unpack_subelements %get3A_887, 1 {pack_format = #tpu.pack_format<interleaved>} : vector<32xbf16> -> vector<16xf32>
        %unpack3A_896 = tpu.unpack_subelements %get3A_893, 0 {pack_format = #tpu.pack_format<interleaved>} : vector<32xbf16> -> vector<16xf32>
        %unpack3A_897 = tpu.unpack_subelements %get3A_893, 1 {pack_format = #tpu.pack_format<interleaved>} : vector<32xbf16> -> vector<16xf32>
        %add3A_898 = arith.addf %add3A_878, %unpack3A_894 : vector<16xf32>
        %add3A_899 = arith.addf %add3A_879, %unpack3A_895 : vector<16xf32>
        %add3A_900 = arith.addf %add3A_880, %unpack3A_896 : vector<16xf32>
        %add3A_901 = arith.addf %add3A_881, %unpack3A_897 : vector<16xf32>
        %get3A_902 = arith.constant 12 : i32
        %get3A_903 = arith.index_cast %select_n3A_57 : i32 to index
        %get3A_904 = arith.index_cast %while3A_644 : i32 to index
        %get3A_905 = arith.index_cast %get3A_902 : i32 to index
        %get3A_906 = arith.constant 0 : index
        %get3A_907 = tpu.vector_load %arg8[%get3A_903, %get3A_904, %get3A_905, %get3A_906] {strides = array<i32>} : memref<2x13x16x128xbf16, #tpu.memory_space<vmem>>, vector<32xbf16>,
        %get3A_908 = arith.constant 12 : i32
        %get3A_909 = arith.index_cast %select_n3A_57 : i32 to index
        %get3A_910 = arith.index_cast %while3A_644 : i32 to index
        %get3A_911 = arith.index_cast %get3A_908 : i32 to index
        %get3A_912 = arith.constant 32 : index
        %get3A_913 = tpu.vector_load %arg8[%get3A_909, %get3A_910, %get3A_911, %get3A_912] {strides = array<i32>} : memref<2x13x16x128xbf16, #tpu.memory_space<vmem>>, vector<32xbf16>,
        %unpack3A_914 = tpu.unpack_subelements %get3A_907, 0 {pack_format = #tpu.pack_format<interleaved>} : vector<32xbf16> -> vector<16xf32>
        %unpack3A_915 = tpu.unpack_subelements %get3A_907, 1 {pack_format = #tpu.pack_format<interleaved>} : vector<32xbf16> -> vector<16xf32>
        %unpack3A_916 = tpu.unpack_subelements %get3A_913, 0 {pack_format = #tpu.pack_format<interleaved>} : vector<32xbf16> -> vector<16xf32>
        %unpack3A_917 = tpu.unpack_subelements %get3A_913, 1 {pack_format = #tpu.pack_format<interleaved>} : vector<32xbf16> -> vector<16xf32>
        %add3A_918 = arith.addf %add3A_898, %unpack3A_914 : vector<16xf32>
        %add3A_919 = arith.addf %add3A_899, %unpack3A_915 : vector<16xf32>
        %add3A_920 = arith.addf %add3A_900, %unpack3A_916 : vector<16xf32>
        %add3A_921 = arith.addf %add3A_901, %unpack3A_917 : vector<16xf32>
        %get3A_922 = arith.constant 13 : i32
        %get3A_923 = arith.index_cast %select_n3A_57 : i32 to index
        %get3A_924 = arith.index_cast %while3A_644 : i32 to index
        %get3A_925 = arith.index_cast %get3A_922 : i32 to index
        %get3A_926 = arith.constant 0 : index
        %get3A_927 = tpu.vector_load %arg8[%get3A_923, %get3A_924, %get3A_925, %get3A_926] {strides = array<i32>} : memref<2x13x16x128xbf16, #tpu.memory_space<vmem>>, vector<32xbf16>,
        %get3A_928 = arith.constant 13 : i32
        %get3A_929 = arith.index_cast %select_n3A_57 : i32 to index
        %get3A_930 = arith.index_cast %while3A_644 : i32 to index
        %get3A_931 = arith.index_cast %get3A_928 : i32 to index
        %get3A_932 = arith.constant 32 : index
        %get3A_933 = tpu.vector_load %arg8[%get3A_929, %get3A_930, %get3A_931, %get3A_932] {strides = array<i32>} : memref<2x13x16x128xbf16, #tpu.memory_space<vmem>>, vector<32xbf16>,
        %unpack3A_934 = tpu.unpack_subelements %get3A_927, 0 {pack_format = #tpu.pack_format<interleaved>} : vector<32xbf16> -> vector<16xf32>
        %unpack3A_935 = tpu.unpack_subelements %get3A_927, 1 {pack_format = #tpu.pack_format<interleaved>} : vector<32xbf16> -> vector<16xf32>
        %unpack3A_936 = tpu.unpack_subelements %get3A_933, 0 {pack_format = #tpu.pack_format<interleaved>} : vector<32xbf16> -> vector<16xf32>
        %unpack3A_937 = tpu.unpack_subelements %get3A_933, 1 {pack_format = #tpu.pack_format<interleaved>} : vector<32xbf16> -> vector<16xf32>
        %add3A_938 = arith.addf %add3A_918, %unpack3A_934 : vector<16xf32>
        %add3A_939 = arith.addf %add3A_919, %unpack3A_935 : vector<16xf32>
        %add3A_940 = arith.addf %add3A_920, %unpack3A_936 : vector<16xf32>
        %add3A_941 = arith.addf %add3A_921, %unpack3A_937 : vector<16xf32>
        %get3A_942 = arith.constant 14 : i32
        %get3A_943 = arith.index_cast %select_n3A_57 : i32 to index
        %get3A_944 = arith.index_cast %while3A_644 : i32 to index
        %get3A_945 = arith.index_cast %get3A_942 : i32 to index
        %get3A_946 = arith.constant 0 : index
        %get3A_947 = tpu.vector_load %arg8[%get3A_943, %get3A_944, %get3A_945, %get3A_946] {strides = array<i32>} : memref<2x13x16x128xbf16, #tpu.memory_space<vmem>>, vector<32xbf16>,
        %get3A_948 = arith.constant 14 : i32
        %get3A_949 = arith.index_cast %select_n3A_57 : i32 to index
        %get3A_950 = arith.index_cast %while3A_644 : i32 to index
        %get3A_951 = arith.index_cast %get3A_948 : i32 to index
        %get3A_952 = arith.constant 32 : index
        %get3A_953 = tpu.vector_load %arg8[%get3A_949, %get3A_950, %get3A_951, %get3A_952] {strides = array<i32>} : memref<2x13x16x128xbf16, #tpu.memory_space<vmem>>, vector<32xbf16>,
        %unpack3A_954 = tpu.unpack_subelements %get3A_947, 0 {pack_format = #tpu.pack_format<interleaved>} : vector<32xbf16> -> vector<16xf32>
        %unpack3A_955 = tpu.unpack_subelements %get3A_947, 1 {pack_format = #tpu.pack_format<interleaved>} : vector<32xbf16> -> vector<16xf32>
        %unpack3A_956 = tpu.unpack_subelements %get3A_953, 0 {pack_format = #tpu.pack_format<interleaved>} : vector<32xbf16> -> vector<16xf32>
        %unpack3A_957 = tpu.unpack_subelements %get3A_953, 1 {pack_format = #tpu.pack_format<interleaved>} : vector<32xbf16> -> vector<16xf32>
        %add3A_958 = arith.addf %add3A_938, %unpack3A_954 : vector<16xf32>
        %add3A_959 = arith.addf %add3A_939, %unpack3A_955 : vector<16xf32>
        %add3A_960 = arith.addf %add3A_940, %unpack3A_956 : vector<16xf32>
        %add3A_961 = arith.addf %add3A_941, %unpack3A_957 : vector<16xf32>
        %get3A_962 = arith.constant 15 : i32
        %get3A_963 = arith.index_cast %select_n3A_57 : i32 to index
        %get3A_964 = arith.index_cast %while3A_644 : i32 to index
        %get3A_965 = arith.index_cast %get3A_962 : i32 to index
        %get3A_966 = arith.constant 0 : index
        %get3A_967 = tpu.vector_load %arg8[%get3A_963, %get3A_964, %get3A_965, %get3A_966] {strides = array<i32>} : memref<2x13x16x128xbf16, #tpu.memory_space<vmem>>, vector<32xbf16>,
        %get3A_968 = arith.constant 15 : i32
        %get3A_969 = arith.index_cast %select_n3A_57 : i32 to index
        %get3A_970 = arith.index_cast %while3A_644 : i32 to index
        %get3A_971 = arith.index_cast %get3A_968 : i32 to index
        %get3A_972 = arith.constant 32 : index
        %get3A_973 = tpu.vector_load %arg8[%get3A_969, %get3A_970, %get3A_971, %get3A_972] {strides = array<i32>} : memref<2x13x16x128xbf16, #tpu.memory_space<vmem>>, vector<32xbf16>,
        %unpack3A_974 = tpu.unpack_subelements %get3A_967, 0 {pack_format = #tpu.pack_format<interleaved>} : vector<32xbf16> -> vector<16xf32>
        %unpack3A_975 = tpu.unpack_subelements %get3A_967, 1 {pack_format = #tpu.pack_format<interleaved>} : vector<32xbf16> -> vector<16xf32>
        %unpack3A_976 = tpu.unpack_subelements %get3A_973, 0 {pack_format = #tpu.pack_format<interleaved>} : vector<32xbf16> -> vector<16xf32>
        %unpack3A_977 = tpu.unpack_subelements %get3A_973, 1 {pack_format = #tpu.pack_format<interleaved>} : vector<32xbf16> -> vector<16xf32>
        %add3A_978 = arith.addf %add3A_958, %unpack3A_974 : vector<16xf32>
        %add3A_979 = arith.addf %add3A_959, %unpack3A_975 : vector<16xf32>
        %add3A_980 = arith.addf %add3A_960, %unpack3A_976 : vector<16xf32>
        %add3A_981 = arith.addf %add3A_961, %unpack3A_977 : vector<16xf32>
        scf.yield %add3A_978, %add3A_979, %add3A_980, %add3A_981 : vector<16xf32>, vector<16xf32>, vector<16xf32>, vector<16xf32>
      }
      %sub3A_98 = arith.constant 1 : i32
      %sub3A_99 = arith.subi %select_n3A_83, %sub3A_98 : i32
      %mul3A_100 = arith.constant 16 : i32
      %mul3A_101 = arith.muli %sub3A_99, %mul3A_100 : i32
      %min3A = arith.constant 184 : i32
      %min3A_102 = arith.minsi %mul3A_101, %min3A : i32
      %dma_wait3A = arith.constant 0 : i32
      %dma_wait3A_103 = arith.constant 0 : i32
      %dma_wait3A_104 = tpu.memref_slice %arg8[%select_n3A_57, %sub3A_99, %dma_wait3A, %dma_wait3A_103] : memref<2x13x16x128xbf16, #tpu.memory_space<vmem>> -> memref<1x1x16x128xbf16, #tpu.memory_space<vmem>>
      %dma_wait3A_105 = tpu.memref_squeeze %dma_wait3A_104 : memref<1x1x16x128xbf16, #tpu.memory_space<vmem>> -> memref<16x128xbf16, #tpu.memory_space<vmem>>
      %dma_wait3A_106 = tpu.memref_slice %arg6[%scan3A_36, %min3A_102] : memref<128x200xi32, #tpu.memory_space<vmem>> -> memref<1x16xi32, #tpu.memory_space<vmem>>
      %dma_wait3A_107 = tpu.memref_squeeze %dma_wait3A_106 : memref<1x16xi32, #tpu.memory_space<vmem>> -> memref<16xi32, #tpu.memory_space<vmem>>
      %dma_wait3A_108 = arith.constant 0 : i32
      %dma_wait3A_109 = arith.constant 0 : i32
      %dma_wait3A_110 = tpu.memref_slice %arg4[%dma_wait3A_108, %dma_wait3A_109] : memref<1000000x128xbf16, #tpu.memory_space<hbm>> -> memref<1000000x128xbf16, #tpu.memory_space<hbm>>
      tpu.wait_indirect_dma semaphore(%arg10 : memref<!tpu.dma_semaphore, #tpu.memory_space<semaphore_mem>>) src(%dma_wait3A_110 : memref<1000000x128xbf16, #tpu.memory_space<hbm>>) dst(%dma_wait3A_105 : memref<16x128xbf16, #tpu.memory_space<vmem>>)
      %mul3A_111 = arith.constant 16 : i32
      %mul3A_112 = arith.muli %sub3A_99, %mul3A_111 : i32
      %min3A_113 = arith.constant 184 : i32
      %min3A_114 = arith.minsi %mul3A_112, %min3A_113 : i32
      %mul3A_115 = arith.constant 16 : i32
      %mul3A_116 = arith.muli %sub3A_99, %mul3A_115 : i32
      %add3A_117 = arith.constant 0 : i32
      %add3A_118 = arith.addi %min3A_114, %add3A_117 : i32
      %ge3A = arith.cmpi sge, %add3A_118, %mul3A_116 : i32
      %lt3A_119 = arith.cmpi slt, %add3A_118, %squeeze3A_40 : i32
      %and3A_120 = arith.andi %ge3A, %lt3A_119 : i1
      %convert_element_type3A_121 = arith.extui %and3A_120 : i1 to i32
      %convert_element_type3A_122 = arith.sitofp %convert_element_type3A_121 : i32 to f32
      %broadcast_in_dim3A_123 = vector.broadcast %convert_element_type3A_122 : f32 to vector<16xf32>
      %get3A_124 = arith.constant 0 : i32
      %get3A_125 = arith.index_cast %select_n3A_57 : i32 to index
      %get3A_126 = arith.index_cast %sub3A_99 : i32 to index
      %get3A_127 = arith.index_cast %get3A_124 : i32 to index
      %get3A_128 = arith.constant 0 : index
      %get3A_129 = tpu.vector_load %arg8[%get3A_125, %get3A_126, %get3A_127, %get3A_128] {strides = array<i32>} : memref<2x13x16x128xbf16, #tpu.memory_space<vmem>>, vector<32xbf16>,
      %get3A_130 = arith.constant 0 : i32
      %get3A_131 = arith.index_cast %select_n3A_57 : i32 to index
      %get3A_132 = arith.index_cast %sub3A_99 : i32 to index
      %get3A_133 = arith.index_cast %get3A_130 : i32 to index
      %get3A_134 = arith.constant 32 : index
      %get3A_135 = tpu.vector_load %arg8[%get3A_131, %get3A_132, %get3A_133, %get3A_134] {strides = array<i32>} : memref<2x13x16x128xbf16, #tpu.memory_space<vmem>>, vector<32xbf16>,
      %unpack3A = tpu.unpack_subelements %get3A_129, 0 {pack_format = #tpu.pack_format<interleaved>} : vector<32xbf16> -> vector<16xf32>
      %unpack3A_136 = tpu.unpack_subelements %get3A_129, 1 {pack_format = #tpu.pack_format<interleaved>} : vector<32xbf16> -> vector<16xf32>
      %unpack3A_137 = tpu.unpack_subelements %get3A_135, 0 {pack_format = #tpu.pack_format<interleaved>} : vector<32xbf16> -> vector<16xf32>
      %unpack3A_138 = tpu.unpack_subelements %get3A_135, 1 {pack_format = #tpu.pack_format<interleaved>} : vector<32xbf16> -> vector<16xf32>
      %mul3A_139 = arith.mulf %unpack3A, %broadcast_in_dim3A_123 : vector<16xf32>
      %add3A_140 = arith.addf %while3A_97#0, %mul3A_139 : vector<16xf32>
      %mul3A_141 = arith.mulf %unpack3A_136, %broadcast_in_dim3A_123 : vector<16xf32>
      %add3A_142 = arith.addf %while3A_97#1, %mul3A_141 : vector<16xf32>
      %mul3A_143 = arith.mulf %unpack3A_137, %broadcast_in_dim3A_123 : vector<16xf32>
      %add3A_144 = arith.addf %while3A_97#2, %mul3A_143 : vector<16xf32>
      %mul3A_145 = arith.mulf %unpack3A_138, %broadcast_in_dim3A_123 : vector<16xf32>
      %add3A_146 = arith.addf %while3A_97#3, %mul3A_145 : vector<16xf32>
      %add3A_147 = arith.constant 1 : i32
      %add3A_148 = arith.addi %min3A_114, %add3A_147 : i32
      %ge3A_149 = arith.cmpi sge, %add3A_148, %mul3A_116 : i32
      %lt3A_150 = arith.cmpi slt, %add3A_148, %squeeze3A_40 : i32
      %and3A_151 = arith.andi %ge3A_149, %lt3A_150 : i1
      %convert_element_type3A_152 = arith.extui %and3A_151 : i1 to i32
      %convert_element_type3A_153 = arith.sitofp %convert_element_type3A_152 : i32 to f32
      %broadcast_in_dim3A_154 = vector.broadcast %convert_element_type3A_153 : f32 to vector<16xf32>
      %get3A_155 = arith.constant 1 : i32
      %get3A_156 = arith.index_cast %select_n3A_57 : i32 to index
      %get3A_157 = arith.index_cast %sub3A_99 : i32 to index
      %get3A_158 = arith.index_cast %get3A_155 : i32 to index
      %get3A_159 = arith.constant 0 : index
      %get3A_160 = tpu.vector_load %arg8[%get3A_156, %get3A_157, %get3A_158, %get3A_159] {strides = array<i32>} : memref<2x13x16x128xbf16, #tpu.memory_space<vmem>>, vector<32xbf16>,
      %get3A_161 = arith.constant 1 : i32
      %get3A_162 = arith.index_cast %select_n3A_57 : i32 to index
      %get3A_163 = arith.index_cast %sub3A_99 : i32 to index
      %get3A_164 = arith.index_cast %get3A_161 : i32 to index
      %get3A_165 = arith.constant 32 : index
      %get3A_166 = tpu.vector_load %arg8[%get3A_162, %get3A_163, %get3A_164, %get3A_165] {strides = array<i32>} : memref<2x13x16x128xbf16, #tpu.memory_space<vmem>>, vector<32xbf16>,
      %unpack3A_167 = tpu.unpack_subelements %get3A_160, 0 {pack_format = #tpu.pack_format<interleaved>} : vector<32xbf16> -> vector<16xf32>
      %unpack3A_168 = tpu.unpack_subelements %get3A_160, 1 {pack_format = #tpu.pack_format<interleaved>} : vector<32xbf16> -> vector<16xf32>
      %unpack3A_169 = tpu.unpack_subelements %get3A_166, 0 {pack_format = #tpu.pack_format<interleaved>} : vector<32xbf16> -> vector<16xf32>
      %unpack3A_170 = tpu.unpack_subelements %get3A_166, 1 {pack_format = #tpu.pack_format<interleaved>} : vector<32xbf16> -> vector<16xf32>
      %mul3A_171 = arith.mulf %unpack3A_167, %broadcast_in_dim3A_154 : vector<16xf32>
      %add3A_172 = arith.addf %add3A_140, %mul3A_171 : vector<16xf32>
      %mul3A_173 = arith.mulf %unpack3A_168, %broadcast_in_dim3A_154 : vector<16xf32>
      %add3A_174 = arith.addf %add3A_142, %mul3A_173 : vector<16xf32>
      %mul3A_175 = arith.mulf %unpack3A_169, %broadcast_in_dim3A_154 : vector<16xf32>
      %add3A_176 = arith.addf %add3A_144, %mul3A_175 : vector<16xf32>
      %mul3A_177 = arith.mulf %unpack3A_170, %broadcast_in_dim3A_154 : vector<16xf32>
      %add3A_178 = arith.addf %add3A_146, %mul3A_177 : vector<16xf32>
      %add3A_179 = arith.constant 2 : i32
      %add3A_180 = arith.addi %min3A_114, %add3A_179 : i32
      %ge3A_181 = arith.cmpi sge, %add3A_180, %mul3A_116 : i32
      %lt3A_182 = arith.cmpi slt, %add3A_180, %squeeze3A_40 : i32
      %and3A_183 = arith.andi %ge3A_181, %lt3A_182 : i1
      %convert_element_type3A_184 = arith.extui %and3A_183 : i1 to i32
      %convert_element_type3A_185 = arith.sitofp %convert_element_type3A_184 : i32 to f32
      %broadcast_in_dim3A_186 = vector.broadcast %convert_element_type3A_185 : f32 to vector<16xf32>
      %get3A_187 = arith.constant 2 : i32
      %get3A_188 = arith.index_cast %select_n3A_57 : i32 to index
      %get3A_189 = arith.index_cast %sub3A_99 : i32 to index
      %get3A_190 = arith.index_cast %get3A_187 : i32 to index
      %get3A_191 = arith.constant 0 : index
      %get3A_192 = tpu.vector_load %arg8[%get3A_188, %get3A_189, %get3A_190, %get3A_191] {strides = array<i32>} : memref<2x13x16x128xbf16, #tpu.memory_space<vmem>>, vector<32xbf16>,
      %get3A_193 = arith.constant 2 : i32
      %get3A_194 = arith.index_cast %select_n3A_57 : i32 to index
      %get3A_195 = arith.index_cast %sub3A_99 : i32 to index
      %get3A_196 = arith.index_cast %get3A_193 : i32 to index
      %get3A_197 = arith.constant 32 : index
      %get3A_198 = tpu.vector_load %arg8[%get3A_194, %get3A_195, %get3A_196, %get3A_197] {strides = array<i32>} : memref<2x13x16x128xbf16, #tpu.memory_space<vmem>>, vector<32xbf16>,
      %unpack3A_199 = tpu.unpack_subelements %get3A_192, 0 {pack_format = #tpu.pack_format<interleaved>} : vector<32xbf16> -> vector<16xf32>
      %unpack3A_200 = tpu.unpack_subelements %get3A_192, 1 {pack_format = #tpu.pack_format<interleaved>} : vector<32xbf16> -> vector<16xf32>
      %unpack3A_201 = tpu.unpack_subelements %get3A_198, 0 {pack_format = #tpu.pack_format<interleaved>} : vector<32xbf16> -> vector<16xf32>
      %unpack3A_202 = tpu.unpack_subelements %get3A_198, 1 {pack_format = #tpu.pack_format<interleaved>} : vector<32xbf16> -> vector<16xf32>
      %mul3A_203 = arith.mulf %unpack3A_199, %broadcast_in_dim3A_186 : vector<16xf32>
      %add3A_204 = arith.addf %add3A_172, %mul3A_203 : vector<16xf32>
      %mul3A_205 = arith.mulf %unpack3A_200, %broadcast_in_dim3A_186 : vector<16xf32>
      %add3A_206 = arith.addf %add3A_174, %mul3A_205 : vector<16xf32>
      %mul3A_207 = arith.mulf %unpack3A_201, %broadcast_in_dim3A_186 : vector<16xf32>
      %add3A_208 = arith.addf %add3A_176, %mul3A_207 : vector<16xf32>
      %mul3A_209 = arith.mulf %unpack3A_202, %broadcast_in_dim3A_186 : vector<16xf32>
      %add3A_210 = arith.addf %add3A_178, %mul3A_209 : vector<16xf32>
      %add3A_211 = arith.constant 3 : i32
      %add3A_212 = arith.addi %min3A_114, %add3A_211 : i32
      %ge3A_213 = arith.cmpi sge, %add3A_212, %mul3A_116 : i32
      %lt3A_214 = arith.cmpi slt, %add3A_212, %squeeze3A_40 : i32
      %and3A_215 = arith.andi %ge3A_213, %lt3A_214 : i1
      %convert_element_type3A_216 = arith.extui %and3A_215 : i1 to i32
      %convert_element_type3A_217 = arith.sitofp %convert_element_type3A_216 : i32 to f32
      %broadcast_in_dim3A_218 = vector.broadcast %convert_element_type3A_217 : f32 to vector<16xf32>
      %get3A_219 = arith.constant 3 : i32
      %get3A_220 = arith.index_cast %select_n3A_57 : i32 to index
      %get3A_221 = arith.index_cast %sub3A_99 : i32 to index
      %get3A_222 = arith.index_cast %get3A_219 : i32 to index
      %get3A_223 = arith.constant 0 : index
      %get3A_224 = tpu.vector_load %arg8[%get3A_220, %get3A_221, %get3A_222, %get3A_223] {strides = array<i32>} : memref<2x13x16x128xbf16, #tpu.memory_space<vmem>>, vector<32xbf16>,
      %get3A_225 = arith.constant 3 : i32
      %get3A_226 = arith.index_cast %select_n3A_57 : i32 to index
      %get3A_227 = arith.index_cast %sub3A_99 : i32 to index
      %get3A_228 = arith.index_cast %get3A_225 : i32 to index
      %get3A_229 = arith.constant 32 : index
      %get3A_230 = tpu.vector_load %arg8[%get3A_226, %get3A_227, %get3A_228, %get3A_229] {strides = array<i32>} : memref<2x13x16x128xbf16, #tpu.memory_space<vmem>>, vector<32xbf16>,
      %unpack3A_231 = tpu.unpack_subelements %get3A_224, 0 {pack_format = #tpu.pack_format<interleaved>} : vector<32xbf16> -> vector<16xf32>
      %unpack3A_232 = tpu.unpack_subelements %get3A_224, 1 {pack_format = #tpu.pack_format<interleaved>} : vector<32xbf16> -> vector<16xf32>
      %unpack3A_233 = tpu.unpack_subelements %get3A_230, 0 {pack_format = #tpu.pack_format<interleaved>} : vector<32xbf16> -> vector<16xf32>
      %unpack3A_234 = tpu.unpack_subelements %get3A_230, 1 {pack_format = #tpu.pack_format<interleaved>} : vector<32xbf16> -> vector<16xf32>
      %mul3A_235 = arith.mulf %unpack3A_231, %broadcast_in_dim3A_218 : vector<16xf32>
      %add3A_236 = arith.addf %add3A_204, %mul3A_235 : vector<16xf32>
      %mul3A_237 = arith.mulf %unpack3A_232, %broadcast_in_dim3A_218 : vector<16xf32>
      %add3A_238 = arith.addf %add3A_206, %mul3A_237 : vector<16xf32>
      %mul3A_239 = arith.mulf %unpack3A_233, %broadcast_in_dim3A_218 : vector<16xf32>
      %add3A_240 = arith.addf %add3A_208, %mul3A_239 : vector<16xf32>
      %mul3A_241 = arith.mulf %unpack3A_234, %broadcast_in_dim3A_218 : vector<16xf32>
      %add3A_242 = arith.addf %add3A_210, %mul3A_241 : vector<16xf32>
      %add3A_243 = arith.constant 4 : i32
      %add3A_244 = arith.addi %min3A_114, %add3A_243 : i32
      %ge3A_245 = arith.cmpi sge, %add3A_244, %mul3A_116 : i32
      %lt3A_246 = arith.cmpi slt, %add3A_244, %squeeze3A_40 : i32
      %and3A_247 = arith.andi %ge3A_245, %lt3A_246 : i1
      %convert_element_type3A_248 = arith.extui %and3A_247 : i1 to i32
      %convert_element_type3A_249 = arith.sitofp %convert_element_type3A_248 : i32 to f32
      %broadcast_in_dim3A_250 = vector.broadcast %convert_element_type3A_249 : f32 to vector<16xf32>
      %get3A_251 = arith.constant 4 : i32
      %get3A_252 = arith.index_cast %select_n3A_57 : i32 to index
      %get3A_253 = arith.index_cast %sub3A_99 : i32 to index
      %get3A_254 = arith.index_cast %get3A_251 : i32 to index
      %get3A_255 = arith.constant 0 : index
      %get3A_256 = tpu.vector_load %arg8[%get3A_252, %get3A_253, %get3A_254, %get3A_255] {strides = array<i32>} : memref<2x13x16x128xbf16, #tpu.memory_space<vmem>>, vector<32xbf16>,
      %get3A_257 = arith.constant 4 : i32
      %get3A_258 = arith.index_cast %select_n3A_57 : i32 to index
      %get3A_259 = arith.index_cast %sub3A_99 : i32 to index
      %get3A_260 = arith.index_cast %get3A_257 : i32 to index
      %get3A_261 = arith.constant 32 : index
      %get3A_262 = tpu.vector_load %arg8[%get3A_258, %get3A_259, %get3A_260, %get3A_261] {strides = array<i32>} : memref<2x13x16x128xbf16, #tpu.memory_space<vmem>>, vector<32xbf16>,
      %unpack3A_263 = tpu.unpack_subelements %get3A_256, 0 {pack_format = #tpu.pack_format<interleaved>} : vector<32xbf16> -> vector<16xf32>
      %unpack3A_264 = tpu.unpack_subelements %get3A_256, 1 {pack_format = #tpu.pack_format<interleaved>} : vector<32xbf16> -> vector<16xf32>
      %unpack3A_265 = tpu.unpack_subelements %get3A_262, 0 {pack_format = #tpu.pack_format<interleaved>} : vector<32xbf16> -> vector<16xf32>
      %unpack3A_266 = tpu.unpack_subelements %get3A_262, 1 {pack_format = #tpu.pack_format<interleaved>} : vector<32xbf16> -> vector<16xf32>
      %mul3A_267 = arith.mulf %unpack3A_263, %broadcast_in_dim3A_250 : vector<16xf32>
      %add3A_268 = arith.addf %add3A_236, %mul3A_267 : vector<16xf32>
      %mul3A_269 = arith.mulf %unpack3A_264, %broadcast_in_dim3A_250 : vector<16xf32>
      %add3A_270 = arith.addf %add3A_238, %mul3A_269 : vector<16xf32>
      %mul3A_271 = arith.mulf %unpack3A_265, %broadcast_in_dim3A_250 : vector<16xf32>
      %add3A_272 = arith.addf %add3A_240, %mul3A_271 : vector<16xf32>
      %mul3A_273 = arith.mulf %unpack3A_266, %broadcast_in_dim3A_250 : vector<16xf32>
      %add3A_274 = arith.addf %add3A_242, %mul3A_273 : vector<16xf32>
      %add3A_275 = arith.constant 5 : i32
      %add3A_276 = arith.addi %min3A_114, %add3A_275 : i32
      %ge3A_277 = arith.cmpi sge, %add3A_276, %mul3A_116 : i32
      %lt3A_278 = arith.cmpi slt, %add3A_276, %squeeze3A_40 : i32
      %and3A_279 = arith.andi %ge3A_277, %lt3A_278 : i1
      %convert_element_type3A_280 = arith.extui %and3A_279 : i1 to i32
      %convert_element_type3A_281 = arith.sitofp %convert_element_type3A_280 : i32 to f32
      %broadcast_in_dim3A_282 = vector.broadcast %convert_element_type3A_281 : f32 to vector<16xf32>
      %get3A_283 = arith.constant 5 : i32
      %get3A_284 = arith.index_cast %select_n3A_57 : i32 to index
      %get3A_285 = arith.index_cast %sub3A_99 : i32 to index
      %get3A_286 = arith.index_cast %get3A_283 : i32 to index
      %get3A_287 = arith.constant 0 : index
      %get3A_288 = tpu.vector_load %arg8[%get3A_284, %get3A_285, %get3A_286, %get3A_287] {strides = array<i32>} : memref<2x13x16x128xbf16, #tpu.memory_space<vmem>>, vector<32xbf16>,
      %get3A_289 = arith.constant 5 : i32
      %get3A_290 = arith.index_cast %select_n3A_57 : i32 to index
      %get3A_291 = arith.index_cast %sub3A_99 : i32 to index
      %get3A_292 = arith.index_cast %get3A_289 : i32 to index
      %get3A_293 = arith.constant 32 : index
      %get3A_294 = tpu.vector_load %arg8[%get3A_290, %get3A_291, %get3A_292, %get3A_293] {strides = array<i32>} : memref<2x13x16x128xbf16, #tpu.memory_space<vmem>>, vector<32xbf16>,
      %unpack3A_295 = tpu.unpack_subelements %get3A_288, 0 {pack_format = #tpu.pack_format<interleaved>} : vector<32xbf16> -> vector<16xf32>
      %unpack3A_296 = tpu.unpack_subelements %get3A_288, 1 {pack_format = #tpu.pack_format<interleaved>} : vector<32xbf16> -> vector<16xf32>
      %unpack3A_297 = tpu.unpack_subelements %get3A_294, 0 {pack_format = #tpu.pack_format<interleaved>} : vector<32xbf16> -> vector<16xf32>
      %unpack3A_298 = tpu.unpack_subelements %get3A_294, 1 {pack_format = #tpu.pack_format<interleaved>} : vector<32xbf16> -> vector<16xf32>
      %mul3A_299 = arith.mulf %unpack3A_295, %broadcast_in_dim3A_282 : vector<16xf32>
      %add3A_300 = arith.addf %add3A_268, %mul3A_299 : vector<16xf32>
      %mul3A_301 = arith.mulf %unpack3A_296, %broadcast_in_dim3A_282 : vector<16xf32>
      %add3A_302 = arith.addf %add3A_270, %mul3A_301 : vector<16xf32>
      %mul3A_303 = arith.mulf %unpack3A_297, %broadcast_in_dim3A_282 : vector<16xf32>
      %add3A_304 = arith.addf %add3A_272, %mul3A_303 : vector<16xf32>
      %mul3A_305 = arith.mulf %unpack3A_298, %broadcast_in_dim3A_282 : vector<16xf32>
      %add3A_306 = arith.addf %add3A_274, %mul3A_305 : vector<16xf32>
      %add3A_307 = arith.constant 6 : i32
      %add3A_308 = arith.addi %min3A_114, %add3A_307 : i32
      %ge3A_309 = arith.cmpi sge, %add3A_308, %mul3A_116 : i32
      %lt3A_310 = arith.cmpi slt, %add3A_308, %squeeze3A_40 : i32
      %and3A_311 = arith.andi %ge3A_309, %lt3A_310 : i1
      %convert_element_type3A_312 = arith.extui %and3A_311 : i1 to i32
      %convert_element_type3A_313 = arith.sitofp %convert_element_type3A_312 : i32 to f32
      %broadcast_in_dim3A_314 = vector.broadcast %convert_element_type3A_313 : f32 to vector<16xf32>
      %get3A_315 = arith.constant 6 : i32
      %get3A_316 = arith.index_cast %select_n3A_57 : i32 to index
      %get3A_317 = arith.index_cast %sub3A_99 : i32 to index
      %get3A_318 = arith.index_cast %get3A_315 : i32 to index
      %get3A_319 = arith.constant 0 : index
      %get3A_320 = tpu.vector_load %arg8[%get3A_316, %get3A_317, %get3A_318, %get3A_319] {strides = array<i32>} : memref<2x13x16x128xbf16, #tpu.memory_space<vmem>>, vector<32xbf16>,
      %get3A_321 = arith.constant 6 : i32
      %get3A_322 = arith.index_cast %select_n3A_57 : i32 to index
      %get3A_323 = arith.index_cast %sub3A_99 : i32 to index
      %get3A_324 = arith.index_cast %get3A_321 : i32 to index
      %get3A_325 = arith.constant 32 : index
      %get3A_326 = tpu.vector_load %arg8[%get3A_322, %get3A_323, %get3A_324, %get3A_325] {strides = array<i32>} : memref<2x13x16x128xbf16, #tpu.memory_space<vmem>>, vector<32xbf16>,
      %unpack3A_327 = tpu.unpack_subelements %get3A_320, 0 {pack_format = #tpu.pack_format<interleaved>} : vector<32xbf16> -> vector<16xf32>
      %unpack3A_328 = tpu.unpack_subelements %get3A_320, 1 {pack_format = #tpu.pack_format<interleaved>} : vector<32xbf16> -> vector<16xf32>
      %unpack3A_329 = tpu.unpack_subelements %get3A_326, 0 {pack_format = #tpu.pack_format<interleaved>} : vector<32xbf16> -> vector<16xf32>
      %unpack3A_330 = tpu.unpack_subelements %get3A_326, 1 {pack_format = #tpu.pack_format<interleaved>} : vector<32xbf16> -> vector<16xf32>
      %mul3A_331 = arith.mulf %unpack3A_327, %broadcast_in_dim3A_314 : vector<16xf32>
      %add3A_332 = arith.addf %add3A_300, %mul3A_331 : vector<16xf32>
      %mul3A_333 = arith.mulf %unpack3A_328, %broadcast_in_dim3A_314 : vector<16xf32>
      %add3A_334 = arith.addf %add3A_302, %mul3A_333 : vector<16xf32>
      %mul3A_335 = arith.mulf %unpack3A_329, %broadcast_in_dim3A_314 : vector<16xf32>
      %add3A_336 = arith.addf %add3A_304, %mul3A_335 : vector<16xf32>
      %mul3A_337 = arith.mulf %unpack3A_330, %broadcast_in_dim3A_314 : vector<16xf32>
      %add3A_338 = arith.addf %add3A_306, %mul3A_337 : vector<16xf32>
      %add3A_339 = arith.constant 7 : i32
      %add3A_340 = arith.addi %min3A_114, %add3A_339 : i32
      %ge3A_341 = arith.cmpi sge, %add3A_340, %mul3A_116 : i32
      %lt3A_342 = arith.cmpi slt, %add3A_340, %squeeze3A_40 : i32
      %and3A_343 = arith.andi %ge3A_341, %lt3A_342 : i1
      %convert_element_type3A_344 = arith.extui %and3A_343 : i1 to i32
      %convert_element_type3A_345 = arith.sitofp %convert_element_type3A_344 : i32 to f32
      %broadcast_in_dim3A_346 = vector.broadcast %convert_element_type3A_345 : f32 to vector<16xf32>
      %get3A_347 = arith.constant 7 : i32
      %get3A_348 = arith.index_cast %select_n3A_57 : i32 to index
      %get3A_349 = arith.index_cast %sub3A_99 : i32 to index
      %get3A_350 = arith.index_cast %get3A_347 : i32 to index
      %get3A_351 = arith.constant 0 : index
      %get3A_352 = tpu.vector_load %arg8[%get3A_348, %get3A_349, %get3A_350, %get3A_351] {strides = array<i32>} : memref<2x13x16x128xbf16, #tpu.memory_space<vmem>>, vector<32xbf16>,
      %get3A_353 = arith.constant 7 : i32
      %get3A_354 = arith.index_cast %select_n3A_57 : i32 to index
      %get3A_355 = arith.index_cast %sub3A_99 : i32 to index
      %get3A_356 = arith.index_cast %get3A_353 : i32 to index
      %get3A_357 = arith.constant 32 : index
      %get3A_358 = tpu.vector_load %arg8[%get3A_354, %get3A_355, %get3A_356, %get3A_357] {strides = array<i32>} : memref<2x13x16x128xbf16, #tpu.memory_space<vmem>>, vector<32xbf16>,
      %unpack3A_359 = tpu.unpack_subelements %get3A_352, 0 {pack_format = #tpu.pack_format<interleaved>} : vector<32xbf16> -> vector<16xf32>
      %unpack3A_360 = tpu.unpack_subelements %get3A_352, 1 {pack_format = #tpu.pack_format<interleaved>} : vector<32xbf16> -> vector<16xf32>
      %unpack3A_361 = tpu.unpack_subelements %get3A_358, 0 {pack_format = #tpu.pack_format<interleaved>} : vector<32xbf16> -> vector<16xf32>
      %unpack3A_362 = tpu.unpack_subelements %get3A_358, 1 {pack_format = #tpu.pack_format<interleaved>} : vector<32xbf16> -> vector<16xf32>
      %mul3A_363 = arith.mulf %unpack3A_359, %broadcast_in_dim3A_346 : vector<16xf32>
      %add3A_364 = arith.addf %add3A_332, %mul3A_363 : vector<16xf32>
      %mul3A_365 = arith.mulf %unpack3A_360, %broadcast_in_dim3A_346 : vector<16xf32>
      %add3A_366 = arith.addf %add3A_334, %mul3A_365 : vector<16xf32>
      %mul3A_367 = arith.mulf %unpack3A_361, %broadcast_in_dim3A_346 : vector<16xf32>
      %add3A_368 = arith.addf %add3A_336, %mul3A_367 : vector<16xf32>
      %mul3A_369 = arith.mulf %unpack3A_362, %broadcast_in_dim3A_346 : vector<16xf32>
      %add3A_370 = arith.addf %add3A_338, %mul3A_369 : vector<16xf32>
      %add3A_371 = arith.constant 8 : i32
      %add3A_372 = arith.addi %min3A_114, %add3A_371 : i32
      %ge3A_373 = arith.cmpi sge, %add3A_372, %mul3A_116 : i32
      %lt3A_374 = arith.cmpi slt, %add3A_372, %squeeze3A_40 : i32
      %and3A_375 = arith.andi %ge3A_373, %lt3A_374 : i1
      %convert_element_type3A_376 = arith.extui %and3A_375 : i1 to i32
      %convert_element_type3A_377 = arith.sitofp %convert_element_type3A_376 : i32 to f32
      %broadcast_in_dim3A_378 = vector.broadcast %convert_element_type3A_377 : f32 to vector<16xf32>
      %get3A_379 = arith.constant 8 : i32
      %get3A_380 = arith.index_cast %select_n3A_57 : i32 to index
      %get3A_381 = arith.index_cast %sub3A_99 : i32 to index
      %get3A_382 = arith.index_cast %get3A_379 : i32 to index
      %get3A_383 = arith.constant 0 : index
      %get3A_384 = tpu.vector_load %arg8[%get3A_380, %get3A_381, %get3A_382, %get3A_383] {strides = array<i32>} : memref<2x13x16x128xbf16, #tpu.memory_space<vmem>>, vector<32xbf16>,
      %get3A_385 = arith.constant 8 : i32
      %get3A_386 = arith.index_cast %select_n3A_57 : i32 to index
      %get3A_387 = arith.index_cast %sub3A_99 : i32 to index
      %get3A_388 = arith.index_cast %get3A_385 : i32 to index
      %get3A_389 = arith.constant 32 : index
      %get3A_390 = tpu.vector_load %arg8[%get3A_386, %get3A_387, %get3A_388, %get3A_389] {strides = array<i32>} : memref<2x13x16x128xbf16, #tpu.memory_space<vmem>>, vector<32xbf16>,
      %unpack3A_391 = tpu.unpack_subelements %get3A_384, 0 {pack_format = #tpu.pack_format<interleaved>} : vector<32xbf16> -> vector<16xf32>
      %unpack3A_392 = tpu.unpack_subelements %get3A_384, 1 {pack_format = #tpu.pack_format<interleaved>} : vector<32xbf16> -> vector<16xf32>
      %unpack3A_393 = tpu.unpack_subelements %get3A_390, 0 {pack_format = #tpu.pack_format<interleaved>} : vector<32xbf16> -> vector<16xf32>
      %unpack3A_394 = tpu.unpack_subelements %get3A_390, 1 {pack_format = #tpu.pack_format<interleaved>} : vector<32xbf16> -> vector<16xf32>
      %mul3A_395 = arith.mulf %unpack3A_391, %broadcast_in_dim3A_378 : vector<16xf32>
      %add3A_396 = arith.addf %add3A_364, %mul3A_395 : vector<16xf32>
      %mul3A_397 = arith.mulf %unpack3A_392, %broadcast_in_dim3A_378 : vector<16xf32>
      %add3A_398 = arith.addf %add3A_366, %mul3A_397 : vector<16xf32>
      %mul3A_399 = arith.mulf %unpack3A_393, %broadcast_in_dim3A_378 : vector<16xf32>
      %add3A_400 = arith.addf %add3A_368, %mul3A_399 : vector<16xf32>
      %mul3A_401 = arith.mulf %unpack3A_394, %broadcast_in_dim3A_378 : vector<16xf32>
      %add3A_402 = arith.addf %add3A_370, %mul3A_401 : vector<16xf32>
      %add3A_403 = arith.constant 9 : i32
      %add3A_404 = arith.addi %min3A_114, %add3A_403 : i32
      %ge3A_405 = arith.cmpi sge, %add3A_404, %mul3A_116 : i32
      %lt3A_406 = arith.cmpi slt, %add3A_404, %squeeze3A_40 : i32
      %and3A_407 = arith.andi %ge3A_405, %lt3A_406 : i1
      %convert_element_type3A_408 = arith.extui %and3A_407 : i1 to i32
      %convert_element_type3A_409 = arith.sitofp %convert_element_type3A_408 : i32 to f32
      %broadcast_in_dim3A_410 = vector.broadcast %convert_element_type3A_409 : f32 to vector<16xf32>
      %get3A_411 = arith.constant 9 : i32
      %get3A_412 = arith.index_cast %select_n3A_57 : i32 to index
      %get3A_413 = arith.index_cast %sub3A_99 : i32 to index
      %get3A_414 = arith.index_cast %get3A_411 : i32 to index
      %get3A_415 = arith.constant 0 : index
      %get3A_416 = tpu.vector_load %arg8[%get3A_412, %get3A_413, %get3A_414, %get3A_415] {strides = array<i32>} : memref<2x13x16x128xbf16, #tpu.memory_space<vmem>>, vector<32xbf16>,
      %get3A_417 = arith.constant 9 : i32
      %get3A_418 = arith.index_cast %select_n3A_57 : i32 to index
      %get3A_419 = arith.index_cast %sub3A_99 : i32 to index
      %get3A_420 = arith.index_cast %get3A_417 : i32 to index
      %get3A_421 = arith.constant 32 : index
      %get3A_422 = tpu.vector_load %arg8[%get3A_418, %get3A_419, %get3A_420, %get3A_421] {strides = array<i32>} : memref<2x13x16x128xbf16, #tpu.memory_space<vmem>>, vector<32xbf16>,
      %unpack3A_423 = tpu.unpack_subelements %get3A_416, 0 {pack_format = #tpu.pack_format<interleaved>} : vector<32xbf16> -> vector<16xf32>
      %unpack3A_424 = tpu.unpack_subelements %get3A_416, 1 {pack_format = #tpu.pack_format<interleaved>} : vector<32xbf16> -> vector<16xf32>
      %unpack3A_425 = tpu.unpack_subelements %get3A_422, 0 {pack_format = #tpu.pack_format<interleaved>} : vector<32xbf16> -> vector<16xf32>
      %unpack3A_426 = tpu.unpack_subelements %get3A_422, 1 {pack_format = #tpu.pack_format<interleaved>} : vector<32xbf16> -> vector<16xf32>
      %mul3A_427 = arith.mulf %unpack3A_423, %broadcast_in_dim3A_410 : vector<16xf32>
      %add3A_428 = arith.addf %add3A_396, %mul3A_427 : vector<16xf32>
      %mul3A_429 = arith.mulf %unpack3A_424, %broadcast_in_dim3A_410 : vector<16xf32>
      %add3A_430 = arith.addf %add3A_398, %mul3A_429 : vector<16xf32>
      %mul3A_431 = arith.mulf %unpack3A_425, %broadcast_in_dim3A_410 : vector<16xf32>
      %add3A_432 = arith.addf %add3A_400, %mul3A_431 : vector<16xf32>
      %mul3A_433 = arith.mulf %unpack3A_426, %broadcast_in_dim3A_410 : vector<16xf32>
      %add3A_434 = arith.addf %add3A_402, %mul3A_433 : vector<16xf32>
      %add3A_435 = arith.constant 10 : i32
      %add3A_436 = arith.addi %min3A_114, %add3A_435 : i32
      %ge3A_437 = arith.cmpi sge, %add3A_436, %mul3A_116 : i32
      %lt3A_438 = arith.cmpi slt, %add3A_436, %squeeze3A_40 : i32
      %and3A_439 = arith.andi %ge3A_437, %lt3A_438 : i1
      %convert_element_type3A_440 = arith.extui %and3A_439 : i1 to i32
      %convert_element_type3A_441 = arith.sitofp %convert_element_type3A_440 : i32 to f32
      %broadcast_in_dim3A_442 = vector.broadcast %convert_element_type3A_441 : f32 to vector<16xf32>
      %get3A_443 = arith.constant 10 : i32
      %get3A_444 = arith.index_cast %select_n3A_57 : i32 to index
      %get3A_445 = arith.index_cast %sub3A_99 : i32 to index
      %get3A_446 = arith.index_cast %get3A_443 : i32 to index
      %get3A_447 = arith.constant 0 : index
      %get3A_448 = tpu.vector_load %arg8[%get3A_444, %get3A_445, %get3A_446, %get3A_447] {strides = array<i32>} : memref<2x13x16x128xbf16, #tpu.memory_space<vmem>>, vector<32xbf16>,
      %get3A_449 = arith.constant 10 : i32
      %get3A_450 = arith.index_cast %select_n3A_57 : i32 to index
      %get3A_451 = arith.index_cast %sub3A_99 : i32 to index
      %get3A_452 = arith.index_cast %get3A_449 : i32 to index
      %get3A_453 = arith.constant 32 : index
      %get3A_454 = tpu.vector_load %arg8[%get3A_450, %get3A_451, %get3A_452, %get3A_453] {strides = array<i32>} : memref<2x13x16x128xbf16, #tpu.memory_space<vmem>>, vector<32xbf16>,
      %unpack3A_455 = tpu.unpack_subelements %get3A_448, 0 {pack_format = #tpu.pack_format<interleaved>} : vector<32xbf16> -> vector<16xf32>
      %unpack3A_456 = tpu.unpack_subelements %get3A_448, 1 {pack_format = #tpu.pack_format<interleaved>} : vector<32xbf16> -> vector<16xf32>
      %unpack3A_457 = tpu.unpack_subelements %get3A_454, 0 {pack_format = #tpu.pack_format<interleaved>} : vector<32xbf16> -> vector<16xf32>
      %unpack3A_458 = tpu.unpack_subelements %get3A_454, 1 {pack_format = #tpu.pack_format<interleaved>} : vector<32xbf16> -> vector<16xf32>
      %mul3A_459 = arith.mulf %unpack3A_455, %broadcast_in_dim3A_442 : vector<16xf32>
      %add3A_460 = arith.addf %add3A_428, %mul3A_459 : vector<16xf32>
      %mul3A_461 = arith.mulf %unpack3A_456, %broadcast_in_dim3A_442 : vector<16xf32>
      %add3A_462 = arith.addf %add3A_430, %mul3A_461 : vector<16xf32>
      %mul3A_463 = arith.mulf %unpack3A_457, %broadcast_in_dim3A_442 : vector<16xf32>
      %add3A_464 = arith.addf %add3A_432, %mul3A_463 : vector<16xf32>
      %mul3A_465 = arith.mulf %unpack3A_458, %broadcast_in_dim3A_442 : vector<16xf32>
      %add3A_466 = arith.addf %add3A_434, %mul3A_465 : vector<16xf32>
      %add3A_467 = arith.constant 11 : i32
      %add3A_468 = arith.addi %min3A_114, %add3A_467 : i32
      %ge3A_469 = arith.cmpi sge, %add3A_468, %mul3A_116 : i32
      %lt3A_470 = arith.cmpi slt, %add3A_468, %squeeze3A_40 : i32
      %and3A_471 = arith.andi %ge3A_469, %lt3A_470 : i1
      %convert_element_type3A_472 = arith.extui %and3A_471 : i1 to i32
      %convert_element_type3A_473 = arith.sitofp %convert_element_type3A_472 : i32 to f32
      %broadcast_in_dim3A_474 = vector.broadcast %convert_element_type3A_473 : f32 to vector<16xf32>
      %get3A_475 = arith.constant 11 : i32
      %get3A_476 = arith.index_cast %select_n3A_57 : i32 to index
      %get3A_477 = arith.index_cast %sub3A_99 : i32 to index
      %get3A_478 = arith.index_cast %get3A_475 : i32 to index
      %get3A_479 = arith.constant 0 : index
      %get3A_480 = tpu.vector_load %arg8[%get3A_476, %get3A_477, %get3A_478, %get3A_479] {strides = array<i32>} : memref<2x13x16x128xbf16, #tpu.memory_space<vmem>>, vector<32xbf16>,
      %get3A_481 = arith.constant 11 : i32
      %get3A_482 = arith.index_cast %select_n3A_57 : i32 to index
      %get3A_483 = arith.index_cast %sub3A_99 : i32 to index
      %get3A_484 = arith.index_cast %get3A_481 : i32 to index
      %get3A_485 = arith.constant 32 : index
      %get3A_486 = tpu.vector_load %arg8[%get3A_482, %get3A_483, %get3A_484, %get3A_485] {strides = array<i32>} : memref<2x13x16x128xbf16, #tpu.memory_space<vmem>>, vector<32xbf16>,
      %unpack3A_487 = tpu.unpack_subelements %get3A_480, 0 {pack_format = #tpu.pack_format<interleaved>} : vector<32xbf16> -> vector<16xf32>
      %unpack3A_488 = tpu.unpack_subelements %get3A_480, 1 {pack_format = #tpu.pack_format<interleaved>} : vector<32xbf16> -> vector<16xf32>
      %unpack3A_489 = tpu.unpack_subelements %get3A_486, 0 {pack_format = #tpu.pack_format<interleaved>} : vector<32xbf16> -> vector<16xf32>
      %unpack3A_490 = tpu.unpack_subelements %get3A_486, 1 {pack_format = #tpu.pack_format<interleaved>} : vector<32xbf16> -> vector<16xf32>
      %mul3A_491 = arith.mulf %unpack3A_487, %broadcast_in_dim3A_474 : vector<16xf32>
      %add3A_492 = arith.addf %add3A_460, %mul3A_491 : vector<16xf32>
      %mul3A_493 = arith.mulf %unpack3A_488, %broadcast_in_dim3A_474 : vector<16xf32>
      %add3A_494 = arith.addf %add3A_462, %mul3A_493 : vector<16xf32>
      %mul3A_495 = arith.mulf %unpack3A_489, %broadcast_in_dim3A_474 : vector<16xf32>
      %add3A_496 = arith.addf %add3A_464, %mul3A_495 : vector<16xf32>
      %mul3A_497 = arith.mulf %unpack3A_490, %broadcast_in_dim3A_474 : vector<16xf32>
      %add3A_498 = arith.addf %add3A_466, %mul3A_497 : vector<16xf32>
      %add3A_499 = arith.constant 12 : i32
      %add3A_500 = arith.addi %min3A_114, %add3A_499 : i32
      %ge3A_501 = arith.cmpi sge, %add3A_500, %mul3A_116 : i32
      %lt3A_502 = arith.cmpi slt, %add3A_500, %squeeze3A_40 : i32
      %and3A_503 = arith.andi %ge3A_501, %lt3A_502 : i1
      %convert_element_type3A_504 = arith.extui %and3A_503 : i1 to i32
      %convert_element_type3A_505 = arith.sitofp %convert_element_type3A_504 : i32 to f32
      %broadcast_in_dim3A_506 = vector.broadcast %convert_element_type3A_505 : f32 to vector<16xf32>
      %get3A_507 = arith.constant 12 : i32
      %get3A_508 = arith.index_cast %select_n3A_57 : i32 to index
      %get3A_509 = arith.index_cast %sub3A_99 : i32 to index
      %get3A_510 = arith.index_cast %get3A_507 : i32 to index
      %get3A_511 = arith.constant 0 : index
      %get3A_512 = tpu.vector_load %arg8[%get3A_508, %get3A_509, %get3A_510, %get3A_511] {strides = array<i32>} : memref<2x13x16x128xbf16, #tpu.memory_space<vmem>>, vector<32xbf16>,
      %get3A_513 = arith.constant 12 : i32
      %get3A_514 = arith.index_cast %select_n3A_57 : i32 to index
      %get3A_515 = arith.index_cast %sub3A_99 : i32 to index
      %get3A_516 = arith.index_cast %get3A_513 : i32 to index
      %get3A_517 = arith.constant 32 : index
      %get3A_518 = tpu.vector_load %arg8[%get3A_514, %get3A_515, %get3A_516, %get3A_517] {strides = array<i32>} : memref<2x13x16x128xbf16, #tpu.memory_space<vmem>>, vector<32xbf16>,
      %unpack3A_519 = tpu.unpack_subelements %get3A_512, 0 {pack_format = #tpu.pack_format<interleaved>} : vector<32xbf16> -> vector<16xf32>
      %unpack3A_520 = tpu.unpack_subelements %get3A_512, 1 {pack_format = #tpu.pack_format<interleaved>} : vector<32xbf16> -> vector<16xf32>
      %unpack3A_521 = tpu.unpack_subelements %get3A_518, 0 {pack_format = #tpu.pack_format<interleaved>} : vector<32xbf16> -> vector<16xf32>
      %unpack3A_522 = tpu.unpack_subelements %get3A_518, 1 {pack_format = #tpu.pack_format<interleaved>} : vector<32xbf16> -> vector<16xf32>
      %mul3A_523 = arith.mulf %unpack3A_519, %broadcast_in_dim3A_506 : vector<16xf32>
      %add3A_524 = arith.addf %add3A_492, %mul3A_523 : vector<16xf32>
      %mul3A_525 = arith.mulf %unpack3A_520, %broadcast_in_dim3A_506 : vector<16xf32>
      %add3A_526 = arith.addf %add3A_494, %mul3A_525 : vector<16xf32>
      %mul3A_527 = arith.mulf %unpack3A_521, %broadcast_in_dim3A_506 : vector<16xf32>
      %add3A_528 = arith.addf %add3A_496, %mul3A_527 : vector<16xf32>
      %mul3A_529 = arith.mulf %unpack3A_522, %broadcast_in_dim3A_506 : vector<16xf32>
      %add3A_530 = arith.addf %add3A_498, %mul3A_529 : vector<16xf32>
      %add3A_531 = arith.constant 13 : i32
      %add3A_532 = arith.addi %min3A_114, %add3A_531 : i32
      %ge3A_533 = arith.cmpi sge, %add3A_532, %mul3A_116 : i32
      %lt3A_534 = arith.cmpi slt, %add3A_532, %squeeze3A_40 : i32
      %and3A_535 = arith.andi %ge3A_533, %lt3A_534 : i1
      %convert_element_type3A_536 = arith.extui %and3A_535 : i1 to i32
      %convert_element_type3A_537 = arith.sitofp %convert_element_type3A_536 : i32 to f32
      %broadcast_in_dim3A_538 = vector.broadcast %convert_element_type3A_537 : f32 to vector<16xf32>
      %get3A_539 = arith.constant 13 : i32
      %get3A_540 = arith.index_cast %select_n3A_57 : i32 to index
      %get3A_541 = arith.index_cast %sub3A_99 : i32 to index
      %get3A_542 = arith.index_cast %get3A_539 : i32 to index
      %get3A_543 = arith.constant 0 : index
      %get3A_544 = tpu.vector_load %arg8[%get3A_540, %get3A_541, %get3A_542, %get3A_543] {strides = array<i32>} : memref<2x13x16x128xbf16, #tpu.memory_space<vmem>>, vector<32xbf16>,
      %get3A_545 = arith.constant 13 : i32
      %get3A_546 = arith.index_cast %select_n3A_57 : i32 to index
      %get3A_547 = arith.index_cast %sub3A_99 : i32 to index
      %get3A_548 = arith.index_cast %get3A_545 : i32 to index
      %get3A_549 = arith.constant 32 : index
      %get3A_550 = tpu.vector_load %arg8[%get3A_546, %get3A_547, %get3A_548, %get3A_549] {strides = array<i32>} : memref<2x13x16x128xbf16, #tpu.memory_space<vmem>>, vector<32xbf16>,
      %unpack3A_551 = tpu.unpack_subelements %get3A_544, 0 {pack_format = #tpu.pack_format<interleaved>} : vector<32xbf16> -> vector<16xf32>
      %unpack3A_552 = tpu.unpack_subelements %get3A_544, 1 {pack_format = #tpu.pack_format<interleaved>} : vector<32xbf16> -> vector<16xf32>
      %unpack3A_553 = tpu.unpack_subelements %get3A_550, 0 {pack_format = #tpu.pack_format<interleaved>} : vector<32xbf16> -> vector<16xf32>
      %unpack3A_554 = tpu.unpack_subelements %get3A_550, 1 {pack_format = #tpu.pack_format<interleaved>} : vector<32xbf16> -> vector<16xf32>
      %mul3A_555 = arith.mulf %unpack3A_551, %broadcast_in_dim3A_538 : vector<16xf32>
      %add3A_556 = arith.addf %add3A_524, %mul3A_555 : vector<16xf32>
      %mul3A_557 = arith.mulf %unpack3A_552, %broadcast_in_dim3A_538 : vector<16xf32>
      %add3A_558 = arith.addf %add3A_526, %mul3A_557 : vector<16xf32>
      %mul3A_559 = arith.mulf %unpack3A_553, %broadcast_in_dim3A_538 : vector<16xf32>
      %add3A_560 = arith.addf %add3A_528, %mul3A_559 : vector<16xf32>
      %mul3A_561 = arith.mulf %unpack3A_554, %broadcast_in_dim3A_538 : vector<16xf32>
      %add3A_562 = arith.addf %add3A_530, %mul3A_561 : vector<16xf32>
      %add3A_563 = arith.constant 14 : i32
      %add3A_564 = arith.addi %min3A_114, %add3A_563 : i32
      %ge3A_565 = arith.cmpi sge, %add3A_564, %mul3A_116 : i32
      %lt3A_566 = arith.cmpi slt, %add3A_564, %squeeze3A_40 : i32
      %and3A_567 = arith.andi %ge3A_565, %lt3A_566 : i1
      %convert_element_type3A_568 = arith.extui %and3A_567 : i1 to i32
      %convert_element_type3A_569 = arith.sitofp %convert_element_type3A_568 : i32 to f32
      %broadcast_in_dim3A_570 = vector.broadcast %convert_element_type3A_569 : f32 to vector<16xf32>
      %get3A_571 = arith.constant 14 : i32
      %get3A_572 = arith.index_cast %select_n3A_57 : i32 to index
      %get3A_573 = arith.index_cast %sub3A_99 : i32 to index
      %get3A_574 = arith.index_cast %get3A_571 : i32 to index
      %get3A_575 = arith.constant 0 : index
      %get3A_576 = tpu.vector_load %arg8[%get3A_572, %get3A_573, %get3A_574, %get3A_575] {strides = array<i32>} : memref<2x13x16x128xbf16, #tpu.memory_space<vmem>>, vector<32xbf16>,
      %get3A_577 = arith.constant 14 : i32
      %get3A_578 = arith.index_cast %select_n3A_57 : i32 to index
      %get3A_579 = arith.index_cast %sub3A_99 : i32 to index
      %get3A_580 = arith.index_cast %get3A_577 : i32 to index
      %get3A_581 = arith.constant 32 : index
      %get3A_582 = tpu.vector_load %arg8[%get3A_578, %get3A_579, %get3A_580, %get3A_581] {strides = array<i32>} : memref<2x13x16x128xbf16, #tpu.memory_space<vmem>>, vector<32xbf16>,
      %unpack3A_583 = tpu.unpack_subelements %get3A_576, 0 {pack_format = #tpu.pack_format<interleaved>} : vector<32xbf16> -> vector<16xf32>
      %unpack3A_584 = tpu.unpack_subelements %get3A_576, 1 {pack_format = #tpu.pack_format<interleaved>} : vector<32xbf16> -> vector<16xf32>
      %unpack3A_585 = tpu.unpack_subelements %get3A_582, 0 {pack_format = #tpu.pack_format<interleaved>} : vector<32xbf16> -> vector<16xf32>
      %unpack3A_586 = tpu.unpack_subelements %get3A_582, 1 {pack_format = #tpu.pack_format<interleaved>} : vector<32xbf16> -> vector<16xf32>
      %mul3A_587 = arith.mulf %unpack3A_583, %broadcast_in_dim3A_570 : vector<16xf32>
      %add3A_588 = arith.addf %add3A_556, %mul3A_587 : vector<16xf32>
      %mul3A_589 = arith.mulf %unpack3A_584, %broadcast_in_dim3A_570 : vector<16xf32>
      %add3A_590 = arith.addf %add3A_558, %mul3A_589 : vector<16xf32>
      %mul3A_591 = arith.mulf %unpack3A_585, %broadcast_in_dim3A_570 : vector<16xf32>
      %add3A_592 = arith.addf %add3A_560, %mul3A_591 : vector<16xf32>
      %mul3A_593 = arith.mulf %unpack3A_586, %broadcast_in_dim3A_570 : vector<16xf32>
      %add3A_594 = arith.addf %add3A_562, %mul3A_593 : vector<16xf32>
      %add3A_595 = arith.constant 15 : i32
      %add3A_596 = arith.addi %min3A_114, %add3A_595 : i32
      %ge3A_597 = arith.cmpi sge, %add3A_596, %mul3A_116 : i32
      %lt3A_598 = arith.cmpi slt, %add3A_596, %squeeze3A_40 : i32
      %and3A_599 = arith.andi %ge3A_597, %lt3A_598 : i1
      %convert_element_type3A_600 = arith.extui %and3A_599 : i1 to i32
      %convert_element_type3A_601 = arith.sitofp %convert_element_type3A_600 : i32 to f32
      %broadcast_in_dim3A_602 = vector.broadcast %convert_element_type3A_601 : f32 to vector<16xf32>
      %get3A_603 = arith.constant 15 : i32
      %get3A_604 = arith.index_cast %select_n3A_57 : i32 to index
      %get3A_605 = arith.index_cast %sub3A_99 : i32 to index
      %get3A_606 = arith.index_cast %get3A_603 : i32 to index
      %get3A_607 = arith.constant 0 : index
      %get3A_608 = tpu.vector_load %arg8[%get3A_604, %get3A_605, %get3A_606, %get3A_607] {strides = array<i32>} : memref<2x13x16x128xbf16, #tpu.memory_space<vmem>>, vector<32xbf16>,
      %get3A_609 = arith.constant 15 : i32
      %get3A_610 = arith.index_cast %select_n3A_57 : i32 to index
      %get3A_611 = arith.index_cast %sub3A_99 : i32 to index
      %get3A_612 = arith.index_cast %get3A_609 : i32 to index
      %get3A_613 = arith.constant 32 : index
      %get3A_614 = tpu.vector_load %arg8[%get3A_610, %get3A_611, %get3A_612, %get3A_613] {strides = array<i32>} : memref<2x13x16x128xbf16, #tpu.memory_space<vmem>>, vector<32xbf16>,
      %unpack3A_615 = tpu.unpack_subelements %get3A_608, 0 {pack_format = #tpu.pack_format<interleaved>} : vector<32xbf16> -> vector<16xf32>
      %unpack3A_616 = tpu.unpack_subelements %get3A_608, 1 {pack_format = #tpu.pack_format<interleaved>} : vector<32xbf16> -> vector<16xf32>
      %unpack3A_617 = tpu.unpack_subelements %get3A_614, 0 {pack_format = #tpu.pack_format<interleaved>} : vector<32xbf16> -> vector<16xf32>
      %unpack3A_618 = tpu.unpack_subelements %get3A_614, 1 {pack_format = #tpu.pack_format<interleaved>} : vector<32xbf16> -> vector<16xf32>
      %mul3A_619 = arith.mulf %unpack3A_615, %broadcast_in_dim3A_602 : vector<16xf32>
      %add3A_620 = arith.addf %add3A_588, %mul3A_619 : vector<16xf32>
      %mul3A_621 = arith.mulf %unpack3A_616, %broadcast_in_dim3A_602 : vector<16xf32>
      %add3A_622 = arith.addf %add3A_590, %mul3A_621 : vector<16xf32>
      %mul3A_623 = arith.mulf %unpack3A_617, %broadcast_in_dim3A_602 : vector<16xf32>
      %add3A_624 = arith.addf %add3A_592, %mul3A_623 : vector<16xf32>
      %mul3A_625 = arith.mulf %unpack3A_618, %broadcast_in_dim3A_602 : vector<16xf32>
      %add3A_626 = arith.addf %add3A_594, %mul3A_625 : vector<16xf32>
      %convert_element_type3A_627 = arith.sitofp %squeeze3A_40 : i32 to f32
      %broadcast_in_dim3A_628 = vector.broadcast %convert_element_type3A_627 : f32 to vector<16xf32>
      %div3A_629 = arith.divf %add3A_620, %broadcast_in_dim3A_628 : vector<16xf32>
      %swap3A = arith.index_cast %scan3A_36 : i32 to index
      %swap3A_630 = arith.constant 0 : index
      %swap3A_631 = tpu.vector_load %arg9[%swap3A, %swap3A_630] {strides = array<i32>} : memref<128x64xf32, #tpu.memory_space<vmem>>, vector<16xf32>,
      tpu.vector_store %arg9[%swap3A, %swap3A_630], %div3A_629 {strides = array<i32>} : memref<128x64xf32, #tpu.memory_space<vmem>>, vector<16xf32>,
      %div3A_632 = arith.divf %add3A_622, %broadcast_in_dim3A_628 : vector<16xf32>
      %swap3A_633 = arith.index_cast %scan3A_36 : i32 to index
      %swap3A_634 = arith.constant 16 : index
      %swap3A_635 = tpu.vector_load %arg9[%swap3A_633, %swap3A_634] {strides = array<i32>} : memref<128x64xf32, #tpu.memory_space<vmem>>, vector<16xf32>,
      tpu.vector_store %arg9[%swap3A_633, %swap3A_634], %div3A_632 {strides = array<i32>} : memref<128x64xf32, #tpu.memory_space<vmem>>, vector<16xf32>,
      %div3A_636 = arith.divf %add3A_624, %broadcast_in_dim3A_628 : vector<16xf32>
      %swap3A_637 = arith.index_cast %scan3A_36 : i32 to index
      %swap3A_638 = arith.constant 32 : index
      %swap3A_639 = tpu.vector_load %arg9[%swap3A_637, %swap3A_638] {strides = array<i32>} : memref<128x64xf32, #tpu.memory_space<vmem>>, vector<16xf32>,
      tpu.vector_store %arg9[%swap3A_637, %swap3A_638], %div3A_636 {strides = array<i32>} : memref<128x64xf32, #tpu.memory_space<vmem>>, vector<16xf32>,
      %div3A_640 = arith.divf %add3A_626, %broadcast_in_dim3A_628 : vector<16xf32>
      %swap3A_641 = arith.index_cast %scan3A_36 : i32 to index
      %swap3A_642 = arith.constant 48 : index
      %swap3A_643 = tpu.vector_load %arg9[%swap3A_641, %swap3A_642] {strides = array<i32>} : memref<128x64xf32, #tpu.memory_space<vmem>>, vector<16xf32>,
      tpu.vector_store %arg9[%swap3A_641, %swap3A_642], %div3A_640 {strides = array<i32>} : memref<128x64xf32, #tpu.memory_space<vmem>>, vector<16xf32>,
    }
    %scan3A_35 = arith.constant 128 : i32
    "tpu.region"() ({
      %run_scoped3A = tpu.sem_alloc : memref<!tpu.dma_semaphore, #tpu.memory_space<semaphore_mem>>
      %dma_start3A = arith.constant 0 : i32
      %dma_start3A_36 = tpu.memref_slice %arg5[%mul3A_2, %dma_start3A] : memref<4096x64xf32, #tpu.memory_space<hbm>> -> memref<128x64xf32, #tpu.memory_space<hbm>>
      %dma_start3A_37 = arith.constant 0 : i32
      %dma_start3A_38 = tpu.memref_slice %arg5[%mul3A_2, %dma_start3A_37] : memref<4096x64xf32, #tpu.memory_space<hbm>> -> memref<128x64xf32, #tpu.memory_space<hbm>>
      tpu.enqueue_dma source(%arg9 : memref<128x64xf32, #tpu.memory_space<vmem>>) target(%dma_start3A_38 : memref<128x64xf32, #tpu.memory_space<hbm>>) target_semaphore(%run_scoped3A : memref<!tpu.dma_semaphore, #tpu.memory_space<semaphore_mem>>)
      %dma_wait3A = arith.constant 0 : i32
      %dma_wait3A_39 = tpu.memref_slice %arg5[%mul3A_2, %dma_wait3A] : memref<4096x64xf32, #tpu.memory_space<hbm>> -> memref<128x64xf32, #tpu.memory_space<hbm>>
      %dma_wait3A_40 = arith.constant 0 : i32
      %dma_wait3A_41 = tpu.memref_slice %arg5[%mul3A_2, %dma_wait3A_40] : memref<4096x64xf32, #tpu.memory_space<hbm>> -> memref<128x64xf32, #tpu.memory_space<hbm>>
      tpu.wait_dma2 semaphore(%run_scoped3A : memref<!tpu.dma_semaphore, #tpu.memory_space<semaphore_mem>>) src(%arg9 : memref<128x64xf32, #tpu.memory_space<vmem>>) dst(%dma_wait3A_41 : memref<128x64xf32, #tpu.memory_space<hbm>>)
      tpu.yield
    }) : () -> ()
    return
  }
}

module attributes {stable_mosaic.version = 14 : i64} {
  func.func @body(%arg0: memref<4096x64xf32, #tpu.memory_space<vmem>>, %arg1: memref<256x64xf32, #tpu.memory_space<vmem>>, %arg2: memref<256xf32, #tpu.memory_space<vmem>>, %arg3: memref<2x256xf32, #tpu.memory_space<vmem>>, %arg4: memref<2xf32, #tpu.memory_space<vmem>>, %arg5: memref<4096x2xf32, #tpu.memory_space<vmem>>) attributes {dimension_semantics = [], scalar_prefetch = 0 : i64, scratch_operands = 0 : i64, tpu.core_type = #tpu.core_type<tc>} {
    %get3A = arith.constant 0 : index
    %get3A_0 = arith.constant 0 : index
    %get3A_1 = vector.load %arg0[%get3A, %get3A_0] : memref<4096x64xf32, #tpu.memory_space<vmem>>, vector<4096x64xf32>
    %get3A_2 = arith.constant 0 : index
    %get3A_3 = arith.constant 0 : index
    %get3A_4 = vector.load %arg1[%get3A_2, %get3A_3] : memref<256x64xf32, #tpu.memory_space<vmem>>, vector<256x64xf32>
    %dot_general3A = arith.constant dense<0.000000e+00> : vector<4096x256xf32>
    %dot_general3A_5 = tpu.matmul %get3A_1, %get3A_4, %dot_general3A {dimension_numbers = #tpu.dot_dimension_numbers<[1], [1], [0], [0], [0, 0, 1, 0], [], []>, transpose_lhs_hint = false} : vector<4096x64xf32>, vector<256x64xf32>, vector<4096x256xf32> -> vector<4096x256xf32>
    %get3A_6 = arith.constant 0 : index
    %get3A_7 = vector.load %arg2[%get3A_6] : memref<256xf32, #tpu.memory_space<vmem>>, vector<256xf32>
    %broadcast_in_dim3A = vector.shape_cast %get3A_7 : vector<256xf32> to vector<1x256xf32>
    %add3A = vector.broadcast %broadcast_in_dim3A : vector<1x256xf32> to vector<4096x256xf32>
    %add3A_8 = arith.addf %dot_general3A_5, %add3A : vector<4096x256xf32>
    %max3A = arith.constant 0.000000e+00 : f32
    %max3A_9 = vector.broadcast %max3A : f32 to vector<4096x256xf32>
    %max3A_10 = arith.maximumf %add3A_8, %max3A_9 : vector<4096x256xf32>
    %get3A_11 = arith.constant 0 : index
    %get3A_12 = arith.constant 0 : index
    %get3A_13 = vector.load %arg3[%get3A_11, %get3A_12] : memref<2x256xf32, #tpu.memory_space<vmem>>, vector<2x256xf32>
    %dot_general3A_14 = arith.constant dense<0.000000e+00> : vector<4096x2xf32>
    %dot_general3A_15 = tpu.matmul %max3A_10, %get3A_13, %dot_general3A_14 {dimension_numbers = #tpu.dot_dimension_numbers<[1], [1], [0], [0], [0, 0, 1, 0], [], []>, transpose_lhs_hint = false} : vector<4096x256xf32>, vector<2x256xf32>, vector<4096x2xf32> -> vector<4096x2xf32>
    %get3A_16 = arith.constant 0 : index
    %get3A_17 = vector.load %arg4[%get3A_16] : memref<2xf32, #tpu.memory_space<vmem>>, vector<2xf32>
    %broadcast_in_dim3A_18 = vector.shape_cast %get3A_17 : vector<2xf32> to vector<1x2xf32>
    %add3A_19 = vector.broadcast %broadcast_in_dim3A_18 : vector<1x2xf32> to vector<4096x2xf32>
    %add3A_20 = arith.addf %dot_general3A_15, %add3A_19 : vector<4096x2xf32>
    %reduce_max3A = arith.constant dense<0xFF800000> : vector<4096xf32>
    %reduce_max3A_21 = vector.multi_reduction <maximumf>, %add3A_20, %reduce_max3A [1] : vector<4096x2xf32> to vector<4096xf32>
    %broadcast_in_dim3A_22 = vector.shape_cast %reduce_max3A_21 : vector<4096xf32> to vector<4096x1xf32>
    %sub3A = vector.broadcast %broadcast_in_dim3A_22 : vector<4096x1xf32> to vector<4096x2xf32>
    %sub3A_23 = arith.subf %add3A_20, %sub3A : vector<4096x2xf32>
    %exp3A = math.exp %sub3A_23 : vector<4096x2xf32>
    %reduce_sum3A = arith.constant dense<0.000000e+00> : vector<4096xf32>
    %reduce_sum3A_24 = vector.multi_reduction <add>, %exp3A, %reduce_sum3A [1] : vector<4096x2xf32> to vector<4096xf32>
    %broadcast_in_dim3A_25 = vector.shape_cast %reduce_sum3A_24 : vector<4096xf32> to vector<4096x1xf32>
    %log3A = math.log %broadcast_in_dim3A_25 : vector<4096x1xf32>
    %add3A_26 = arith.addf %log3A, %broadcast_in_dim3A_22 : vector<4096x1xf32>
    %sub3A_27 = vector.broadcast %add3A_26 : vector<4096x1xf32> to vector<4096x2xf32>
    %sub3A_28 = arith.subf %add3A_20, %sub3A_27 : vector<4096x2xf32>
    %swap3A = arith.constant 0 : index
    %swap3A_29 = arith.constant 0 : index
    %swap3A_30 = vector.load %arg5[%swap3A, %swap3A_29] : memref<4096x2xf32, #tpu.memory_space<vmem>>, vector<4096x2xf32>
    tpu.vector_store %arg5[%swap3A, %swap3A_29], %sub3A_28 {strides = array<i32>} : memref<4096x2xf32, #tpu.memory_space<vmem>>, vector<4096x2xf32>,
    return
  }
}

</mosaic_0001>

<sc_bundles>
// kernel: kernel.4.cloned.1.call-start
scs
__scs_entry_jumppad:
0x0: {  	(pc) =	sbr.rel $0x88, $3  }
0x1: {  	(tag) =	ssettag $0x0;
	lr =	simm.s32 $0x1  }
0x2: {  	[smem:$0x3F9A] =	sst lr;
	_ =	strace $0xD0000000  }
0x3: {  	_ = 	snop  }
0x4: {  	_ = 	snop  }
0x5: {  	_ = 	snop  }
0x6: {  	_ = 	snop  }
0x7: {  	_ = 	snop  }
__scs_overlays_trampoline_lowered:
0x8: {  	[smem:$0x3FA9] =	sst s0  }
0x9: {  	[smem:$0x3FAA] =	sst s1  }
0xa: {  	[smem:$0x3FAB] =	sst s2  }
0xb: {  	[smem:$0x3FAC] =	sst s3  }
0xc: {  	[smem:$0x3FAD] =	sst s4  }
0xd: {  	[smem:$0x3FAE] =	sst s5  }
0xe: {  	[smem:$0x3FAF] =	sst s6  }
0xf: {  	[smem:$0x3FB0] =	sst s7  }
0x10: {  	[smem:$0x3FB1] =	sst s8  }
0x11: {  	[smem:$0x3FB2] =	sst s9;
	s0 =	simm.s32 @!p0 $0x0  }
0x12: {  	s1 =	sld [smem:$0x3F98];
	s0 =	simm.s32 @p0 $0x1  }
0x13: {  	[smem:$0x3FB3] =	sst s0;
	s0 =	simm.s32 @!p1 $0x0  }
0x14: {  	s2 =	sld [smem:$0x3F97];
	s0 =	simm.s32 @p1 $0x1  }
0x15: {  	[smem:$0x3FB4] =	sst s0;
	s0 =	simm.s32 @!p2 $0x0  }
0x16: {  	s3 =	sld [smem:$0x3FDB];
	s0 =	simm.s32 @p2 $0x1  }
0x17: {  	s4 =	simm.s32 $0x1BF5;
	[smem:$0x3FB6] =	sst s0  }
0x18: {  	s0 =	sld [smem:$0x3F99];
	_ =	swait.ge [sflag:s4], $0x0  }
0x19: {  	s7 =	sld [smem:$0x3F9A]  }
0x1a: {  	s8 =	sadd.s32 $0xFFFFE003, lr  }
0x1b: {  	s9 =	sadd.s32 $0xFFFFFEF7, lr;
	s5 =	simm.s32 $0xFFFFFFFF;
	p2 =	slt.u32 s8, $0xFFFFF086  }
0x1c: {  	p1 =	slt.u32 s9, $0xF7A;
	s5 =	simm.s32 @!p2 $0x0  }
0x1d: {  	s5 =	simm.s32 @p1 $0x1;
	p0 =	seq.s32 s7, s2  }
0x1e: {  	s7 =	smul.u32 @!p0 $0xF7A, s2;
	p2 =	seq.s32 @!p0 s5, $0x0  }
0x1f: {  	s9 =	smul.u32 $0xF7A, s1;
	s8 =	simm.s32 @!p0 $0x1BF5;
	p2 =	por !p2, p0  }
0x20: {  	[sflag:s8] =	ssyncset.s32 @!p0 $0xFFFFF086;
	s6 =	sadd.s32 @!p0 s3, s7;
	s7 =	simm.s32 @!p0 $0x108  }
0x21: {  	s3 =	sadd.s32 s3, s9;
	s6 =	sadd.s32 @!p0 $0x88, s6;
	s7 =	simm.s32 @p2 $0x1082  }
0x22: {  	[simem:s7], [sflag:s8] =	dma.local @!p0 [hbm:s6], $0xF7A  }
0x23: {  	s9 =	sor.u32 $0xD0000000, s2;
	s6 =	simm.s32 $0x108;
	_ =	swait.ge @!p0 [sflag:s8], $0x0  }
0x24: {  	s3 =	sadd.s32 $0x88, s3;
	s6 =	simm.s32 @!p1 $0x1082;
	[sflag:s4] =	ssyncset.s32 $0xFFFFF086  }
0x25: {  	[simem:s6], [sflag:s4] =	dma.local [hbm:s3], $0xF7A  }
0x26: {  	[smem:$0x3F9A] =	sst s1;
	(tag) =	ssettag s2;
	_ =	strace s9  }
0x27: {  	s1 =	sld [smem:$0x3FAA]  }
0x28: {  	s2 =	sld [smem:$0x3FAB]  }
0x29: {  	s4 =	sld [smem:$0x3FAD]  }
0x2a: {  	p0 =	seq.s32 s5, $0x0;
	s5 =	sld [smem:$0x3FAE]  }
0x2b: {  	s6 =	sld [smem:$0x3FAF]  }
0x2c: {  	s7 =	sld [smem:$0x3FB0]  }
0x2d: {  	s3 =	simm.s32 $0x108;
	s8 =	sld [smem:$0x3FB1]  }
0x2e: {  	s3 =	simm.s32 @!p0 $0x1082;
	s9 =	sld [smem:$0x3FB2]  }
0x2f: {  	lr =	sadd.s32 s0, s3;
	s0 =	sld [smem:$0x3FA9]  }
0x30: {  	s3 =	sld [smem:$0x3FAC]  }
0x31: {  	[smem:$0x3FB5] =	sst s10  }
0x32: {  	s10 =	sld [smem:$0x3FB3];
	_ =	sdelay $0x3  }
0x33: {  	p0 =	seq.s32 s10, $0x1;
	s10 =	sld [smem:$0x3FB5];
	_ =	sdelay $0x3  }
0x34: {  	[smem:$0x3FB5] =	sst s10  }
0x35: {  	s10 =	sld [smem:$0x3FB4];
	_ =	sdelay $0x3  }
0x36: {  	p1 =	seq.s32 s10, $0x1;
	s10 =	sld [smem:$0x3FB5];
	_ =	sdelay $0x3  }
0x37: {  	[smem:$0x3FB5] =	sst s10  }
0x38: {  	s10 =	sld [smem:$0x3FB6]  }
0x39: {  	_ = 	snop;
	(pc) =	sbr.ind lr, $3  }
0x3a: {  	_ = 	snop  }
0x3b: {  	_ = 	snop  }
0x3c: {  	p2 =	seq.s32 s10, $0x1;
	s10 =	sld [smem:$0x3FB5]  }
0x3d: {  	_ =	shalt  }
0x3e: {  	_ =	shalt  }
0x3f: {  	_ =	shalt  }
0x40: {  	_ =	shalt  }
0x41: {  	_ =	shalt  }
0x42: {  	_ =	shalt  }
0x43: {  	_ =	shalt  }
0x44: {  	_ =	shalt  }
0x45: {  	_ =	shalt  }
0x46: {  	_ =	shalt  }
0x47: {  	_ =	shalt  }
0x48: {  	_ =	shalt  }
0x49: {  	_ =	shalt  }
0x4a: {  	_ =	shalt  }
0x4b: {  	_ =	shalt  }
0x4c: {  	_ =	shalt  }
0x4d: {  	_ =	shalt  }
0x4e: {  	_ =	shalt  }
0x4f: {  	_ =	shalt  }
0x50: {  	_ =	shalt  }
0x51: {  	_ =	shalt  }
0x52: {  	_ =	shalt  }
0x53: {  	_ =	shalt  }
0x54: {  	_ =	shalt  }
0x55: {  	_ =	shalt  }
0x56: {  	_ =	shalt  }
0x57: {  	_ =	shalt  }
0x58: {  	_ =	shalt  }
0x59: {  	_ =	shalt  }
0x5a: {  	_ =	shalt  }
0x5b: {  	_ =	shalt  }
0x5c: {  	_ =	shalt  }
0x5d: {  	_ =	shalt  }
0x5e: {  	_ =	shalt  }
0x5f: {  	_ =	shalt  }
0x60: {  	_ =	shalt  }
0x61: {  	_ =	shalt  }
0x62: {  	_ =	shalt  }
0x63: {  	_ =	shalt  }
0x64: {  	_ =	shalt  }
0x65: {  	_ =	shalt  }
0x66: {  	_ =	shalt  }
0x67: {  	_ =	shalt  }
0x68: {  	_ =	shalt  }
0x69: {  	_ =	shalt  }
0x6a: {  	_ =	shalt  }
0x6b: {  	_ =	shalt  }
0x6c: {  	_ =	shalt  }
0x6d: {  	_ =	shalt  }
0x6e: {  	_ =	shalt  }
0x6f: {  	_ =	shalt  }
0x70: {  	_ =	shalt  }
0x71: {  	_ =	shalt  }
0x72: {  	_ =	shalt  }
0x73: {  	_ =	shalt  }
0x74: {  	_ =	shalt  }
0x75: {  	_ =	shalt  }
0x76: {  	_ =	shalt  }
0x77: {  	_ =	shalt  }
0x78: {  	_ =	shalt  }
0x79: {  	_ =	shalt  }
0x7a: {  	_ =	shalt  }
0x7b: {  	_ =	shalt  }
0x7c: {  	_ =	shalt  }
0x7d: {  	_ =	shalt  }
0x7e: {  	_ =	shalt  }
0x7f: {  	_ =	shalt  }
0x80: {  	_ =	shalt  }
0x81: {  	_ =	shalt  }
0x82: {  	_ =	shalt  }
0x83: {  	_ =	shalt  }
0x84: {  	_ =	shalt  }
0x85: {  	_ =	shalt  }
0x86: {  	_ =	shalt  }
0x87: {  	_ =	shalt  }
.Lfunc_end0:
.L_simem_size_0:
called_computation.2_lowered:
.L_overlay_start_0:
0x88: {  	s2 =	sld [smem:$0x3FD9]  }
0x89: {  	s3 =	sld [smem:$0x3FFE];
	_ =	sdelay $0x1  }
0x8a: {  	s1 =	srdreg.scid  }
0x8b: {  	s0 =	sand.u32 $0x1, s1  }
0x8c: {  	s17 =	sshll.u32 s0, $0xA;
	s2 =	sadd.s32 s3, s2  }
0x8d: {  	s2 =	sadd.s32 s2, s17  }
0x8e: {  	[smem:$0x3FC1] =	sst s2  }
0x8f: {  	_ = 	snop  }
0x90: {  	s2 =	sld [smem:$0x3FC8];
	(tm) =	ssettm $0x1  }
0x91: {  	s18 =	sld [smem:$0x3FFB];
	_ =	sdelay $0x3  }
0x92: {  	_ =	strace s18  }
0x93: {  	s3 =	sld [smem:$0x3FFC];
	_ =	sdelay $0x3  }
0x94: {  	_ =	strace s3  }
0x95: {  	s3 =	sld [smem:$0x3FFD];
	_ =	sdelay $0x3  }
0x96: {  	_ =	strace s3  }
0x97: {  	_ =	strace $0x8FFFFFFF  }
0x98: {  	s19 =	sld [smem:$0x3FDB];
	_ =	sdelay $0x1  }
0x99: {  	s4 =	simm.s32 $_scs_section_size  }
0x9a: {  	s5 =	simm.s32 $_size__tile_overlayer_lowered;
	s6 =	simm.s32 $_tile_overlayer_lowered  }
0x9b: {  	s22 =	simm.s32 $0x1BFF;
	s21 =	sshll.u32 s6, $0x1;
	s3 =	sadd.s32 s4, s19  }
0x9c: {  	s7 =	simm.s32 $0x0;
	s20 =	sshll.u32 s5, $0x1;
	s5 =	sadd.s32 s21, s3  }
0x9d: {  	[timem:s7], [sflag:s22] =	dma.local [hbm:s5], s20  }
0x9e: {  	_ =	swait.ge [sflag:s22], s20  }
0x9f: {  	s4 =	ssub.s32 $0x0, s20;
	[sflag:s22] =	ssyncset.done $0x0  }
0xa0: {  	[sflag:s22] =	ssyncadd.s32 s4;
	_ =	sdelay $0x1  }
0xa1: {  	s23 =	simm.s32 $0x1B8B  }
0xa2: {  	_ =	swait.ge [sflag:s23], $0x1  }
0xa3: {  	[sflag:s23] =	ssyncset.done $0x0  }
0xa4: {  	s25 =	simm.s32 $0x1B8E;
	s24 =	sld [smem:$0x3FFE];
	[sflag:s23] =	ssyncadd.s32 $0xFFFFFFFF  }
0xa5: {  	s26 =	simm.s32 $execute0_lowered;
	[smem:$0x3FD2] =	sst s25  }
0xa6: {  	s5 =	sshll.u32 s26, $0x1;
	_ =	strace $0x8000004C;
	[dreg:$0x1] =	wrdreg $0xFFFFFFFF  }
0xa7: {  	s28 =	simm.s32 $_size_execute0_lowered;
	s3 =	sadd.s32 s3, s5;
	[dreg:$0x0] =	wrdreg $0x0  }
0xa8: {  	s5 =	sshll.u32 s28, $0x1;
	[dreg:$0x2] =	wrdreg s3  }
0xa9: {  	[dreg:$0x3] =	wrdreg s5  }
0xaa: {  	[dreg:$0x4] =	wrdreg $0xC0  }
0xab: {  	_ =	task [dreg:s7], $0x5FFFF  }
0xac: {  	[dreg:$0x1] =	wrdreg $0xFFFFFFFF  }
0xad: {  	[dreg:$0x0] =	wrdreg $0x60  }
0xae: {  	[dreg:$0x2] =	wrdreg s24  }
0xaf: {  	[dreg:$0x3] =	wrdreg s2  }
0xb0: {  	[dreg:$0x4] =	wrdreg $0x9  }
0xb1: {  	_ =	task.clear_ibuf [dreg:s7], $0x5FFFF;
	_ =	strace $0x9000004C  }
0xb2: {  	s29 =	simm.s32 $0x9;
	_ =	strace $0x8000004E  }
0xb3: {  	_ =	swait.ge [sflag:s29], $0x1  }
0xb4: {  	[sflag:s29] =	ssyncadd.s32 $0xFFFFFFFF  }
0xb5: {  	_ =	strace $0x9000004E  }
0xb6: {  	_ =	sfence  }
0xb7: {  	s30 =	sld [smem:$0x0];
	_ =	sdelay $0x2  }
0xb8: {  	s31 =	sshll.u32 s1, $0xD;
	s1 =	sshrl.u32 s1, $0x2  }
0xb9: {  	s3 =	sand.u32 $0x4000, s31;
	s1 =	sadd.s32 s1, s30  }
0xba: {  	s0 =	sor.u32 s3, s0;
	s1 =	sshll.u32 s1, $0x11  }
0xbb: {  	s0 =	sor.u32 s1, s0  }
0xbc: {  	s0 =	sadd.s32 $0x8F2B, s0  }
0xbd: {  	[sflag:s0] =	ssyncadd.remote.s32 $0x1  }
0xbe: {  	_ =	sfence.sel $0xFFFF  }
0xbf: {  	[dreg:$0x0] =	wrdreg $0xFFFFFFFF;
	(pc) =	sbr.abs _section_cstart, $3  }
0xc0: {  	[dreg:$0x1] =	wrdreg $0xFFFFFFFF  }
0xc1: {  	_ =	task.clear_ibuf [dreg:s7], $0x2FFFF;
	_ =	strace $0x9FFFFFFF  }
0xc2: {  	(tm) =	ssettm $0x7FFFFFFF  }
0xc3: {  	_ =	shalt  }
tec
execute0_lowered:
.L_overlay_start_1:
0x0: {  	(tag) =	ssettag $0x1  }
0x1: {  	s1 =	srdreg.scid;
	s4 =	rddreg [dreg:$0x0]  }
0x2: {  	s0 =	stileid.u32;
	s5 =	rddreg [dreg:$0x1];
	s2 =	simm.s32 $0x0  }
0x3: {  	s10 =	simm.s32 $0x1;
	s11 =	simm.s32 $0x10;
	s12 =	simm.s32 $0xCC90  }
0x4: {  	s13 =	simm.s32 $0x0;
	s3 =	sand.u32 $0x1, s1;
	s1 =	rddreg [dreg:$0x2]  }
0x5: {  	s6 =	sshll.u32 s0, $0x8;
	[smem:$0x7FF] =	sst s2;
	s7 =	sshll.u32 s3, $0x7  }
0x6: {  	_ =	strace $0x8000004D;
	s9 =	ssub.s32 $0x2, s3;
	s3 =	sadd.s32 $0x1800, s4  }
.Ltmp0:
0x7: {  	s6 =	sor.u32 s7, s6;
	s31 =	sshrl.u32 s9, $0x1;
	(pc) =	sbr.rel .LBB2_1-.Ltmp0, $4  }
0x8: {  	s7 =	smul.u32 $0x19, s6;
	s8 =	sshll.u32 s6, $0x3;
	s6 =	sshrl.u32 s6, $0x3  }
0x9: {  	s9 =	ssub.s32 s9, s31;
	s8 =	sadd.s32 s8, s4;
	s5 =	sadd.s32 s5, s6  }
0xa: {  	s7 =	sadd.s32 s7, s4;
	s6 =	sadd.s32 $0x7A2A00, s8;
	s8 =	simm.s32 $0x2  }
0xb: {  	s4 =	sadd.s32 $0xF43C00, s7;
	s7 =	smax.u32 s9, $0x1;
	s9 =	simm.s32 $0x6400  }
.LBB2_18:
0xc: {  	s13 =	sadd.s32 $0x1, s13  }
0xd: {  	p0 =	sne.s32 s13, s7  }
.Ltmp1:
0xe: {  	_ = 	snop;
	(pc) =	sbr.rel @!p0 .LBB2_19-.Ltmp1, $4  }
0xf: {  	[hbm4b:s6+s2] =	stream.linear.scatter [tilespmem:s12], [sflag:$0x2], $0x2000, $0x38;
	[tilespmem:$0xEC90] =	vst v63  }
0x10: {  	_ =	swait.ge [sflag:s8], $0x2000  }
0x11: {  	[sflag:s8] =	ssyncset.done $0x0  }
0x12: {  	[sflag:s8] =	ssyncadd.s32 $0xFFFFE000  }
.LBB2_1:
0x13: {  	[tilespmem:s2], [sflag:$0x2] =	stream.linear.gather [hbm4b:s4+s2], $0x6400, $0x38;
	[tilespmem:$0xEC90] =	vst v63  }
0x14: {  	_ =	swait.ge [sflag:s8], $0x6400  }
0x15: {  	[sflag:s8] =	ssyncset.done $0x0  }
0x16: {  	[sflag:s8] =	ssyncadd.s32 $0xFFFF9C00  }
0x17: {  	[tilespmem:s9], [sflag:$0x2] =	stream.linear.gather [hbm4b:s5+s2], $0x80, $0x38;
	[tilespmem:$0xEC90] =	vst v63  }
0x18: {  	_ =	swait.ge [sflag:s8], $0x80  }
0x19: {  	[sflag:s8] =	ssyncset.done $0x0  }
0x1a: {  	[sflag:s8] =	ssyncadd.s32 $0xFFFFFF80  }
0x1b: {  	v0 =	vld [tilespmem:$0x6400];
	_ =	sdelay $0x4  }
0x1c: {  	(v2sf) =	vpush v0, $0x0;
	_ =	sdelay $0xe  }
0x1d: {  	s14 =	spop (v2sf)  }
0x1e: {  	s14 =	sadd.s32 $0xF, s14  }
0x1f: {  	s15 =	sand.u32 $0xF, s14  }
0x20: {  	s31 =	sshra.s32 s14, $0x1F;
	p1 =	slt.s32 s14, $0x1;
	p0 =	sne.s32 s15, $0x0  }
0x21: {  	s15 =	sshrl.u32 s31, $0x1C;
	p0 =	por !p1, !p0  }
0x22: {  	s14 =	sadd.s32 s15, s14;
	s15 =	simm.s32 $0x1;
	p0 =	por !p0, !p0  }
0x23: {  	s14 =	sshra.s32 s14, $0x4;
	s15 =	simm.s32 @!p0 $0x0  }
0x24: {  	s15 =	ssub.s32 s14, s15  }
0x25: {  	p0 =	slt.s32 s15, $0x1  }
.Ltmp2:
0x26: {  	_ = 	snop;
	(pc) =	sbr.rel @p0 .LBB2_4-.Ltmp2, $2  }
0x27: {  	_ =	sdelay $0x2  }
0x28: {  	s14 =	simm.s32 $0x6490  }
0x29: {  	p0 =	slt.s32 s2, $0xB8;
	s16 =	simm.s32 $0x0  }
0x2a: {  	s16 =	simm.s32 @!p0 $0xB8;
	p0 =	sne.s32 s15, $0x1  }
.Ltmp3:
0x2b: {  	_ = 	snop;
	(pc) =	sbr.rel @!p0 .LBB2_4-.Ltmp3, $3  }
0x2c: {  	_ =	sdelay $0x1  }
0x2d: {  	[tilespmem:s14], [sflag:$0x1] =	stream.indirect.gather [hbm4b:s3+s11], $0x40, s16, s11, $0xb8;
	[tilespmem:$0xEC90] =	vst v63  }
0x2e: {  	s15 =	sadd.s32 $0xFFFFFFFF, s15;
	s16 =	sadd.s32 $0x10, s2  }
.LBB2_3:
0x2f: {  	p0 =	slt.s32 s16, $0xB8  }
0x30: {  	p1 =	sne.s32 s15, $0x1;
	s15 =	sadd.s32 $0xFFFFFFFF, s15;
	s17 =	smov.u32 s16  }
.Ltmp4:
0x31: {  	s14 =	sadd.s32 $0x400, s14;
	s17 =	simm.s32 @!p0 $0xB8;
	(pc) =	sbr.rel @p1 .LBB2_3-.Ltmp4, $3  }
0x32: {  	[tilespmem:s14], [sflag:$0x1] =	stream.indirect.gather [hbm4b:s3+s11], $0x40, s17, s11, $0xb8;
	[tilespmem:$0xEC90] =	vst v63  }
0x33: {  	_ =	sdelay $0x1  }
0x34: {  	s16 =	sadd.s32 $0x10, s16  }
.LBB2_4:
.Ltmp5:
0x35: {  	(pc) =	sbr.rel .LBB2_5-.Ltmp5, $2  }
0x36: {  	_ =	sdelay $0x2  }
0x37: {  	s14 =	simm.s32 $0x0  }
.LBB2_9:
0x38: {  	v3 =	vimm.f32 $0.0e+00  }
0x39: {  	v2 =	vimm.f32 $0.0e+00;
	v1 =	vimm.f32 $0.0e+00;
	v0 =	vimm.f32 $0.0e+00  }
.LBB2_17:
0x3a: {  	_ =	swait.ge [sflag:s10], $0x400;
	s18 =	sshll.u32 s16, $0xC  }
0x3b: {  	[sflag:s10] =	ssyncset.done $0x0;
	s19 =	sshra.s32 s18, $0x2  }
0x3c: {  	s18 =	sshll.u32 s16, $0x4;
	[sflag:s10] =	ssyncadd.s32 $0xFFFFFC00;
	s16 =	sadd.s32 s19, s17  }
0x3d: {  	v4 =	vld [tilespmem:s16+$0x6490]  }
0x3e: {  	v5 =	vld [tilespmem:s16+$0x64A0]  }
0x3f: {  	v6 =	vld [tilespmem:s16+$0x64D0]  }
0x40: {  	v8 =	vld [tilespmem:s16+$0x64E0]  }
0x41: {  	v16 =	vld [tilespmem:s16+$0x6510]  }
0x42: {  	v21 =	vld [tilespmem:s16+$0x6520]  }
0x43: {  	v24 =	vld [tilespmem:s16+$0x6550]  }
0x44: {  	v28 =	vld [tilespmem:s16+$0x6560]  }
0x45: {  	v31 =	vld [tilespmem:s16+$0x6590]  }
0x46: {  	v35 =	vld [tilespmem:s16+$0x65A0]  }
0x47: {  	v38 =	vld [tilespmem:s16+$0x65D0]  }
0x48: {  	v42 =	vld [tilespmem:s16+$0x65E0]  }
0x49: {  	v45 =	vld [tilespmem:s16+$0x6610]  }
0x4a: {  	v49 =	vld [tilespmem:s16+$0x6620]  }
0x4b: {  	p0 =	slt.s32 s18, $0xB8;
	s17 =	smov.u32 s18;
	v52 =	vld [tilespmem:s16+$0x6650];
	v7 =	vunpack.i.u.bf16.f32 v4;
	v4 =	vunpack.i.l.bf16.f32 v4;
	v9 =	vunpack.i.u.bf16.f32 v5  }
0x4c: {  	s17 =	simm.s32 @!p0 $0xB8;
	v56 =	vld [tilespmem:s16+$0x6660];
	v5 =	vunpack.i.l.bf16.f32 v5;
	v18 =	vunpack.i.u.bf16.f32 v6;
	v6 =	vunpack.i.l.bf16.f32 v6  }
0x4d: {  	p6 =	slt.s32 s18, $0xB9;
	v10 =	vld [tilespmem:s16+$0x6760];
	p1 =	slt.s32 s17, s15;
	v22 =	vunpack.i.u.bf16.f32 v8;
	v8 =	vunpack.i.l.bf16.f32 v8;
	v25 =	vunpack.i.u.bf16.f32 v16  }
0x4e: {  	s19 =	simm.s32 $0x3F800000;
	s20 =	sor.u32 $0x1, s17;
	p0 =	por !p6, !p1;
	v29 =	vunpack.i.u.bf16.f32 v21;
	v32 =	vunpack.i.u.bf16.f32 v24;
	v36 =	vunpack.i.u.bf16.f32 v28  }
0x4f: {  	p1 =	sge.s32 s20, s18;
	p2 =	slt.s32 s20, s15;
	p0 =	por !p0, !p0;
	v39 =	vunpack.i.u.bf16.f32 v31;
	v43 =	vunpack.i.u.bf16.f32 v35;
	v46 =	vunpack.i.u.bf16.f32 v38  }
0x50: {  	s19 =	simm.s32 @!p0 $0x0;
	p0 =	por !p1, !p2;
	v50 =	vunpack.i.u.bf16.f32 v42;
	v53 =	vunpack.i.u.bf16.f32 v45;
	v57 =	vunpack.i.u.bf16.f32 v49  }
0x51: {  	s20 =	simm.s32 $0x3F800000;
	p0 =	por !p0, !p0;
	v60 =	vunpack.i.u.bf16.f32 v52;
	v12 =	vunpack.i.u.bf16.f32 v56;
	v4 =	vmul.f32 s19, v4  }
0x52: {  	v59 =	vld [tilespmem:s16+$0x6690];
	s28 =	sor.u32 $0x2, s17;
	v11 =	vunpack.i.l.bf16.f32 v10;
	v7 =	vmul.f32 s19, v7;
	v15 =	vmul.f32 s19, v5;
	s20 =	simm.s32 @!p0 $0x0  }
0x53: {  	v14 =	vld [tilespmem:s16+$0x66D0];
	p3 =	sge.s32 s28, s18;
	p4 =	slt.s32 s28, s15;
	v17 =	vmul.f32 s19, v9;
	v5 =	vunpack.i.l.bf16.f32 v16;
	v19 =	vmul.f32 s20, v6  }
0x54: {  	p0 =	por !p3, !p4;
	v9 =	vunpack.i.l.bf16.f32 v21;
	v20 =	vmul.f32 s20, v18;
	v23 =	vmul.f32 s20, v8  }
0x55: {  	s19 =	simm.s32 $0x3F800000;
	p0 =	por !p0, !p0;
	v6 =	vunpack.i.l.bf16.f32 v24;
	v3 =	vadd.f32 v4, v3;
	v2 =	vadd.f32 v7, v2  }
0x56: {  	v63 =	vld [tilespmem:s16+$0x66A0];
	s29 =	sor.u32 $0x3, s17;
	v8 =	vunpack.i.l.bf16.f32 v28;
	v1 =	vadd.f32 v15, v1;
	v0 =	vadd.f32 v17, v0;
	s19 =	simm.s32 @!p0 $0x0  }
0x57: {  	p5 =	sge.s32 s29, s18;
	p6 =	slt.s32 s29, s15;
	v7 =	vmul.f32 s20, v22;
	v15 =	vunpack.i.u.bf16.f32 v59;
	v26 =	vmul.f32 s19, v5  }
0x58: {  	p0 =	por !p5, !p6;
	v22 =	vunpack.i.u.bf16.f32 v14;
	v27 =	vmul.f32 s19, v25;
	v30 =	vmul.f32 s19, v9  }
0x59: {  	v21 =	vld [tilespmem:s16+$0x6710];
	s20 =	simm.s32 $0x3F800000;
	p0 =	por !p0, !p0;
	v5 =	vunpack.i.l.bf16.f32 v31;
	v3 =	vadd.f32 v19, v3;
	v2 =	vadd.f32 v20, v2  }
0x5a: {  	s30 =	sor.u32 $0x4, s17;
	v18 =	vld [tilespmem:s16+$0x66E0];
	v9 =	vunpack.i.l.bf16.f32 v35;
	v1 =	vadd.f32 v23, v1;
	v0 =	vadd.f32 v7, v0;
	s20 =	simm.s32 @!p0 $0x0  }
0x5b: {  	p1 =	sge.s32 s30, s18;
	p2 =	slt.s32 s30, s15;
	v28 =	vld [tilespmem:s16+$0x6750];
	v7 =	vmul.f32 s19, v29;
	v19 =	vunpack.i.u.bf16.f32 v63;
	v33 =	vmul.f32 s20, v6  }
0x5c: {  	p0 =	por !p1, !p2;
	v34 =	vmul.f32 s20, v32;
	v37 =	vmul.f32 s20, v8;
	v6 =	vunpack.i.l.bf16.f32 v38  }
0x5d: {  	s19 =	simm.s32 $0x3F800000;
	p0 =	por !p0, !p0;
	v8 =	vunpack.i.l.bf16.f32 v42;
	v3 =	vadd.f32 v26, v3;
	v2 =	vadd.f32 v27, v2  }
0x5e: {  	v25 =	vld [tilespmem:s16+$0x6720];
	v29 =	vunpack.i.u.bf16.f32 v21;
	v1 =	vadd.f32 v30, v1;
	v0 =	vadd.f32 v7, v0;
	s19 =	simm.s32 @!p0 $0x0  }
0x5f: {  	s31 =	sor.u32 $0x5, s17;
	v35 =	vld [tilespmem:s16+$0x6790];
	v7 =	vmul.f32 s20, v36;
	v26 =	vunpack.i.u.bf16.f32 v18;
	v40 =	vmul.f32 s19, v5  }
0x60: {  	p3 =	sge.s32 s31, s18;
	p4 =	slt.s32 s31, s15;
	v36 =	vunpack.i.u.bf16.f32 v28;
	v41 =	vmul.f32 s19, v39;
	v44 =	vmul.f32 s19, v9  }
0x61: {  	p0 =	por !p3, !p4;
	v5 =	vunpack.i.l.bf16.f32 v45;
	v9 =	vunpack.i.l.bf16.f32 v49;
	v3 =	vadd.f32 v33, v3  }
0x62: {  	s21 =	sor.u32 $0x6, s17;
	s20 =	simm.s32 $0x3F800000;
	p0 =	por !p0, !p0;
	v39 =	vunpack.i.u.bf16.f32 v10;
	v2 =	vadd.f32 v34, v2;
	v1 =	vadd.f32 v37, v1  }
0x63: {  	p5 =	sge.s32 s21, s18;
	p6 =	slt.s32 s21, s15;
	v0 =	vadd.f32 v7, v0;
	v7 =	vmul.f32 s19, v43;
	s20 =	simm.s32 @!p0 $0x0;
	v32 =	vunpack.i.u.bf16.f32 v25  }
0x64: {  	p0 =	por !p5, !p6;
	v33 =	vunpack.i.l.bf16.f32 v25;
	v42 =	vunpack.i.l.bf16.f32 v35;
	v47 =	vmul.f32 s20, v6  }
0x65: {  	s19 =	simm.s32 $0x3F800000;
	v48 =	vmul.f32 s20, v46;
	v51 =	vmul.f32 s20, v8;
	p0 =	por !p0, !p0;
	v6 =	vunpack.i.l.bf16.f32 v52  }
0x66: {  	s22 =	sor.u32 $0x7, s17;
	v8 =	vunpack.i.l.bf16.f32 v56;
	v3 =	vadd.f32 v40, v3;
	v2 =	vadd.f32 v41, v2;
	s19 =	simm.s32 @!p0 $0x0  }
0x67: {  	p1 =	sge.s32 s22, s18;
	p2 =	slt.s32 s22, s15;
	v49 =	vld [tilespmem:s16+$0x6820];
	v0 =	vadd.f32 v7, v0;
	v7 =	vmul.f32 s20, v50;
	v54 =	vmul.f32 s19, v5  }
0x68: {  	v37 =	vld [tilespmem:s16+$0x67A0];
	v1 =	vadd.f32 v44, v1;
	p0 =	por !p1, !p2;
	v55 =	vmul.f32 s19, v53;
	v58 =	vmul.f32 s19, v9  }
0x69: {  	s21 =	scvt.s32.f32 s15;
	s20 =	simm.s32 $0x3F800000;
	p0 =	por !p0, !p0;
	v5 =	vunpack.i.l.bf16.f32 v59;
	v3 =	vadd.f32 v47, v3;
	v2 =	vadd.f32 v48, v2  }
0x6a: {  	v46 =	vld [tilespmem:s16+$0x6810];
	v9 =	vunpack.i.l.bf16.f32 v63;
	v1 =	vadd.f32 v51, v1;
	v0 =	vadd.f32 v7, v0;
	s20 =	simm.s32 @!p0 $0x0  }
0x6b: {  	s23 =	sadd.s32 $0x8, s17;
	v52 =	vld [tilespmem:s16+$0x6850];
	v7 =	vmul.f32 s19, v57;
	v51 =	vmov s21;
	v61 =	vmul.f32 s20, v6  }
0x6c: {  	p3 =	sge.s32 s23, s18;
	p4 =	slt.s32 s23, s15;
	v56 =	vunpack.i.l.bf16.f32 v49;
	v62 =	vmul.f32 s20, v60;
	v13 =	vmul.f32 s20, v8  }
0x6d: {  	v40 =	vld [tilespmem:s16+$0x67D0];
	p0 =	por !p3, !p4;
	v6 =	vunpack.i.l.bf16.f32 v14;
	v8 =	vunpack.i.l.bf16.f32 v18;
	v43 =	vunpack.i.l.bf16.f32 v37  }
0x6e: {  	v44 =	vld [tilespmem:s16+$0x67E0];
	s19 =	simm.s32 $0x3F800000;
	p0 =	por !p0, !p0;
	(erf) = vrcp.f32 v51;
	v3 =	vadd.f32 v54, v3;
	v2 =	vadd.f32 v55, v2  }
0x6f: {  	v1 =	vadd.f32 v58, v1;
	v0 =	vadd.f32 v7, v0;
	v7 =	vmul.f32 s20, v12;
	s19 =	simm.s32 @!p0 $0x0  }
0x70: {  	s24 =	sadd.s32 $0x9, s17;
	v54 =	vunpack.i.l.bf16.f32 v46;
	v57 =	vunpack.i.l.bf16.f32 v52;
	v16 =	vmul.f32 s19, v5  }
0x71: {  	p5 =	sge.s32 s24, s18;
	p6 =	slt.s32 s24, s15;
	v58 =	vunpack.i.u.bf16.f32 v52;
	v17 =	vmul.f32 s19, v15;
	v20 =	vmul.f32 s19, v9  }
0x72: {  	p0 =	por !p5, !p6;
	v5 =	vunpack.i.l.bf16.f32 v21;
	v9 =	vunpack.i.u.bf16.f32 v37;
	v47 =	vunpack.i.l.bf16.f32 v40  }
0x73: {  	s25 =	sadd.s32 $0xA, s17;
	s20 =	simm.s32 $0x3F800000;
	p0 =	por !p0, !p0;
	v48 =	vunpack.i.u.bf16.f32 v40;
	v50 =	vunpack.i.u.bf16.f32 v44;
	v3 =	vadd.f32 v61, v3  }
0x74: {  	p1 =	sge.s32 s25, s18;
	p2 =	slt.s32 s25, s15;
	v10 =	vunpack.i.l.bf16.f32 v44;
	v2 =	vadd.f32 v62, v2;
	v1 =	vadd.f32 v13, v1;
	s20 =	simm.s32 @!p0 $0x0  }
0x75: {  	v55 =	vld [tilespmem:s16+$0x6860];
	v0 =	vadd.f32 v7, v0;
	v7 =	vmul.f32 s19, v19;
	p0 =	por !p1, !p2;
	v23 =	vmul.f32 s20, v6  }
0x76: {  	s26 =	sadd.s32 $0xB, s17;
	s19 =	simm.s32 $0x3F800000;
	v24 =	vmul.f32 s20, v22;
	v27 =	vmul.f32 s20, v8;
	p0 =	por !p0, !p0;
	v3 =	vadd.f32 v16, v3  }
0x77: {  	p3 =	sge.s32 s26, s18;
	p4 =	slt.s32 s26, s15;
	v6 =	vunpack.i.l.bf16.f32 v28;
	v2 =	vadd.f32 v17, v2;
	v1 =	vadd.f32 v20, v1;
	s19 =	simm.s32 @!p0 $0x0  }
0x78: {  	v0 =	vadd.f32 v7, v0;
	v7 =	vmul.f32 s20, v26;
	p0 =	por !p3, !p4;
	v30 =	vmul.f32 s19, v5  }
0x79: {  	s28 =	sadd.s32 $0xC, s17;
	s20 =	simm.s32 $0x3F800000;
	v31 =	vmul.f32 s19, v29;
	v34 =	vmul.f32 s19, v33;
	p0 =	por !p0, !p0;
	v5 =	vunpack.i.u.bf16.f32 v35  }
0x7a: {  	p5 =	sge.s32 s28, s18;
	p6 =	slt.s32 s28, s15;
	v60 =	vunpack.i.l.bf16.f32 v55;
	v3 =	vadd.f32 v23, v3;
	v2 =	vadd.f32 v24, v2;
	s20 =	simm.s32 @!p0 $0x0  }
0x7b: {  	v0 =	vadd.f32 v7, v0;
	v7 =	vmul.f32 s19, v32;
	p0 =	por !p5, !p6;
	v6 =	vmul.f32 s20, v6  }
0x7c: {  	v1 =	vadd.f32 v27, v1;
	s19 =	simm.s32 $0x3F800000;
	v8 =	vmul.f32 s20, v36;
	v38 =	vmul.f32 s20, v11;
	p0 =	por !p0, !p0  }
0x7d: {  	s29 =	sadd.s32 $0xD, s17;
	v41 =	vmul.f32 s20, v39;
	v3 =	vadd.f32 v30, v3;
	v2 =	vadd.f32 v31, v2;
	s19 =	simm.s32 @!p0 $0x0  }
0x7e: {  	p1 =	sge.s32 s29, s18;
	p2 =	slt.s32 s29, s15;
	v1 =	vadd.f32 v34, v1;
	v0 =	vadd.f32 v7, v0;
	v7 =	vmul.f32 s19, v42  }
0x7f: {  	s30 =	sadd.s32 $0xE, s17;
	p0 =	por !p1, !p2;
	v5 =	vmul.f32 s19, v5;
	v45 =	vmul.f32 s19, v9;
	v3 =	vadd.f32 v6, v3  }
0x80: {  	s17 =	sadd.s32 $0xF, s17;
	p0 =	por !p0, !p0;
	v2 =	vadd.f32 v8, v2;
	v1 =	vadd.f32 v38, v1;
	v8 =	vmul.f32 s19, v43;
	s19 =	simm.s32 $0x3F800000  }
0x81: {  	p3 =	sge.s32 s30, s18;
	p4 =	slt.s32 s30, s15;
	v0 =	vadd.f32 v41, v0;
	v6 =	vunpack.i.u.bf16.f32 v49;
	s19 =	simm.s32 @!p0 $0x0;
	v3 =	vadd.f32 v7, v3  }
0x82: {  	p5 =	sge.s32 s17, s18;
	p0 =	por !p3, !p4;
	v2 =	vadd.f32 v5, v2;
	v1 =	vadd.f32 v8, v1;
	v5 =	vmul.f32 s19, v47  }
0x83: {  	p6 =	slt.s32 s17, s15;
	s20 =	simm.s32 $0x3F800000;
	v0 =	vadd.f32 v45, v0;
	v4 =	vmul.f32 s19, v48;
	p0 =	por !p0, !p0;
	v53 =	vmul.f32 s19, v10  }
0x84: {  	v8 =	vmul.f32 s19, v50;
	v7 =	vunpack.i.u.bf16.f32 v46;
	s20 =	simm.s32 @!p0 $0x0;
	p0 =	por !p5, !p6;
	v3 =	vadd.f32 v5, v3  }
0x85: {  	s15 =	simm.s32 $0x3F800000;
	v2 =	vadd.f32 v4, v2;
	v9 =	vmul.f32 s20, v54;
	v1 =	vadd.f32 v53, v1;
	p0 =	por !p0, !p0  }
0x86: {  	v7 =	vmul.f32 s20, v7;
	v0 =	vadd.f32 v8, v0;
	v4 =	vmul.f32 s20, v56;
	s15 =	simm.s32 @!p0 $0x0  }
0x87: {  	v6 =	vmul.f32 s20, v6;
	v3 =	vadd.f32 v9, v3;
	v59 =	vmul.f32 s15, v57  }
0x88: {  	v2 =	vadd.f32 v7, v2;
	v1 =	vadd.f32 v4, v1;
	v4 =	vmul.f32 s15, v58  }
0x89: {  	v61 =	vunpack.i.u.bf16.f32 v55;
	v7 =	vmul.f32 s15, v60;
	v3 =	vadd.f32 v59, v3  }
0x8a: {  	s31 =	sshll.u32 s14, $0x6;
	s14 =	sadd.s32 $0x1, s14;
	v63 =	vpop (erf);
	v0 =	vadd.f32 v6, v0;
	v62 =	vmul.f32 s15, v61;
	v2 =	vadd.f32 v4, v2  }
0x8b: {  	p0 =	sne.s32 s14, $0x80;
	v1 =	vadd.f32 v7, v1;
	v3 =	vmul.f32 v3, v63  }
.Ltmp6:
0x8c: {  	s15 =	sand.u32 $0x3FFFFFC0, s31;
	v0 =	vadd.f32 v62, v0;
	v2 =	vmul.f32 v2, v63;
	(pc) =	sbr.rel @!p0 .LBB2_18-.Ltmp6, $4  }
0x8d: {  	v1 =	vmul.f32 v1, v63;
	[tilespmem:s15+$0xCC90] =	vst v3  }
0x8e: {  	v0 =	vmul.f32 v0, v63;
	[tilespmem:s15+$0xCCA0] =	vst v2  }
0x8f: {  	[tilespmem:s15+$0xCCB0] =	vst v1  }
0x90: {  	[tilespmem:s15+$0xCCC0] =	vst v0  }
.LBB2_5:
0x91: {  	v0 =	vld [tilespmem:s14+$0x6400];
	p0 =	seq.s32 s14, $0x7F  }
0x92: {  	v1 =	vld @!p0 [tilespmem:s14+$0x6401];
	_ =	sdelay $0x3  }
0x93: {  	(v2sf) =	vpush v0, $0x0  }
0x94: {  	(v2sf) =	vpush @!p0 v1, $0x0;
	_ =	sdelay $0xd  }
0x95: {  	s15 =	spop (v2sf)  }
0x96: {  	s16 =	spop @!p0 (v2sf)  }
0x97: {  	s16 =	sadd.s32 @!p0 $0xF, s16  }
0x98: {  	s17 =	sand.u32 @!p0 $0xF, s16  }
0x99: {  	p1 =	slt.s32 @!p0 s16, $0x1;
	p2 =	sne.s32 @!p0 s17, $0x0  }
0x9a: {  	s17 =	sshra.s32 @!p0 s16, $0x1F;
	p1 =	por @!p0 !p1, !p2  }
0x9b: {  	s17 =	sshrl.u32 @!p0 s17, $0x1C;
	p1 =	por @!p0 !p1, !p1  }
0x9c: {  	s16 =	sadd.s32 @!p0 s17, s16;
	s17 =	simm.s32 @!p0 $0x1;
	p1 =	por !p1, p0  }
0x9d: {  	s16 =	sshra.s32 @!p0 s16, $0x4;
	s17 =	simm.s32 @p1 $0x0  }
0x9e: {  	s18 =	ssub.s32 @!p0 s16, s17  }
0x9f: {  	p1 =	slt.s32 @!p0 s18, $0x1  }
0xa0: {  	p1 =	por p0, p1  }
.Ltmp7:
0xa1: {  	_ = 	snop;
	(pc) =	sbr.rel @p1 .LBB2_8-.Ltmp7, $1  }
0xa2: {  	_ =	sdelay $0x3  }
0xa3: {  	s16 =	sadd.s32 @!p0 $0x1, s14  }
0xa4: {  	s17 =	sand.u32 $0x1, s16  }
0xa5: {  	s19 =	smul.u32 $0x320, s16;
	s16 =	simm.s32 $0x9890;
	p0 =	seq.s32 s17, $0x1  }
0xa6: {  	s16 =	simm.s32 @!p0 $0x6490;
	p0 =	sne.s32 s18, $0x1  }
.Ltmp8:
0xa7: {  	s20 =	simm.s32 $0x0;
	p1 =	por $0x1, $0x1;
	(pc) =	sbr.rel @!p0 .LBB2_8-.Ltmp8, $4  }
0xa8: {  	s20 =	simm.s32 @!p1 $0xB8;
	s17 =	sshra.s32 s19, $0x2  }
0xa9: {  	s19 =	sadd.s32 s20, s17  }
0xaa: {  	[tilespmem:s16], [sflag:$0x1] =	stream.indirect.gather [hbm4b:s3+s11], $0x40, s19, s11, $0xb8;
	[tilespmem:$0xEC90] =	vst v63  }
0xab: {  	s18 =	sadd.s32 $0xFFFFFFFF, s18;
	s19 =	simm.s32 $0x10  }
.LBB2_7:
0xac: {  	p0 =	slt.s32 s19, $0xB8  }
0xad: {  	p1 =	sne.s32 s18, $0x1;
	s18 =	sadd.s32 $0xFFFFFFFF, s18;
	s20 =	smov.u32 s19  }
.Ltmp9:
0xae: {  	s20 =	simm.s32 @!p0 $0xB8;
	(pc) =	sbr.rel @p1 .LBB2_7-.Ltmp9, $4  }
0xaf: {  	s16 =	sadd.s32 $0x400, s16;
	s20 =	sadd.s32 s20, s17  }
0xb0: {  	[tilespmem:s16], [sflag:$0x1] =	stream.indirect.gather [hbm4b:s3+s11], $0x40, s20, s11, $0xb8;
	[tilespmem:$0xEC90] =	vst v63  }
0xb1: {  	_ = 	snop  }
0xb2: {  	s19 =	sadd.s32 $0x10, s19  }
.LBB2_8:
0xb3: {  	s16 =	sadd.s32 $0xF, s15  }
0xb4: {  	s17 =	sand.u32 $0xF, s16  }
0xb5: {  	p0 =	slt.s32 s16, $0x1;
	p1 =	sne.s32 s17, $0x0  }
0xb6: {  	s29 =	sshra.s32 s16, $0x1F;
	p0 =	por !p0, !p1  }
0xb7: {  	s18 =	simm.s32 $0x1;
	s17 =	sshrl.u32 s29, $0x1C;
	p0 =	por !p0, !p0  }
0xb8: {  	s16 =	sadd.s32 s17, s16;
	s18 =	simm.s32 @!p0 $0x0  }
0xb9: {  	s16 =	sshra.s32 s16, $0x4;
	s30 =	sxor.u32 $0xFFFFFFFF, s18  }
0xba: {  	s16 =	sadd.s32 s16, s30  }
0xbb: {  	p1 =	slt.s32 s16, $0x1  }
.Ltmp10:
0xbc: {  	_ = 	snop;
	(pc) =	sbr.rel @p1 .LBB2_9-.Ltmp10, $4  }
0xbd: {  	s31 =	sand.u32 $0x1, s14  }
0xbe: {  	s17 =	simm.s32 $0xD000;
	p0 =	seq.s32 s31, $0x1  }
0xbf: {  	s17 =	simm.s32 @!p0 $0x0  }
0xc0: {  	s17 =	sshrl.u32 s17, $0x2  }
0xc1: {  	_ =	swait.ge [sflag:s10], $0x400  }
0xc2: {  	[sflag:s10] =	ssyncset.done $0x0  }
0xc3: {  	s18 =	sadd.s32 $0x6690, s17;
	[sflag:s10] =	ssyncadd.s32 $0xFFFFFC00  }
0xc4: {  	v2 =	vld [tilespmem:s18+$0xFFFFFFC0]  }
0xc5: {  	v5 =	vld [tilespmem:s18+$0xFFFFFF80]  }
0xc6: {  	v44 =	vld [tilespmem:s18+$0x1D0]  }
0xc7: {  	v6 =	vld [tilespmem:s18+$0x10]  }
0xc8: {  	v8 =	vld [tilespmem:s18+$0xFFFFFF40]  }
0xc9: {  	v38 =	vld [tilespmem:s18+$0x180]  }
0xca: {  	v9 =	vld [tilespmem:s18+$0xFFFFFF00]  }
0xcb: {  	v51 =	vld [tilespmem:s18+$0x50]  }
0xcc: {  	v0 =	vld [tilespmem:s18+$0x190]  }
0xcd: {  	v4 =	vld [tilespmem:s18+$0xFFFFFED0]  }
0xce: {  	v10 =	vld [tilespmem:s18+$0xFFFFFEC0]  }
0xcf: {  	v12 =	vld [tilespmem:s18+$0xFFFFFE90]  }
0xd0: {  	v18 =	vld [tilespmem:s18+$0xFFFFFE80]  }
0xd1: {  	v14 =	vld [tilespmem:s18+$0xFFFFFE00]  }
0xd2: {  	v1 =	vimm.f32 $0.0e+00;
	v19 =	vld [tilespmem:s18+$0xFFFFFE10];
	v46 =	vunpack.i.u.bf16.f32 v38;
	v25 =	vunpack.i.l.bf16.f32 v44  }
0xd3: {  	v20 =	vld [tilespmem:s18+$0xFFFFFE40];
	v48 =	vunpack.i.u.bf16.f32 v51;
	v33 =	vunpack.i.l.bf16.f32 v0;
	v3 =	vunpack.i.u.bf16.f32 v4  }
0xd4: {  	v21 =	vld [tilespmem:s18+$0xFFFFFFD0];
	v7 =	vunpack.i.l.bf16.f32 v4;
	v11 =	vunpack.i.l.bf16.f32 v10;
	v10 =	vunpack.i.u.bf16.f32 v10  }
0xd5: {  	v22 =	vld [tilespmem:s18+$0x0];
	v26 =	vunpack.i.l.bf16.f32 v12;
	v16 =	vunpack.i.l.bf16.f32 v9;
	v23 =	vunpack.i.u.bf16.f32 v12  }
0xd6: {  	v27 =	vld [tilespmem:s18+$0xFFFFFF50];
	v9 =	vunpack.i.u.bf16.f32 v9;
	v12 =	vunpack.i.l.bf16.f32 v8;
	v8 =	vunpack.i.u.bf16.f32 v8  }
0xd7: {  	v36 =	vld [tilespmem:s18+$0xFFFFFE50];
	v13 =	vunpack.i.u.bf16.f32 v14;
	v15 =	vunpack.i.l.bf16.f32 v5;
	v40 =	vunpack.i.u.bf16.f32 v19  }
0xd8: {  	v31 =	vld [tilespmem:s18+$0x90];
	v42 =	vunpack.i.u.bf16.f32 v5;
	v30 =	vunpack.i.l.bf16.f32 v18;
	v17 =	vunpack.i.l.bf16.f32 v2  }
0xd9: {  	v43 =	vld [tilespmem:s18+$0xFFFFFF10];
	v32 =	vunpack.i.l.bf16.f32 v20;
	v39 =	vunpack.i.u.bf16.f32 v2;
	v24 =	vadd.f32 v13, v1  }
0xda: {  	v34 =	vld [tilespmem:s18+$0x110];
	v5 =	vunpack.i.u.bf16.f32 v21;
	v2 =	vunpack.i.u.bf16.f32 v20;
	v35 =	vunpack.i.l.bf16.f32 v14  }
0xdb: {  	v4 =	vld [tilespmem:s18+$0xFFFFFF90];
	v14 =	vunpack.i.l.bf16.f32 v6;
	v29 =	vunpack.i.u.bf16.f32 v27;
	v2 =	vadd.f32 v2, v24  }
0xdc: {  	v20 =	vld [tilespmem:s18+$0x40];
	v6 =	vunpack.i.u.bf16.f32 v6;
	v18 =	vunpack.i.u.bf16.f32 v18;
	v45 =	vunpack.i.u.bf16.f32 v22  }
0xdd: {  	v19 =	vunpack.i.l.bf16.f32 v19;
	v28 =	vunpack.i.l.bf16.f32 v21;
	v24 =	vld [tilespmem:s18+$0x80];
	v2 =	vadd.f32 v18, v2  }
0xde: {  	p1 =	sne.s32 s16, $0x1;
	v53 =	vld [tilespmem:s18+$0x1C0];
	v49 =	vunpack.i.u.bf16.f32 v43;
	v57 =	vunpack.i.l.bf16.f32 v36;
	v21 =	vadd.f32 v35, v1  }
.Ltmp11:
0xdf: {  	v41 =	vld [tilespmem:s18+$0x150];
	v13 =	vunpack.i.l.bf16.f32 v22;
	v59 =	vadd.f32 v19, v1;
	v10 =	vadd.f32 v10, v2;
	(pc) =	sbr.rel @!p1 .LBB2_11-.Ltmp11, $4  }
0xe0: {  	v47 =	vld [tilespmem:s18+$0x100];
	v21 =	vadd.f32 v32, v21;
	v37 =	vunpack.i.l.bf16.f32 v4;
	v18 =	vunpack.i.l.bf16.f32 v31  }
0xe1: {  	v52 =	vld [tilespmem:s18+$0xC0];
	v50 =	vunpack.i.u.bf16.f32 v20;
	v32 =	vunpack.i.l.bf16.f32 v20;
	v9 =	vadd.f32 v9, v10  }
0xe2: {  	v55 =	vld [tilespmem:s18+$0xD0];
	v56 =	vadd.f32 v30, v21;
	v2 =	vunpack.i.u.bf16.f32 v31;
	v30 =	vunpack.i.l.bf16.f32 v24  }
0xe3: {  	s19 =	sadd.s32 $0xFFFFFFFF, s16;
	p0 =	por $0x0, $0x0;
	v35 =	vld [tilespmem:s18+$0x140];
	v54 =	vunpack.i.u.bf16.f32 v24;
	v10 =	vunpack.i.l.bf16.f32 v34;
	v58 =	vadd.f32 v8, v9  }
0xe4: {  	v61 =	vunpack.i.l.bf16.f32 v41  }
0xe5: {  	v8 =	vadd.f32 v57, v59;
	v19 =	vunpack.i.u.bf16.f32 v36;
	v20 =	vunpack.i.l.bf16.f32 v27  }
0xe6: {  	v21 =	vadd.f32 v40, v1;
	v11 =	vadd.f32 v11, v56;
	v41 =	vunpack.i.u.bf16.f32 v41  }
0xe7: {  	_ =	swait.ge [sflag:s10], $0x400;
	v4 =	vunpack.i.u.bf16.f32 v4;
	v31 =	vunpack.i.u.bf16.f32 v44;
	v9 =	vadd.f32 v42, v58  }
0xe8: {  	v63 =	vunpack.i.l.bf16.f32 v47;
	[sflag:s10] =	ssyncset.done $0x0;
	v27 =	vunpack.i.l.bf16.f32 v52;
	v19 =	vadd.f32 v19, v21  }
0xe9: {  	s18 =	sadd.s32 $0x400, s18;
	v8 =	vadd.f32 v26, v8;
	v21 =	vunpack.i.l.bf16.f32 v43;
	v22 =	vunpack.i.u.bf16.f32 v52;
	[sflag:s10] =	ssyncadd.s32 $0xFFFFFC00  }
0xea: {  	v52 =	vunpack.i.u.bf16.f32 v34;
	v9 =	vadd.f32 v39, v9;
	v24 =	vld [tilespmem:s18+$0x50];
	v19 =	vadd.f32 v23, v19  }
0xeb: {  	v11 =	vadd.f32 v16, v11;
	v57 =	vunpack.i.l.bf16.f32 v55;
	v58 =	vld [tilespmem:s18+$0xFFFFFF40];
	v7 =	vadd.f32 v7, v8  }
0xec: {  	v55 =	vunpack.i.u.bf16.f32 v55;
	v62 =	vld [tilespmem:s18+$0x0];
	v9 =	vadd.f32 v45, v9;
	v3 =	vadd.f32 v3, v19  }
0xed: {  	v43 =	vld [tilespmem:s18+$0xFFFFFF10];
	v60 =	vunpack.i.l.bf16.f32 v35;
	v11 =	vadd.f32 v12, v11;
	v7 =	vadd.f32 v21, v7  }
0xee: {  	v23 =	vunpack.i.u.bf16.f32 v47;
	v8 =	vld [tilespmem:s18+$0x180];
	v16 =	vadd.f32 v50, v9;
	v3 =	vadd.f32 v49, v3  }
0xef: {  	v21 =	vunpack.i.u.bf16.f32 v35;
	v11 =	vadd.f32 v15, v11;
	v15 =	vld [tilespmem:s18+$0xFFFFFED0];
	v7 =	vadd.f32 v20, v7  }
0xf0: {  	v35 =	vunpack.i.l.bf16.f32 v53;
	v9 =	vld [tilespmem:s18+$0x1D0];
	v12 =	vadd.f32 v54, v16;
	v26 =	vadd.f32 v29, v3  }
0xf1: {  	v54 =	vunpack.i.u.bf16.f32 v0;
	v0 =	vld [tilespmem:s18+$0x190];
	v3 =	vadd.f32 v37, v7;
	v7 =	vadd.f32 v17, v11  }
0xf2: {  	v45 =	vunpack.i.u.bf16.f32 v62;
	v49 =	vunpack.i.u.bf16.f32 v43;
	v29 =	vld [tilespmem:s18+$0xFFFFFFC0];
	v12 =	vadd.f32 v22, v12  }
0xf3: {  	v16 =	vunpack.i.l.bf16.f32 v51;
	v20 =	vunpack.i.u.bf16.f32 v8;
	v37 =	vld [tilespmem:s18+$0xFFFFFE00];
	v13 =	vadd.f32 v13, v7  }
0xf4: {  	v17 =	vld [tilespmem:s18+$0xFFFFFF00];
	v22 =	vunpack.i.u.bf16.f32 v24;
	v4 =	vadd.f32 v4, v26;
	v11 =	vadd.f32 v23, v12  }
0xf5: {  	v19 =	vunpack.i.l.bf16.f32 v9;
	v3 =	vadd.f32 v28, v3;
	v12 =	vld [tilespmem:s18+$0xFFFFFEC0];
	v13 =	vadd.f32 v32, v13  }
0xf6: {  	v23 =	vunpack.i.u.bf16.f32 v53;
	v4 =	vadd.f32 v5, v4;
	v7 =	vadd.f32 v21, v11  }
0xf7: {  	v21 =	vunpack.i.l.bf16.f32 v0;
	v11 =	vadd.f32 v14, v3;
	v3 =	vunpack.i.u.bf16.f32 v15  }
0xf8: {  	v28 =	vld [tilespmem:s18+$0xFFFFFE90];
	v39 =	vunpack.i.u.bf16.f32 v29;
	v53 =	vunpack.i.l.bf16.f32 v37;
	v4 =	vadd.f32 v6, v4  }
0xf9: {  	v32 =	vld [tilespmem:s18+$0xFFFFFE80];
	v26 =	vadd.f32 v46, v7;
	v7 =	vunpack.i.l.bf16.f32 v15;
	v15 =	vadd.f32 v16, v11  }
0xfa: {  	v14 =	vld [tilespmem:s18+$0xFFFFFF80];
	v16 =	vunpack.i.l.bf16.f32 v17;
	v46 =	vunpack.i.u.bf16.f32 v58;
	v11 =	vunpack.i.l.bf16.f32 v12  }
0xfb: {  	v6 =	vld [tilespmem:s18+$0xFFFFFE40];
	v44 =	vunpack.i.u.bf16.f32 v12;
	v12 =	vadd.f32 v30, v13;
	v30 =	vunpack.i.u.bf16.f32 v17  }
0xfc: {  	v59 =	vadd.f32 v48, v4;
	v17 =	vunpack.i.u.bf16.f32 v37;
	v5 =	vadd.f32 v23, v26  }
0xfd: {  	v56 =	vld [tilespmem:s18+$0x10];
	v13 =	vadd.f32 v18, v15;
	v26 =	vunpack.i.l.bf16.f32 v28;
	v23 =	vunpack.i.u.bf16.f32 v28  }
0xfe: {  	v18 =	vld [tilespmem:s18+$0xFFFFFE10];
	v48 =	vunpack.i.l.bf16.f32 v32;
	v15 =	vadd.f32 v27, v12;
	v12 =	vunpack.i.l.bf16.f32 v58  }
0xff: {  	v28 =	vld [tilespmem:s18+$0xFFFFFFD0];
	v42 =	vunpack.i.u.bf16.f32 v14;
	v2 =	vadd.f32 v2, v59;
	v4 =	vadd.f32 v57, v13  }
0x100: {  	v50 =	vld [tilespmem:s18+$0x90];
	v51 =	vunpack.i.l.bf16.f32 v6;
	v6 =	vunpack.i.u.bf16.f32 v6;
	v13 =	vadd.f32 v63, v15  }
0x101: {  	v63 =	vunpack.i.l.bf16.f32 v38;
	v15 =	vunpack.i.l.bf16.f32 v14;
	v2 =	vadd.f32 v55, v2  }
0x102: {  	v14 =	vunpack.i.l.bf16.f32 v56;
	v4 =	vadd.f32 v10, v4;
	v10 =	vadd.f32 v17, v5  }
0x103: {  	v27 =	vld [tilespmem:s18+$0xFFFFFF50];
	v17 =	vunpack.i.l.bf16.f32 v29;
	v40 =	vunpack.i.u.bf16.f32 v18;
	v57 =	vadd.f32 v60, v13  }
0x104: {  	v36 =	vld [tilespmem:s18+$0xFFFFFE50];
	v5 =	vunpack.i.u.bf16.f32 v28;
	v13 =	vunpack.i.l.bf16.f32 v62;
	v28 =	vunpack.i.l.bf16.f32 v28  }
0x105: {  	v38 =	vld [tilespmem:s18+$0x40];
	v62 =	vadd.f32 v52, v2;
	v2 =	vunpack.i.u.bf16.f32 v50;
	v58 =	vadd.f32 v61, v4  }
0x106: {  	v4 =	vld [tilespmem:s18+$0xFFFFFF90];
	v10 =	vadd.f32 v6, v10;
	v6 =	vunpack.i.u.bf16.f32 v56;
	v47 =	vadd.f32 v63, v57  }
0x107: {  	v34 =	vld [tilespmem:s18+$0x110];
	v56 =	vadd.f32 v33, v58;
	v58 =	vunpack.i.l.bf16.f32 v18;
	v18 =	vunpack.i.u.bf16.f32 v32  }
0x108: {  	v29 =	vunpack.i.u.bf16.f32 v27;
	v61 =	vld [tilespmem:s18+$0x80];
	v59 =	vadd.f32 v35, v47;
	v10 =	vadd.f32 v18, v10  }
0x109: {  	p1 =	sne.s32 s19, $0x1;
	v63 =	vadd.f32 v41, v62;
	v41 =	vld [tilespmem:s18+$0x150];
	v57 =	vunpack.i.l.bf16.f32 v36;
	v18 =	vunpack.i.l.bf16.f32 v50  }
.Ltmp12:
0x10a: {  	v35 =	vld [tilespmem:s18+$0x140];
	v50 =	vunpack.i.u.bf16.f32 v38;
	v32 =	vadd.f32 v53, v59;
	v10 =	vadd.f32 v44, v10;
	(pc) =	sbr.rel @!p1 .LBB2_13-.Ltmp12, $4  }
0x10b: {  	v47 =	vld [tilespmem:s18+$0x100];
	v60 =	vadd.f32 v54, v63;
	v25 =	vadd.f32 v25, v56;
	v37 =	vunpack.i.l.bf16.f32 v4  }
0x10c: {  	v52 =	vld [tilespmem:s18+$0xC0];
	v51 =	vadd.f32 v51, v32;
	v32 =	vunpack.i.l.bf16.f32 v38;
	v38 =	vadd.f32 v30, v10  }
0x10d: {  	v55 =	vld [tilespmem:s18+$0xD0];
	v54 =	vunpack.i.u.bf16.f32 v61;
	v59 =	vadd.f32 v58, v25;
	v10 =	vunpack.i.l.bf16.f32 v34  }
0x10e: {  	s19 =	sadd.s32 $0xFFFFFFFF, s19;
	p0 =	por $0x1, $0x1;
	v33 =	vld [tilespmem:s18+$0x1C0];
	v30 =	vunpack.i.l.bf16.f32 v61;
	v56 =	vadd.f32 v48, v51;
	v58 =	vadd.f32 v46, v38  }
.LBB2_14:
0x10f: {  	_ =	swait.ge [sflag:s10], $0x400;
	p1 =	sne.s32 s19, $0x1;
	v51 =	vunpack.i.l.bf16.f32 v35;
	v48 =	vunpack.i.l.bf16.f32 v41;
	s18 =	sadd.s32 $0x400, s18;
	v25 =	vadd.f32 v31, v60  }
0x110: {  	s19 =	sadd.s32 $0xFFFFFFFF, s19;
	[sflag:s10] =	ssyncset.done $0x0;
	v31 =	vadd.f32 v57, v59;
	v38 =	vadd.f32 v42, v58;
	v42 =	vunpack.i.l.bf16.f32 v47  }
0x111: {  	v36 =	vunpack.i.u.bf16.f32 v36;
	v27 =	vunpack.i.l.bf16.f32 v27;
	v57 =	vunpack.i.l.bf16.f32 v52;
	[sflag:s10] =	ssyncadd.s32 $0xFFFFFC00  }
0x112: {  	v58 =	vunpack.i.l.bf16.f32 v55;
	v40 =	vadd.f32 v40, v25;
	v53 =	vld [tilespmem:s18+$0xFFFFFFC0];
	v26 =	vadd.f32 v26, v31  }
0x113: {  	v25 =	vunpack.i.u.bf16.f32 v55;
	v31 =	vadd.f32 v39, v38;
	v59 =	vld [tilespmem:s18+$0xFFFFFF80]  }
0x114: {  	v38 =	vunpack.i.l.bf16.f32 v43;
	v36 =	vadd.f32 v36, v40;
	v40 =	vunpack.i.u.bf16.f32 v52;
	v39 =	vld [tilespmem:s18+$0x1D0]  }
0x115: {  	v11 =	vadd.f32 v11, v56;
	v44 =	vunpack.i.u.bf16.f32 v34;
	v31 =	vadd.f32 v45, v31;
	v52 =	vld [tilespmem:s18+$0x10]  }
0x116: {  	v7 =	vadd.f32 v7, v26;
	v26 =	vunpack.i.u.bf16.f32 v47;
	v23 =	vadd.f32 v23, v36;
	v34 =	vld [tilespmem:s18+$0xFFFFFF40]  }
0x117: {  	v46 =	vunpack.i.u.bf16.f32 v41;
	v11 =	vadd.f32 v16, v11;
	v16 =	vadd.f32 v50, v31;
	v43 =	vld [tilespmem:s18+$0x180]  }
0x118: {  	v7 =	vadd.f32 v38, v7;
	v3 =	vadd.f32 v3, v23;
	v23 =	vunpack.i.u.bf16.f32 v35;
	v41 =	vld [tilespmem:s18+$0xFFFFFF00]  }
0x119: {  	v11 =	vadd.f32 v12, v11;
	v38 =	vunpack.i.u.bf16.f32 v0;
	v12 =	vadd.f32 v54, v16;
	v35 =	vld [tilespmem:s18+$0x50]  }
0x11a: {  	v7 =	vadd.f32 v27, v7;
	v16 =	vunpack.i.l.bf16.f32 v24;
	v3 =	vadd.f32 v49, v3;
	v0 =	vld [tilespmem:s18+$0x190]  }
0x11b: {  	v45 =	vunpack.i.u.bf16.f32 v4;
	v4 =	vadd.f32 v15, v11;
	v11 =	vadd.f32 v40, v12;
	v27 =	vld [tilespmem:s18+$0x1C0]  }
0x11c: {  	v49 =	vunpack.i.l.bf16.f32 v33;
	v15 =	vadd.f32 v29, v3;
	v3 =	vadd.f32 v37, v7;
	v12 =	vld [tilespmem:s18+$0xFFFFFED0]  }
0x11d: {  	v31 =	vunpack.i.u.bf16.f32 v9;
	v9 =	vmovc v39;
	v7 =	vadd.f32 v17, v4;
	v11 =	vadd.f32 v26, v11;
	v29 =	vld [tilespmem:s18+$0xFFFFFEC0]  }
0x11e: {  	v54 =	vunpack.i.l.bf16.f32 v9;
	v26 =	vunpack.i.u.bf16.f32 v43;
	v3 =	vadd.f32 v28, v3;
	v17 =	vld [tilespmem:s18+$0xFFFFFE90];
	v24 =	vmovc v35  }
0x11f: {  	v13 =	vadd.f32 v13, v7;
	v7 =	vadd.f32 v23, v11;
	v23 =	vunpack.i.u.bf16.f32 v33;
	v4 =	vld [tilespmem:s18+$0xFFFFFF90]  }
0x120: {  	v28 =	vunpack.i.u.bf16.f32 v24;
	v37 =	vunpack.i.l.bf16.f32 v0;
	v11 =	vadd.f32 v14, v3;
	v36 =	vld [tilespmem:s18+$0xFFFFFE50];
	v33 =	vmovc v27  }
0x121: {  	v14 =	vadd.f32 v45, v15;
	v15 =	vadd.f32 v20, v7;
	v20 =	vmovc v26;
	v50 =	vld [tilespmem:s18+$0xFFFFFE80];
	v3 =	vunpack.i.u.bf16.f32 v12  }
0x122: {  	v7 =	vunpack.i.l.bf16.f32 v12;
	v12 =	vadd.f32 v32, v13;
	v13 =	vadd.f32 v16, v11;
	v45 =	vld [tilespmem:s18+$0xFFFFFE40]  }
0x123: {  	v5 =	vadd.f32 v5, v14;
	v11 =	vunpack.i.l.bf16.f32 v29;
	v14 =	vadd.f32 v23, v15;
	v27 =	vld [tilespmem:s18+$0xFFFFFF50]  }
0x124: {  	v56 =	vunpack.i.u.bf16.f32 v29;
	v12 =	vadd.f32 v30, v12;
	v13 =	vadd.f32 v18, v13;
	v32 =	vld [tilespmem:s18+$0xFFFFFE00]  }
0x125: {  	v16 =	vunpack.i.l.bf16.f32 v41;
	v26 =	vunpack.i.l.bf16.f32 v17;
	v5 =	vadd.f32 v6, v5;
	v18 =	vld [tilespmem:s18+$0xFFFFFE10]  }
0x126: {  	v23 =	vunpack.i.u.bf16.f32 v17;
	v30 =	vunpack.i.u.bf16.f32 v41;
	v6 =	vadd.f32 v57, v12;
	v55 =	vld [tilespmem:s18+$0xFFFFFFD0]  }
0x127: {  	v12 =	vunpack.i.l.bf16.f32 v34;
	v29 =	vadd.f32 v22, v5;
	v5 =	vadd.f32 v58, v13;
	v22 =	vmovc v28;
	v57 =	vld [tilespmem:s18+$0x0]  }
0x128: {  	v58 =	vunpack.i.u.bf16.f32 v34;
	v28 =	vunpack.i.l.bf16.f32 v8;
	v8 =	vmovc v43;
	v6 =	vadd.f32 v42, v6;
	v60 =	vld [tilespmem:s18+$0x90]  }
0x129: {  	v15 =	vunpack.i.l.bf16.f32 v59;
	v5 =	vadd.f32 v10, v5;
	v13 =	vunpack.i.u.bf16.f32 v32;
	v61 =	vld [tilespmem:s18+$0x40]  }
0x12a: {  	v42 =	vunpack.i.u.bf16.f32 v59;
	v40 =	vunpack.i.u.bf16.f32 v18;
	v10 =	vadd.f32 v13, v14;
	v34 =	vld [tilespmem:s18+$0x110]  }
0x12b: {  	v17 =	vunpack.i.l.bf16.f32 v53;
	v59 =	vunpack.i.l.bf16.f32 v50;
	v51 =	vadd.f32 v51, v6;
	v43 =	vld [tilespmem:s18+$0xFFFFFF10]  }
0x12c: {  	v39 =	vunpack.i.u.bf16.f32 v53;
	v62 =	vunpack.i.l.bf16.f32 v45;
	v48 =	vadd.f32 v48, v5;
	v53 =	vld [tilespmem:s18+$0x80]  }
0x12d: {  	v2 =	vadd.f32 v2, v29;
	v5 =	vunpack.i.u.bf16.f32 v55;
	v13 =	vunpack.i.l.bf16.f32 v57;
	v35 =	vld [tilespmem:s18+$0x140]  }
0x12e: {  	v32 =	vunpack.i.l.bf16.f32 v32;
	v6 =	vunpack.i.u.bf16.f32 v45;
	v14 =	vunpack.i.l.bf16.f32 v52;
	v41 =	vld [tilespmem:s18+$0x150]  }
0x12f: {  	v29 =	vunpack.i.u.bf16.f32 v27;
	v10 =	vadd.f32 v6, v10;
	v6 =	vunpack.i.u.bf16.f32 v52;
	v47 =	vld [tilespmem:s18+$0x100]  }
0x130: {  	v51 =	vadd.f32 v28, v51;
	v48 =	vadd.f32 v21, v48;
	v21 =	vmovc v37;
	v45 =	vunpack.i.u.bf16.f32 v57;
	v52 =	vld [tilespmem:s18+$0xC0]  }
0x131: {  	v2 =	vadd.f32 v25, v2;
	v63 =	vunpack.i.l.bf16.f32 v18;
	v28 =	vunpack.i.l.bf16.f32 v55;
	v55 =	vld [tilespmem:s18+$0xD0]  }
0x132: {  	v18 =	vunpack.i.u.bf16.f32 v50;
	v37 =	vunpack.i.l.bf16.f32 v4;
	v25 =	vadd.f32 v49, v51  }
0x133: {  	v44 =	vadd.f32 v44, v2;
	v10 =	vadd.f32 v18, v10;
	v18 =	vunpack.i.l.bf16.f32 v60  }
0x134: {  	v2 =	vunpack.i.u.bf16.f32 v60;
	v25 =	vadd.f32 v32, v25;
	v49 =	vunpack.i.u.bf16.f32 v43  }
.Ltmp13:
0x135: {  	v44 =	vadd.f32 v46, v44;
	v50 =	vunpack.i.u.bf16.f32 v61;
	v10 =	vadd.f32 v56, v10;
	(pc) =	sbr.rel @p1 .LBB2_14-.Ltmp13, $4  }
0x136: {  	v57 =	vunpack.i.l.bf16.f32 v36;
	v32 =	vunpack.i.l.bf16.f32 v61;
	v25 =	vadd.f32 v62, v25  }
0x137: {  	v48 =	vadd.f32 v19, v48;
	v19 =	vmovc v54;
	v46 =	vadd.f32 v30, v10;
	v10 =	vunpack.i.l.bf16.f32 v34  }
0x138: {  	v60 =	vadd.f32 v38, v44;
	v30 =	vunpack.i.l.bf16.f32 v53;
	v56 =	vadd.f32 v59, v25  }
0x139: {  	v54 =	vunpack.i.u.bf16.f32 v53;
	v59 =	vadd.f32 v63, v48;
	v58 =	vadd.f32 v58, v46  }
0x13a: {  	v51 =	vmov v24;
	v53 =	vmov v33;
	v44 =	vmov v9  }
0x13b: {  	v46 =	vmovc v20;
	v48 =	vmovc v22;
	v38 =	vmov v8;
	v33 =	vmov v21;
	v25 =	vmov v19  }
.LBB2_16:
0x13c: {  	v8 =	vadd.f32 @p0 v31, v60;
	_ =	sdelay $0x1  }
0x13d: {  	v1 =	vpsel p0, v8, v1  }
0x13e: {  	v1 =	vadd.f32 v40, v1  }
0x13f: {  	v24 =	vunpack.i.u.bf16.f32 v36  }
0x140: {  	v9 =	vadd.f32 v57, v59;
	v1 =	vadd.f32 v24, v1;
	_ =	sdelay $0x1  }
0x141: {  	v26 =	vadd.f32 v26, v9;
	v1 =	vadd.f32 v23, v1  }
0x142: {  	v31 =	vadd.f32 v11, v56  }
0x143: {  	v7 =	vadd.f32 v7, v26;
	v1 =	vadd.f32 v3, v1  }
0x144: {  	v36 =	vadd.f32 v16, v31;
	v3 =	vunpack.i.l.bf16.f32 v43  }
0x145: {  	v3 =	vadd.f32 v3, v7;
	v1 =	vadd.f32 v49, v1  }
0x146: {  	v40 =	vunpack.i.l.bf16.f32 v27;
	v8 =	vadd.f32 v12, v36  }
0x147: {  	v3 =	vadd.f32 v40, v3;
	v1 =	vadd.f32 v29, v1  }
0x148: {  	v42 =	vadd.f32 v42, v58;
	v4 =	vunpack.i.u.bf16.f32 v4;
	v8 =	vadd.f32 v15, v8  }
0x149: {  	v3 =	vadd.f32 v37, v3;
	v1 =	vadd.f32 v4, v1  }
0x14a: {  	v56 =	vunpack.i.u.bf16.f32 v55;
	v8 =	vadd.f32 v17, v8;
	v7 =	vadd.f32 v39, v42  }
0x14b: {  	v57 =	vunpack.i.u.bf16.f32 v52;
	v3 =	vadd.f32 v28, v3;
	v1 =	vadd.f32 v5, v1  }
0x14c: {  	v58 =	vunpack.i.u.bf16.f32 v47;
	v8 =	vadd.f32 v13, v8;
	v7 =	vadd.f32 v45, v7  }
0x14d: {  	v59 =	vunpack.i.u.bf16.f32 v41;
	v3 =	vadd.f32 v14, v3;
	v1 =	vadd.f32 v6, v1  }
0x14e: {  	v8 =	vadd.f32 v32, v8;
	v49 =	vadd.f32 v50, v7;
	v50 =	vunpack.i.l.bf16.f32 v51  }
0x14f: {  	v60 =	vunpack.i.u.bf16.f32 v35;
	v3 =	vadd.f32 v50, v3;
	v1 =	vadd.f32 v48, v1  }
0x150: {  	v0 =	vunpack.i.u.bf16.f32 v0;
	v8 =	vadd.f32 v30, v8;
	v6 =	vadd.f32 v54, v49  }
0x151: {  	v45 =	vunpack.i.l.bf16.f32 v52;
	v3 =	vadd.f32 v18, v3;
	v1 =	vadd.f32 v2, v1  }
0x152: {  	v51 =	vunpack.i.l.bf16.f32 v55;
	v8 =	vadd.f32 v45, v8;
	v6 =	vadd.f32 v57, v6  }
0x153: {  	v5 =	vunpack.i.l.bf16.f32 v47;
	v3 =	vadd.f32 v51, v3;
	v1 =	vadd.f32 v56, v1  }
0x154: {  	v5 =	vadd.f32 v5, v8;
	v2 =	vunpack.i.u.bf16.f32 v34;
	v6 =	vadd.f32 v58, v6  }
0x155: {  	v4 =	vunpack.i.l.bf16.f32 v35;
	v3 =	vadd.f32 v10, v3;
	v1 =	vadd.f32 v2, v1  }
0x156: {  	v43 =	vunpack.i.l.bf16.f32 v41;
	v4 =	vadd.f32 v4, v5;
	v2 =	vadd.f32 v60, v6  }
.Ltmp14:
0x157: {  	v5 =	vunpack.i.l.bf16.f32 v38;
	v3 =	vadd.f32 v43, v3;
	v1 =	vadd.f32 v59, v1;
	(pc) =	sbr.rel .LBB2_17-.Ltmp14, $4  }
0x158: {  	v61 =	vunpack.i.l.bf16.f32 v53;
	v4 =	vadd.f32 v5, v4;
	v2 =	vadd.f32 v46, v2  }
0x159: {  	v5 =	vunpack.i.u.bf16.f32 v53;
	v62 =	vadd.f32 v33, v3;
	v0 =	vadd.f32 v0, v1  }
0x15a: {  	v63 =	vunpack.i.u.bf16.f32 v44;
	v3 =	vadd.f32 v61, v4;
	v2 =	vadd.f32 v5, v2  }
0x15b: {  	v1 =	vadd.f32 v25, v62;
	v0 =	vadd.f32 v63, v0  }
.LBB2_11:
.Ltmp15:
0x15c: {  	(pc) =	sbr.rel .LBB2_16-.Ltmp15, $2  }
0x15d: {  	_ =	sdelay $0x2  }
0x15e: {  	_ = 	snop  }
.LBB2_13:
.Ltmp16:
0x15f: {  	_ = 	snop;
	(pc) =	sbr.rel .LBB2_16-.Ltmp16, $3  }
0x160: {  	_ =	sdelay $0x1  }
0x161: {  	v51 =	vmov v24;
	v44 =	vmov v9;
	v46 =	vmov v20  }
0x162: {  	v48 =	vmovc v22;
	v38 =	vmovc v8;
	v25 =	vmov v19;
	v53 =	vmov v33;
	v33 =	vmov v21  }
.LBB2_19:
0x163: {  	_ =	sfence.sel $0x180000  }
0x164: {  	[bflag:$0x0] =	sbarrier.arrive $0xFFFF  }
0x165: {  	p0 =	sne.s32 s0, $0x0;
	_ =	strace $0x9000004D  }
0x166: {  	s0 =	sadd.s32 @!p0 $0x100000, s1;
	[bflag:$0x2] =	sbarrier.arrive $0xFFFF  }
0x167: {  	[sflag:s0] =	ssyncadd.tile.s32 @!p0 $0x1;
	_ =	shalt  }
.Lfunc_end2:
_tile_overlayer_lowered:
.L_overlay_start_2:
0x168: {  	(tag) =	ssettag $0x2  }
0x169: {  	s0 =	rddreg [dreg:$0x0];
	s2 =	stileid.u32  }
0x16a: {  	s1 =	rddreg [dreg:$0x1];
	p0 =	sne.s32 s2, $0x0  }
0x16b: {  	s3 =	rddreg [dreg:$0x2];
	[bflag:$0x3] =	sbarrier.arrive $0xFFFF;
	s2 =	simm.s32 @!p0 $0x1C02  }
0x16c: {  	[timem:s3], [sflag:s2] =	dma.local @!p0 [hbm:s0], s1  }
0x16d: {  	s0 =	simm.s32 @!p0 $0x2  }
0x16e: {  	_ =	swait.ge @!p0 [sflag:s0], s1  }
0x16f: {  	s1 =	ssub.s32 @!p0 $0x0, s1;
	[sflag:s0] =	ssyncset.done @!p0 $0x0  }
0x170: {  	[sflag:s0] =	ssyncadd.s32 @!p0 s1  }
0x171: {  	[bflag:$0x3] =	sbarrier.arrive $0xFFFF  }
0x172: {  	_ =	shalt  }

// kernel: sparse-core-data-format-call.1.cloned.1.call-start
scs
called_computation.1_lowered:
.L_overlay_start_0:
0x0: {  	s1 =	sld [smem:$0x3FD9]  }
0x1: {  	s2 =	sld [smem:$0x3FFE];
	_ =	sdelay $0x1  }
0x2: {  	s3 =	srdreg.scid  }
0x3: {  	s0 =	sand.u32 $0x1, s3  }
0x4: {  	s17 =	sshll.u32 s0, $0xA;
	s1 =	sadd.s32 s2, s1  }
0x5: {  	s1 =	sadd.s32 s1, s17  }
0x6: {  	[smem:$0x3FC1] =	sst s1  }
0x7: {  	_ = 	snop  }
0x8: {  	(tm) =	ssettm $0x1  }
0x9: {  	s18 =	sld [smem:$0x3FFB];
	_ =	sdelay $0x3  }
0xa: {  	_ =	strace s18  }
0xb: {  	s1 =	sld [smem:$0x3FFC];
	_ =	sdelay $0x3  }
0xc: {  	_ =	strace s1  }
0xd: {  	s1 =	sld [smem:$0x3FFD];
	_ =	sdelay $0x3  }
0xe: {  	_ =	strace s1  }
0xf: {  	_ =	strace $0x8FFFFFFF  }
0x10: {  	s19 =	sld [smem:$0x3FDB];
	_ =	sdelay $0x1  }
0x11: {  	s20 =	simm.s32 $_scs_section_size  }
0x12: {  	s4 =	simm.s32 $_size__tile_overlayer_lowered;
	s5 =	simm.s32 $_tile_overlayer_lowered  }
0x13: {  	s23 =	simm.s32 $0x1BFF;
	s22 =	sshll.u32 s5, $0x1;
	s1 =	sadd.s32 s20, s19  }
0x14: {  	s6 =	simm.s32 $0x0;
	s21 =	sshll.u32 s4, $0x1;
	s4 =	sadd.s32 s22, s1  }
0x15: {  	[timem:s6], [sflag:s23] =	dma.local [hbm:s4], s21  }
0x16: {  	_ =	swait.ge [sflag:s23], s21  }
0x17: {  	s2 =	ssub.s32 $0x0, s21;
	[sflag:s23] =	ssyncset.done $0x0  }
0x18: {  	[sflag:s23] =	ssyncadd.s32 s2;
	_ =	sdelay $0x1  }
0x19: {  	s24 =	simm.s32 $0x1B8B  }
0x1a: {  	_ =	swait.ge [sflag:s24], $0x1  }
0x1b: {  	[sflag:s24] =	ssyncset.done $0x0  }
0x1c: {  	s26 =	simm.s32 $0x1B8E;
	s25 =	sld [smem:$0x3FFE];
	[sflag:s24] =	ssyncadd.s32 $0xFFFFFFFF  }
0x1d: {  	s27 =	simm.s32 $execute0_lowered;
	[smem:$0x3FD2] =	sst s26  }
0x1e: {  	s4 =	sshll.u32 s27, $0x1;
	_ =	strace $0x80000046;
	[dreg:$0x1] =	wrdreg $0xFFFFFFFF  }
0x1f: {  	s28 =	simm.s32 $_size_execute0_lowered;
	s1 =	sadd.s32 s1, s4;
	[dreg:$0x0] =	wrdreg $0x0  }
0x20: {  	s4 =	sshll.u32 s28, $0x1;
	[dreg:$0x2] =	wrdreg s1  }
0x21: {  	[dreg:$0x3] =	wrdreg s4  }
0x22: {  	[dreg:$0x4] =	wrdreg $0xC0  }
0x23: {  	_ =	task [dreg:s6], $0x5FFFF  }
0x24: {  	[dreg:$0x1] =	wrdreg $0xFFFFFFFF  }
0x25: {  	[dreg:$0x0] =	wrdreg $0x60  }
0x26: {  	[dreg:$0x2] =	wrdreg s25  }
0x27: {  	[dreg:$0x3] =	wrdreg $0x9  }
0x28: {  	_ =	task.clear_ibuf [dreg:s6], $0x4FFFF;
	_ =	strace $0x90000046  }
0x29: {  	s29 =	simm.s32 $0x9;
	_ =	strace $0x80000048  }
0x2a: {  	_ =	swait.ge [sflag:s29], $0x1  }
0x2b: {  	[sflag:s29] =	ssyncadd.s32 $0xFFFFFFFF  }
0x2c: {  	_ =	strace $0x90000048  }
0x2d: {  	_ =	sfence  }
0x2e: {  	s30 =	sld [smem:$0x0];
	_ =	sdelay $0x2  }
0x2f: {  	s31 =	sshll.u32 s3, $0xD;
	s3 =	sshrl.u32 s3, $0x2  }
0x30: {  	s2 =	sand.u32 $0x4000, s31;
	s1 =	sadd.s32 s3, s30  }
0x31: {  	s0 =	sor.u32 s2, s0;
	s1 =	sshll.u32 s1, $0x11  }
0x32: {  	s0 =	sor.u32 s1, s0  }
0x33: {  	s0 =	sadd.s32 $0x8F2B, s0  }
0x34: {  	[sflag:s0] =	ssyncadd.remote.s32 $0x1  }
0x35: {  	_ =	sfence.sel $0xFFFF  }
0x36: {  	[dreg:$0x0] =	wrdreg $0xFFFFFFFF;
	(pc) =	sbr.abs _section_cstart, $3  }
0x37: {  	[dreg:$0x1] =	wrdreg $0xFFFFFFFF  }
0x38: {  	_ =	task.clear_ibuf [dreg:s6], $0x2FFFF;
	_ =	strace $0x9FFFFFFF  }
0x39: {  	(tm) =	ssettm $0x7FFFFFFF  }
tec
execute0_lowered:
.L_overlay_start_1:
0x0: {  	(tag) =	ssettag $0x1  }
0x1: {  	s0 =	srdreg.scid  }
0x2: {  	s5 =	rddreg [dreg:$0x0];
	s1 =	stileid.u32;
	s4 =	simm.s32 $0x1  }
0x3: {  	s6 =	simm.s32 $0x2;
	s15 =	simm.s32 $0x0;
	p0 =	por $0x0, $0x0  }
0x4: {  	s8 =	simm.s32 $0x80;
	s14 =	simm.s32 $0x0;
	s2 =	sshll.u32 s0, $0x4  }
0x5: {  	s9 =	simm.s32 $0x0;
	s10 =	simm.s32 $0x0;
	s2 =	sand.u32 $0x10, s2  }
.Ltmp0:
0x6: {  	s12 =	simm.s32 $0x0;
	s3 =	sor.u32 s1, s2;
	(pc) =	sbr.rel .LBB1_1-.Ltmp0, $4  }
0x7: {  	s0 =	rddreg [dreg:$0x1];
	_ =	strace $0x80000047;
	s3 =	sshll.u32 s3, $0x7  }
0x8: {  	s13 =	simm.s32 $0x0;
	[sflag:s4] =	ssyncpa.u1 $0x0;
	s7 =	ssub.s32 $0xF4200, s3  }
0x9: {  	s2 =	sadd.s32 $0x1800, s5;
	[sflag:s6] =	ssyncpa.u1 $0x0;
	s6 =	sshrl.u32 s7, $0xC  }
0xa: {  	s5 =	sadd.s32 $0x3D2200, s5;
	s11 =	smov.u32 s3;
	s7 =	sadd.s32 $0x2, s6  }
.LBB1_5:
0xb: {  	p1 =	slt.u32 s13, $0x2  }
0xc: {  	s17 =	smov.u32 s15;
	p2 =	sgt.s32 @!p1 s15, $0xF41C0;
	s16 =	sshra.s32 @!p1 s15, $0x1F  }
0xd: {  	p3 =	sgt.s32 @!p1 s14, $0x40;
	s18 =	sshra.s32 @!p1 s14, $0x1F;
	p2 =	por !p2, p1  }
0xe: {  	s15 =	sand.u32 @!p1 s16, s15;
	p3 =	por !p3, p1;
	s16 =	smov.u32 s14  }
0xf: {  	s14 =	sand.u32 @!p1 s18, s14;
	s17 =	simm.s32 @p2 $0xF41C0;
	s16 =	simm.s32 @p3 $0x40  }
0x10: {  	s15 =	ssub.s32 @!p1 s17, s15;
	s14 =	ssub.s32 @!p1 s16, s14  }
0x11: {  	s18 =	smov.u32 s12;
	s16 =	sadd.s32 @!p1 $0xFFF0BE40, s15;
	s17 =	sadd.s32 @!p1 $0xFFFFFFC0, s14  }
0x12: {  	s15 =	ssub.s32 @!p1 $0xF4240, s15;
	p2 =	sgt.s32 @!p1 s16, $0x7F;
	p3 =	sgt.s32 @!p1 s17, $0x3F  }
0x13: {  	s14 =	ssub.s32 @!p1 $0x80, s14;
	p2 =	por !p2, p1;
	p3 =	por !p3, p1  }
0x14: {  	s16 =	sadd.s32 $0x1000, s11;
	s15 =	simm.s32 @!p2 $0x0;
	s14 =	simm.s32 @!p3 $0x0  }
0x15: {  	p2 =	sgt.s32 s16, $0xF423F;
	s14 =	smul.u32 @!p1 s14, s15;
	s15 =	sadd.s32 $0x40, s12  }
0x16: {  	s18 =	smov.u32 @p2 s15  }
0x17: {  	s16 =	smov.u32 @p2 s3;
	p2 =	sgt.s32 s18, $0x3F  }
0x18: {  	p0 =	por !p0, !p0;
	s18 =	simm.s32 @p2 $0x0;
	p2 =	sne.s32 s13, s7  }
.Ltmp1:
0x19: {  	s17 =	simm.s32 @!p1 $0x2;
	s14 =	sshrl.u32 @!p1 s14, $0x1;
	(pc) =	sbr.rel @!p2 .LBB1_6-.Ltmp1, $4  }
0x1a: {  	s15 =	smov.u32 s9;
	s9 =	smov.u32 s11;
	s14 =	sand.u32 @!p1 $0x3FFFFFFF, s14  }
0x1b: {  	s11 =	smov.u32 s16;
	s13 =	sadd.s32 $0x1, s13;
	_ =	swait.ge @!p1 [sflag:s17], s14  }
0x1c: {  	s19 =	ssub.s32 @!p1 $0x0, s14;
	s14 =	smov.u32 s10;
	[sflag:s17] =	ssyncset.done @!p1 $0x0  }
0x1d: {  	s10 =	smov.u32 s12;
	s12 =	smov.u32 s18;
	[sflag:s17] =	ssyncadd.s32 @!p1 s19  }
.LBB1_1:
0x1e: {  	p1 =	sgt.u32 s13, s6  }
0x1f: {  	s16 =	sshrl.u32 @!p1 s12, $0x3  }
0x20: {  	s17 =	sshll.u32 @!p1 s11, $0x3;
	s16 =	smul.u32 @!p1 $0x7A1400, s16  }
0x21: {  	s18 =	sshll.u32 @!p1 s12, $0x7;
	s17 =	sand.u32 @!p1 $0xFFFFFC00, s17  }
0x22: {  	s16 =	sadd.s32 @!p1 s16, s17;
	s17 =	sand.u32 @!p1 $0x300, s18;
	s18 =	sshll.u32 @!p1 s11, $0x1  }
0x23: {  	s16 =	sor.u32 @!p1 s17, s16;
	s17 =	sand.u32 @!p1 $0xFE, s18  }
0x24: {  	s18 =	sand.u32 @!p1 $0x1, s12;
	s16 =	sor.u32 @!p1 s17, s16  }
0x25: {  	s17 =	sor.u32 @!p1 s18, s16  }
0x26: {  	s18 =	smulhi.u32 @!p1 $0x218D6287, s17;
	_ =	sdelay $0x1  }
0x27: {  	s16 =	smulhi.u32 @!p1 $0x218D6287, s16;
	s18 =	sshrl.u32 @!p1 s18, $0x11  }
0x28: {  	s18 =	smul.u32 @!p1 $0xF4280, s18  }
0x29: {  	s16 =	sshrl.u32 @!p1 s16, $0x11  }
0x2a: {  	s16 =	sand.u32 @!p1 $0x3F, s16;
	s17 =	ssub.s32 @!p1 s17, s18  }
0x2b: {  	s16 =	smul.u32 @!p1 $0xF428, s16;
	s18 =	sshrl.u32 @!p1 s17, $0x4  }
0x2c: {  	s19 =	sxor.u32 @!p1 $0xFFFFFFFF, s13;
	s17 =	sshll.u32 @!p1 s17, $0x11;
	s18 =	sadd.s32 @!p1 s2, s18  }
0x2d: {  	s17 =	sand.u32 @!p1 $0x1C0000, s17;
	s16 =	sadd.s32 @!p1 s16, s18;
	s18 =	sshll.u32 @!p1 s19, $0xC  }
0x2e: {  	s17 =	sor.u32 @!p1 $0x200, s17;
	s19 =	simm.s32 @!p1 $0x3D0A00;
	s18 =	sand.u32 @!p1 $0x1000, s18  }
0x2f: {  	[tilespmem:s18], [sflag:$0x1] =	stream.strided.gather @!p1 [hbm4b:s16+s17], $0x1000, s19, s17, $0x38;
	[tilespmem:$0x4080] =	vst v63  }
0x30: {  	p1 =	seq.s32 s13, $0x0  }
0x31: {  	p2 =	sge.u32 @!p1 s13, s7  }
0x32: {  	p1 =	por p1, p2  }
.Ltmp2:
0x33: {  	_ = 	snop;
	(pc) =	sbr.rel @p1 .LBB1_5-.Ltmp2, $1  }
0x34: {  	_ =	sdelay $0x3  }
0x35: {  	s16 =	simm.s32 $0x1  }
0x36: {  	_ =	swait.ge [sflag:s4], $0x1000;
	s16 =	simm.s32 @!p0 $0x0  }
0x37: {  	[sflag:s4] =	ssyncset.done $0x0;
	s16 =	sshll.u32 s16, $0xC  }
0x38: {  	[sflag:s4] =	ssyncadd.s32 $0xFFFFF000;
	s16 =	sor.u32 $0x40, s16  }
0x39: {  	v0 =	vld [tilespmem:s16+$0x20]  }
0x3a: {  	v1 =	vld [tilespmem:s16+$0x30]  }
0x3b: {  	v2 =	vld [tilespmem:s16+$0xFFFFFFD0]  }
0x3c: {  	v5 =	vld [tilespmem:s16+$0x0]  }
0x3d: {  	v6 =	vld [tilespmem:s16+$0x10]  }
0x3e: {  	s17 =	sand.u32 $0x1, s13;
	v3 =	vld [tilespmem:s16+$0xFFFFFFE0]  }
0x3f: {  	s17 =	smul.u32 $0x4100, s17;
	v4 =	vld [tilespmem:s16+$0xFFFFFFF0]  }
0x40: {  	s18 =	simm.s32 $0x0;
	v1 =	vperm.xlane.i2c.b16 v1  }
0x41: {  	s19 =	sand.u32 $0x3C, s18;
	s17 =	sshrl.u32 s17, $0x2;
	v8 =	vld [tilespmem:s16+$0xFFFFFFC0];
	s20 =	sadd.s32 $0x80, s16;
	v7 =	vperm.xlane.i2c.b16 v0;
	v0 =	vperm.xlane.i2c.b16 v2  }
0x42: {  	s30 =	sand.u32 $0x40, s18;
	s31 =	sshrl.u32 s19, $0x1;
	s16 =	sor.u32 $0x2000, s17;
	v11 =	vld [tilespmem:s20+$0x30];
	v10 =	vperm.xlane.i2c.b16 v5;
	v13 =	vperm.xlane.i2c.b16 v6  }
0x43: {  	s17 =	sshrl.u32 s30, $0x1;
	s18 =	sadd.s32 s31, s16;
	v2 =	vld [tilespmem:s20+$0x20];
	v3 =	vperm.xlane.i2c.b16 v3;
	v9 =	vcombine.low v7, v1  }
0x44: {  	v12 =	vld [tilespmem:s20+$0xFFFFFFD0];
	s17 =	sadd.s32 s17, s18;
	v4 =	vperm.xlane.i2c.b16 v4;
	v14 =	vcombine.low v10, v13  }
0x45: {  	v1 =	vcombine.high v7, v1;
	v7 =	vld [tilespmem:s20+$0xFFFFFFE0];
	[tilespmem:s17+$0xC30 ss:$0x41] =	vst.msk $0xffff, v9  }
0x46: {  	v6 =	vld [tilespmem:s20+$0xFFFFFFF0];
	v5 =	vperm.xlane.i2c.b16 v8;
	v9 =	vcombine.low v3, v4;
	[tilespmem:s17+$0x820 ss:$0x41] =	vst.msk $0xffff, v14  }
0x47: {  	s18 =	simm.s32 $0x4;
	v8 =	vperm.xlane.i2c.b16 v11;
	[tilespmem:s17+$0xC31 ss:$0x41] =	vst.msk $0xffff, v1;
	v1 =	vcombine.high v3, v4;
	v4 =	vld [tilespmem:s20+$0x0]  }
0x48: {  	s19 =	simm.s32 $0x2;
	s22 =	sand.u32 $0x3C, s18;
	v10 =	vcombine.high v10, v13;
	v3 =	vld [tilespmem:s20+$0x10];
	[tilespmem:s17+$0x410 ss:$0x41] =	vst.msk $0xffff, v9;
	v9 =	vperm.xlane.i2c.b16 v2  }
0x49: {  	s21 =	sand.u32 $0x40, s18;
	s22 =	sshrl.u32 s22, $0x1;
	v11 =	vcombine.low v5, v0;
	v2 =	vld [tilespmem:s20+$0xFFFFFFC0];
	s20 =	sadd.s32 $0x80, s20;
	[tilespmem:s17+$0x411 ss:$0x41] =	vst.msk $0xffff, v1;
	v1 =	vperm.xlane.i2c.b16 v12  }
.LBB1_3:
0x4a: {  	v12 =	vld [tilespmem:s20+$0x20];
	s22 =	sadd.s32 s22, s16;
	s21 =	sshrl.u32 s21, $0x1;
	v13 =	vperm.xlane.i2c.b16 v7;
	v7 =	vcombine.low v9, v8;
	[tilespmem:s17+$0x821 ss:$0x41] =	vst.msk $0xffff, v10  }
0x4b: {  	s19 =	sadd.s32 $0x2, s19;
	v14 =	vld [tilespmem:s20+$0x30];
	s21 =	sadd.s32 s21, s22;
	v10 =	vperm.xlane.i2c.b16 v6;
	v6 =	vcombine.high v9, v8;
	[tilespmem:s17+$0x0 ss:$0x41] =	vst.msk $0xffff, v11  }
0x4c: {  	p1 =	slt.u32 s19, $0x3E;
	v11 =	vld [tilespmem:s20+$0xFFFFFFD0];
	v8 =	vperm.xlane.i2c.b16 v4;
	[tilespmem:s21+$0xC30 ss:$0x41] =	vst.msk $0xffff, v7;
	v4 =	vcombine.high v5, v0;
	v0 =	vmov v1  }
.Ltmp3:
0x4d: {  	v7 =	vld [tilespmem:s20+$0xFFFFFFE0];
	v1 =	vcombine.low v13, v10;
	v3 =	vperm.xlane.i2c.b16 v3;
	[tilespmem:s21+$0xC31 ss:$0x41] =	vst.msk $0xffff, v6;
	(pc) =	sbr.rel @p1 .LBB1_3-.Ltmp3, $4  }
0x4e: {  	v6 =	vld [tilespmem:s20+$0xFFFFFFF0];
	v5 =	vperm.xlane.i2c.b16 v2;
	v2 =	vcombine.high v13, v10;
	[tilespmem:s17+$0x1 ss:$0x41] =	vst.msk $0xffff, v4;
	s17 =	smov.u32 s21  }
0x4f: {  	s18 =	sadd.s32 $0x4, s18;
	v4 =	vld [tilespmem:s20+$0x0];
	[tilespmem:s17+$0x410 ss:$0x41] =	vst.msk $0xffff, v1;
	v13 =	vcombine.low v8, v3;
	v10 =	vcombine.high v8, v3  }
0x50: {  	s22 =	sand.u32 $0x3C, s18;
	v9 =	vperm.xlane.i2c.b16 v12;
	v3 =	vld [tilespmem:s20+$0x10];
	v8 =	vperm.xlane.i2c.b16 v14;
	[tilespmem:s17+$0x411 ss:$0x41] =	vst.msk $0xffff, v2  }
0x51: {  	s22 =	sshrl.u32 s22, $0x1;
	s21 =	sand.u32 $0x40, s18;
	v2 =	vld [tilespmem:s20+$0xFFFFFFC0];
	v1 =	vperm.xlane.i2c.b16 v11;
	s20 =	sadd.s32 $0x80, s20;
	v11 =	vcombine.low v5, v0;
	[tilespmem:s17+$0x820 ss:$0x41] =	vst.msk $0xffff, v13  }
0x52: {  	s18 =	sadd.s32 s22, s16;
	s19 =	sshll.u32 s9, $0x7;
	s20 =	sshll.u32 s10, $0x3  }
0x53: {  	s21 =	sshrl.u32 s21, $0x1;
	s24 =	sshll.u32 s10, $0x1;
	p1 =	sgt.s32 s9, $0xF41C0  }
0x54: {  	s22 =	smov.u32 s9;
	s26 =	sshra.s32 s9, $0x1F;
	s23 =	sand.u32 $0xFFFFFC00, s19  }
0x55: {  	s20 =	sand.u32 $0xFFFFFC00, s20;
	s19 =	sand.u32 $0x300, s19;
	s25 =	sand.u32 $0x80, s24  }
0x56: {  	s18 =	sadd.s32 s21, s18;
	s22 =	simm.s32 @!p1 $0xF41C0;
	p1 =	sgt.s32 s10, $0x40  }
0x57: {  	s21 =	smov.u32 s10;
	s20 =	sadd.s32 s20, s23;
	s23 =	sshra.s32 s10, $0x1F  }
0x58: {  	s21 =	simm.s32 @!p1 $0x40;
	s19 =	sor.u32 s19, s20;
	s20 =	sand.u32 s26, s9  }
0x59: {  	v7 =	vperm.xlane.i2c.b16 v7;
	[tilespmem:s17+$0x821 ss:$0x41] =	vst.msk $0xffff, v10;
	v0 =	vcombine.high v5, v0;
	s23 =	sand.u32 s23, s10;
	s19 =	sor.u32 s25, s19;
	s20 =	ssub.s32 s22, s20  }
0x5a: {  	v57 =	vcombine.low v9, v8;
	v6 =	vperm.xlane.i2c.b16 v6;
	[tilespmem:s17+$0x0 ss:$0x41] =	vst.msk $0xffff, v11;
	s21 =	ssub.s32 s21, s23;
	s19 =	sshrl.u32 s19, $0x7;
	s22 =	sadd.s32 $0xFFF0BE40, s20  }
0x5b: {  	v58 =	vcombine.high v9, v8;
	v4 =	vperm.xlane.i2c.b16 v4;
	[tilespmem:s17+$0x1 ss:$0x41] =	vst.msk $0xffff, v0;
	s23 =	sadd.s32 $0xFFFFFFC0, s21;
	s20 =	ssub.s32 $0xF4240, s20;
	s21 =	ssub.s32 $0x80, s21  }
0x5c: {  	[tilespmem:s18+$0xC30 ss:$0x41] =	vst.msk $0xffff, v57;
	v59 =	vcombine.low v7, v6;
	v3 =	vperm.xlane.i2c.b16 v3;
	s27 =	smulhi.u32 $0x218DEF5, s19;
	p1 =	sgt.s32 s22, $0x7F;
	p2 =	sgt.s32 s23, $0x3F  }
0x5d: {  	[tilespmem:s18+$0xC31 ss:$0x41] =	vst.msk $0xffff, v58;
	v60 =	vcombine.high v7, v6;
	s20 =	simm.s32 @p1 $0x0;
	s21 =	simm.s32 @p2 $0x0  }
0x5e: {  	v2 =	vperm.xlane.i2c.b16 v2;
	[tilespmem:s18+$0x410 ss:$0x41] =	vst.msk $0xffff, v59;
	v61 =	vcombine.low v4, v3;
	s17 =	sshrl.u32 s27, $0xD;
	s20 =	smul.u32 s21, s20  }
0x5f: {  	v3 =	vcombine.high v4, v3;
	[tilespmem:s18+$0x411 ss:$0x41] =	vst.msk $0xffff, v60;
	s17 =	smul.u32 $0xF4240, s17  }
.Ltmp4:
0x60: {  	s28 =	sshrl.u32 s10, $0x3;
	s29 =	sand.u32 $0x7, s10;
	v62 =	vcombine.low v2, v1;
	[tilespmem:s18+$0x820 ss:$0x41] =	vst.msk $0xffff, v61;
	(pc) =	sbr.rel .LBB1_5-.Ltmp4, $4  }
0x61: {  	v63 =	vcombine.high v2, v1;
	[tilespmem:s18+$0x821 ss:$0x41] =	vst.msk $0xffff, v3;
	s21 =	sshll.u32 s29, $0x12;
	s17 =	ssub.s32 s19, s17;
	s19 =	sand.u32 $0x7, s28  }
0x62: {  	[tilespmem:s18+$0x0 ss:$0x41] =	vst.msk $0xffff, v62;
	s20 =	sshrl.u32 s20, $0x1;
	s17 =	sshll.u32 s17, $0x3;
	s19 =	sadd.s32 s5, s19  }
0x63: {  	[tilespmem:s18+$0x1 ss:$0x41] =	vst.msk $0xffff, v63;
	s31 =	sor.u32 $0x40, s21;
	s30 =	sand.u32 $0x3FFFFFFF, s20;
	s17 =	sadd.s32 s17, s19  }
0x64: {  	[hbm4b:s17+s31] =	stream.strided.scatter [tilespmem:s16], [sflag:$0x2], s30, s8, s31, $0x18;
	[tilespmem:$0x4080] =	vst v63  }
.LBB1_6:
0x65: {  	_ =	sfence.sel $0x180000  }
0x66: {  	s2 =	simm.s32 $0x1;
	[bflag:$0x0] =	sbarrier.arrive $0xFFFF  }
0x67: {  	s31 =	simm.s32 $0x2;
	[sflag:s2] =	ssyncpa.u1 $0x1  }
0x68: {  	[sflag:s31] =	ssyncpa.u1 $0x1  }
0x69: {  	p0 =	sne.s32 s1, $0x0;
	_ =	strace $0x90000047  }
0x6a: {  	s0 =	sadd.s32 @!p0 $0x100000, s0;
	[bflag:$0x2] =	sbarrier.arrive $0xFFFF  }
0x6b: {  	[sflag:s0] =	ssyncadd.tile.s32 @!p0 $0x1;
	_ =	shalt  }
.Lfunc_end1:
_tile_overlayer_lowered:
.L_overlay_start_2:
0x6c: {  	(tag) =	ssettag $0x2  }
0x6d: {  	s0 =	rddreg [dreg:$0x0];
	s2 =	stileid.u32  }
0x6e: {  	s1 =	rddreg [dreg:$0x1];
	p0 =	sne.s32 s2, $0x0  }
0x6f: {  	s3 =	rddreg [dreg:$0x2];
	[bflag:$0x3] =	sbarrier.arrive $0xFFFF;
	s2 =	simm.s32 @!p0 $0x1C01  }
0x70: {  	[timem:s3], [sflag:s2] =	dma.local @!p0 [hbm:s0], s1  }
0x71: {  	s0 =	simm.s32 @!p0 $0x1  }
0x72: {  	_ =	swait.ge @!p0 [sflag:s0], s1  }
0x73: {  	s1 =	ssub.s32 @!p0 $0x0, s1;
	[sflag:s0] =	ssyncset.done @!p0 $0x0  }
0x74: {  	[sflag:s0] =	ssyncadd.s32 @!p0 s1  }
0x75: {  	[bflag:$0x3] =	sbarrier.arrive $0xFFFF  }
0x76: {  	_ =	shalt  }

// kernel: sparse-core-data-format-call.cloned.1.call-start
scs
called_computation_lowered:
.L_overlay_start_0:
0x0: {  	s1 =	sld [smem:$0x3FD9]  }
0x1: {  	s2 =	sld [smem:$0x3FFE];
	_ =	sdelay $0x1  }
0x2: {  	s3 =	srdreg.scid  }
0x3: {  	s0 =	sand.u32 $0x1, s3  }
0x4: {  	s17 =	sshll.u32 s0, $0xA;
	s1 =	sadd.s32 s2, s1  }
0x5: {  	s1 =	sadd.s32 s1, s17  }
0x6: {  	[smem:$0x3FC1] =	sst s1  }
0x7: {  	_ = 	snop  }
0x8: {  	(tm) =	ssettm $0x1  }
0x9: {  	s18 =	sld [smem:$0x3FFB];
	_ =	sdelay $0x3  }
0xa: {  	_ =	strace s18  }
0xb: {  	s1 =	sld [smem:$0x3FFC];
	_ =	sdelay $0x3  }
0xc: {  	_ =	strace s1  }
0xd: {  	s1 =	sld [smem:$0x3FFD];
	_ =	sdelay $0x3  }
0xe: {  	_ =	strace s1  }
0xf: {  	_ =	strace $0x8FFFFFFF  }
0x10: {  	s19 =	sld [smem:$0x3FDB];
	_ =	sdelay $0x1  }
0x11: {  	s20 =	simm.s32 $_scs_section_size  }
0x12: {  	s4 =	simm.s32 $_size__tile_overlayer_lowered;
	s5 =	simm.s32 $_tile_overlayer_lowered  }
0x13: {  	s23 =	simm.s32 $0x1BFF;
	s22 =	sshll.u32 s5, $0x1;
	s1 =	sadd.s32 s20, s19  }
0x14: {  	s6 =	simm.s32 $0x0;
	s21 =	sshll.u32 s4, $0x1;
	s4 =	sadd.s32 s22, s1  }
0x15: {  	[timem:s6], [sflag:s23] =	dma.local [hbm:s4], s21  }
0x16: {  	_ =	swait.ge [sflag:s23], s21  }
0x17: {  	s2 =	ssub.s32 $0x0, s21;
	[sflag:s23] =	ssyncset.done $0x0  }
0x18: {  	[sflag:s23] =	ssyncadd.s32 s2;
	_ =	sdelay $0x1  }
0x19: {  	s24 =	simm.s32 $0x1B8B  }
0x1a: {  	_ =	swait.ge [sflag:s24], $0x1  }
0x1b: {  	[sflag:s24] =	ssyncset.done $0x0  }
0x1c: {  	s26 =	simm.s32 $0x1B8E;
	s25 =	sld [smem:$0x3FFE];
	[sflag:s24] =	ssyncadd.s32 $0xFFFFFFFF  }
0x1d: {  	s27 =	simm.s32 $execute0_lowered;
	[smem:$0x3FD2] =	sst s26  }
0x1e: {  	s4 =	sshll.u32 s27, $0x1;
	_ =	strace $0x80000049;
	[dreg:$0x1] =	wrdreg $0xFFFFFFFF  }
0x1f: {  	s28 =	simm.s32 $_size_execute0_lowered;
	s1 =	sadd.s32 s1, s4;
	[dreg:$0x0] =	wrdreg $0x0  }
0x20: {  	s4 =	sshll.u32 s28, $0x1;
	[dreg:$0x2] =	wrdreg s1  }
0x21: {  	[dreg:$0x3] =	wrdreg s4  }
0x22: {  	[dreg:$0x4] =	wrdreg $0xC0  }
0x23: {  	_ =	task [dreg:s6], $0x5FFFF  }
0x24: {  	[dreg:$0x1] =	wrdreg $0xFFFFFFFF  }
0x25: {  	[dreg:$0x0] =	wrdreg $0x60  }
0x26: {  	[dreg:$0x2] =	wrdreg s25  }
0x27: {  	[dreg:$0x3] =	wrdreg $0x9  }
0x28: {  	_ =	task.clear_ibuf [dreg:s6], $0x4FFFF;
	_ =	strace $0x90000049  }
0x29: {  	s29 =	simm.s32 $0x9;
	_ =	strace $0x8000004B  }
0x2a: {  	_ =	swait.ge [sflag:s29], $0x1  }
0x2b: {  	[sflag:s29] =	ssyncadd.s32 $0xFFFFFFFF  }
0x2c: {  	_ =	strace $0x9000004B  }
0x2d: {  	_ =	sfence  }
0x2e: {  	s30 =	sld [smem:$0x0];
	_ =	sdelay $0x2  }
0x2f: {  	s31 =	sshll.u32 s3, $0xD;
	s3 =	sshrl.u32 s3, $0x2  }
0x30: {  	s2 =	sand.u32 $0x4000, s31;
	s1 =	sadd.s32 s3, s30  }
0x31: {  	s0 =	sor.u32 s2, s0;
	s1 =	sshll.u32 s1, $0x11  }
0x32: {  	s0 =	sor.u32 s1, s0  }
0x33: {  	s0 =	sadd.s32 $0x8F2B, s0  }
0x34: {  	[sflag:s0] =	ssyncadd.remote.s32 $0x1  }
0x35: {  	_ =	sfence.sel $0xFFFF  }
0x36: {  	[dreg:$0x0] =	wrdreg $0xFFFFFFFF;
	(pc) =	sbr.abs _section_cstart, $3  }
0x37: {  	[dreg:$0x1] =	wrdreg $0xFFFFFFFF  }
0x38: {  	_ =	task.clear_ibuf [dreg:s6], $0x2FFFF;
	_ =	strace $0x9FFFFFFF  }
0x39: {  	(tm) =	ssettm $0x7FFFFFFF  }
tec
execute0_lowered:
.L_overlay_start_1:
0x0: {  	(tag) =	ssettag $0x1  }
0x1: {  	s0 =	srdreg.scid  }
0x2: {  	s5 =	rddreg [dreg:$0x0];
	s1 =	stileid.u32;
	s4 =	simm.s32 $0x1  }
0x3: {  	s6 =	simm.s32 $0x2;
	s8 =	simm.s32 $0x0;
	s2 =	sshll.u32 s0, $0x4  }
0x4: {  	s9 =	simm.s32 $0x0;
	s13 =	simm.s32 $0x0;
	s2 =	sand.u32 $0x10, s2  }
.Ltmp0:
0x5: {  	s10 =	simm.s32 $0x0;
	s3 =	sor.u32 s1, s2;
	(pc) =	sbr.rel .LBB1_1-.Ltmp0, $4  }
0x6: {  	s0 =	rddreg [dreg:$0x1];
	_ =	strace $0x8000004A;
	s3 =	sshll.u32 s3, $0x4  }
0x7: {  	s12 =	simm.s32 $0x0;
	[sflag:s4] =	ssyncpa.u1 $0x0;
	s7 =	ssub.s32 $0xF420, s3  }
0x8: {  	s2 =	sadd.s32 $0x7A2A00, s5;
	[sflag:s6] =	ssyncpa.u1 $0x0;
	s6 =	sshrl.u32 s7, $0x9  }
0x9: {  	s5 =	sadd.s32 $0x1800, s5;
	s11 =	smov.u32 s3;
	s7 =	sadd.s32 $0x2, s6  }
.LBB1_7:
0xa: {  	s15 =	sshll.u32 s12, $0xF  }
0xb: {  	s15 =	sand.u32 $0x8000, s15  }
0xc: {  	s16 =	sshll.u32 s10, $0x7;
	s15 =	sshrl.u32 s15, $0x1  }
0xd: {  	s16 =	sadd.s32 s5, s16;
	s15 =	sor.u32 $0x8000, s15  }
0xe: {  	[hbm4b:s16+s8] =	stream.linear.scatter [tilespmem:s15], [sflag:$0x2], s14, $0x38;
	[tilespmem:$0x10000] =	vst v63  }
.LBB1_8:
0xf: {  	p0 =	slt.u32 s12, $0x2  }
0x10: {  	p1 =	sgt.s32 @!p0 s13, $0xF414  }
0x11: {  	s14 =	smov.u32 s13;
	s15 =	sshra.s32 @!p0 s13, $0x1F;
	p1 =	por !p1, p0  }
0x12: {  	s13 =	sand.u32 @!p0 s15, s13;
	s14 =	simm.s32 @p1 $0xF414  }
0x13: {  	s13 =	ssub.s32 @!p0 s14, s13  }
0x14: {  	s13 =	sadd.s32 @!p0 $0xFFFF0BEC, s13  }
0x15: {  	s14 =	sshll.u32 @!p0 s13, $0xC  }
0x16: {  	p1 =	sgt.s32 @!p0 s13, $0xF;
	s13 =	ssub.s32 @!p0 $0x10000, s14  }
0x17: {  	s15 =	sadd.s32 $0x200, s11;
	p1 =	por !p1, p0;
	s13 =	sshrl.u32 @!p0 s13, $0x2  }
0x18: {  	s13 =	simm.s32 @!p1 $0x0;
	p1 =	sgt.s32 s15, $0xF423  }
0x19: {  	s15 =	smov.u32 @p1 s3;
	p1 =	sne.s32 s12, s7  }
.Ltmp1:
0x1a: {  	_ = 	snop;
	(pc) =	sbr.rel @!p1 .LBB1_9-.Ltmp1, $4  }
0x1b: {  	s14 =	simm.s32 @!p0 $0x2  }
0x1c: {  	s9 =	sadd.s32 $0x8000, s9;
	_ =	swait.ge @!p0 [sflag:s14], s13;
	s16 =	ssub.s32 @!p0 $0x0, s13  }
0x1d: {  	s13 =	smov.u32 s10;
	s12 =	sadd.s32 $0x1, s12;
	[sflag:s14] =	ssyncset.done @!p0 $0x0  }
0x1e: {  	s10 =	smov.u32 s11;
	s11 =	smov.u32 s15;
	[sflag:s14] =	ssyncadd.s32 @!p0 s16  }
.LBB1_1:
0x1f: {  	p0 =	sgt.u32 s12, s6  }
0x20: {  	p1 =	sgt.s32 @!p0 s11, $0xF414  }
0x21: {  	s14 =	smov.u32 s11;
	s15 =	sshra.s32 @!p0 s11, $0x1F;
	p1 =	por !p1, p0  }
0x22: {  	s15 =	sand.u32 @!p0 s15, s11;
	s14 =	simm.s32 @p1 $0xF414  }
0x23: {  	s14 =	ssub.s32 @!p0 s14, s15  }
0x24: {  	s14 =	sadd.s32 @!p0 $0xFFFF0BEC, s14  }
0x25: {  	s16 =	sshll.u32 @!p0 s11, $0x7;
	s17 =	simm.s32 @!p0 $0x0;
	s15 =	sshll.u32 @!p0 s14, $0xC  }
0x26: {  	p1 =	sgt.s32 @!p0 s14, $0xF;
	s14 =	ssub.s32 @!p0 $0x10000, s15;
	s15 =	sxor.u32 @!p0 $0xFFFFFFFF, s12  }
0x27: {  	p1 =	por !p1, p0;
	s14 =	sshrl.u32 @!p0 s14, $0x2;
	s15 =	sshll.u32 @!p0 s15, $0xE  }
0x28: {  	s16 =	sadd.s32 @!p0 s2, s16;
	s14 =	simm.s32 @!p1 $0x0;
	s15 =	sand.u32 @!p0 $0x4000, s15  }
0x29: {  	[tilespmem:s15], [sflag:$0x1] =	stream.linear.gather @!p0 [hbm4b:s16+s17], s14, $0x38;
	[tilespmem:$0x10000] =	vst v63  }
0x2a: {  	p0 =	seq.s32 s12, $0x0  }
0x2b: {  	p1 =	sge.u32 @!p0 s12, s7  }
0x2c: {  	p0 =	por p0, p1  }
.Ltmp2:
0x2d: {  	_ = 	snop;
	(pc) =	sbr.rel @p0 .LBB1_8-.Ltmp2, $1  }
0x2e: {  	_ =	sdelay $0x3  }
0x2f: {  	p0 =	sgt.s32 s10, $0xF414;
	s14 =	smov.u32 s10;
	s15 =	sshra.s32 s10, $0x1F  }
0x30: {  	s14 =	simm.s32 @!p0 $0xF414;
	s15 =	sand.u32 s15, s10  }
0x31: {  	s14 =	ssub.s32 s14, s15  }
0x32: {  	s16 =	sadd.s32 $0x10, s10;
	s14 =	sadd.s32 $0xFFFF0BEC, s14  }
0x33: {  	p1 =	slt.s32 s16, $0xF424;
	s30 =	sshll.u32 s14, $0xC  }
0x34: {  	s16 =	simm.s32 @!p1 $0xF424;
	s15 =	ssub.s32 $0x10000, s30  }
0x35: {  	p0 =	sgt.s32 s14, $0xF;
	s14 =	sshrl.u32 s15, $0x2;
	s15 =	ssub.s32 s16, s10  }
0x36: {  	s14 =	simm.s32 @p0 $0x0;
	p0 =	slt.s32 s15, $0x1  }
.Ltmp3:
0x37: {  	_ = 	snop;
	(pc) =	sbr.rel @p0 .LBB1_7-.Ltmp3, $4  }
0x38: {  	_ = 	snop  }
0x39: {  	_ =	swait.ge [sflag:s4], s14  }
0x3a: {  	s31 =	ssub.s32 $0x0, s14;
	[sflag:s4] =	ssyncset.done $0x0  }
0x3b: {  	[sflag:s4] =	ssyncadd.s32 s31  }
0x3c: {  	s16 =	sshrl.u32 s9, $0x1  }
0x3d: {  	s17 =	sand.u32 $0x4000, s16  }
0x3e: {  	s18 =	simm.s32 $0x0;
	s16 =	sor.u32 $0x200, s17;
	s17 =	sor.u32 $0x8080, s17  }
.LBB1_4:
0x3f: {  	v0 =	vld [tilespmem:s16+$0xFFFFFE70]  }
0x40: {  	v1 =	vld [tilespmem:s16+$0x70]  }
0x41: {  	v2 =	vld [tilespmem:s16+$0x0]  }
0x42: {  	v3 =	vld [tilespmem:s16+$0xFFFFFE10]  }
0x43: {  	v4 =	vld [tilespmem:s16+$0x10]  }
0x44: {  	v5 =	vld [tilespmem:s16+$0xFFFFFE20]  }
0x45: {  	v7 =	vld [tilespmem:s16+$0x20]  }
0x46: {  	v11 =	vld [tilespmem:s16+$0x30];
	v6 =	vunpack.i.l.s16.s32 v0;
	v8 =	vunpack.i.u.s16.s32 v0;
	v9 =	vunpack.i.u.s16.s32 v1  }
0x47: {  	v10 =	vunpack.i.l.s16.s32 v1;
	v0 =	vunpack.i.u.s16.s32 v2;
	v1 =	vunpack.i.l.s16.s32 v2;
	v2 =	vld [tilespmem:s16+$0xFFFFFE30]  }
0x48: {  	v8 =	vpack.i.b32.b16 v9, v8;
	v9 =	vunpack.i.u.s16.s32 v3;
	v3 =	vunpack.i.l.s16.s32 v3  }
0x49: {  	v12 =	vld [tilespmem:s16+$0xFFFFFE40];
	v6 =	vpack.i.b32.b16 v10, v6;
	[tilespmem:s17+$0x70] =	vst v8;
	v8 =	vunpack.i.u.s16.s32 v4;
	v4 =	vunpack.i.l.s16.s32 v4  }
0x4a: {  	v13 =	vld [tilespmem:s16+$0x40];
	v10 =	vunpack.i.u.s16.s32 v5;
	v5 =	vunpack.i.l.s16.s32 v5;
	[tilespmem:s17+$0xFFFFFFF0] =	vst v6;
	v3 =	vpack.i.b32.b16 v4, v3  }
0x4b: {  	v6 =	vunpack.i.l.s16.s32 v7;
	v4 =	vld [tilespmem:s16+$0xFFFFFE50];
	[tilespmem:s17+$0xFFFFFF90] =	vst v3;
	v3 =	vpack.i.b32.b16 v8, v9;
	v8 =	vunpack.i.u.s16.s32 v7  }
0x4c: {  	v7 =	vunpack.i.l.s16.s32 v11;
	[tilespmem:s17+$0x10] =	vst v3;
	v3 =	vpack.i.b32.b16 v6, v5;
	v9 =	vunpack.i.u.s16.s32 v2;
	v6 =	vld [tilespmem:s16+$0x50]  }
0x4d: {  	v5 =	vunpack.i.l.s16.s32 v2;
	v2 =	vld [tilespmem:s16+$0xFFFFFE60];
	[tilespmem:s17+$0xFFFFFFA0] =	vst v3;
	v3 =	vpack.i.b32.b16 v8, v10;
	v10 =	vunpack.i.u.s16.s32 v11  }
0x4e: {  	s21 =	simm.s32 $0x0;
	v11 =	vpack.i.b32.b16 v7, v5;
	v7 =	vunpack.i.u.s16.s32 v12;
	v8 =	vunpack.i.l.s16.s32 v12;
	[tilespmem:s17+$0x20] =	vst v3;
	v3 =	vld [tilespmem:s16+$0x60]  }
0x4f: {  	s22 =	sadd.s32 $0x80, s16;
	s20 =	smov.u32 s17;
	s19 =	smov.u32 s17;
	v5 =	vld [tilespmem:s16+$0xFFFFFE00];
	[tilespmem:s17+$0xFFFFFFB0] =	vst v11;
	v10 =	vpack.i.b32.b16 v10, v9;
	v9 =	vunpack.i.u.s16.s32 v13;
	v11 =	vunpack.i.l.s16.s32 v13  }
.LBB1_5:
0x50: {  	v12 =	vld [tilespmem:s22+$0xFFFFFE70];
	[tilespmem:s20+$0x30] =	vst v10;
	v8 =	vpack.i.b32.b16 v11, v8;
	v10 =	vunpack.i.u.s16.s32 v4;
	v4 =	vunpack.i.l.s16.s32 v4  }
0x51: {  	s21 =	sadd.s32 $0x2, s21;
	v7 =	vpack.i.b32.b16 v9, v7;
	v11 =	vld [tilespmem:s22+$0x70];
	[tilespmem:s20+$0xFFFFFFC0] =	vst v8;
	v8 =	vunpack.i.u.s16.s32 v6;
	v6 =	vunpack.i.l.s16.s32 v6  }
0x52: {  	p0 =	slt.u32 s21, $0x6;
	v9 =	vld [tilespmem:s22+$0x0];
	[tilespmem:s20+$0x40] =	vst v7;
	v4 =	vpack.i.b32.b16 v6, v4;
	v6 =	vunpack.i.u.s16.s32 v2;
	v2 =	vunpack.i.l.s16.s32 v2  }
0x53: {  	v7 =	vld [tilespmem:s22+$0xFFFFFE10];
	[tilespmem:s20+$0xFFFFFFD0] =	vst v4;
	v4 =	vpack.i.b32.b16 v8, v10;
	v8 =	vunpack.i.u.s16.s32 v3;
	v3 =	vunpack.i.l.s16.s32 v3  }
0x54: {  	v10 =	vld [tilespmem:s22+$0x10];
	v13 =	vunpack.i.u.s16.s32 v5;
	v5 =	vunpack.i.l.s16.s32 v5;
	[tilespmem:s20+$0x50] =	vst v4;
	v2 =	vpack.i.b32.b16 v3, v2  }
0x55: {  	v3 =	vld [tilespmem:s22+$0xFFFFFE20];
	v4 =	vunpack.i.l.s16.s32 v12;
	v1 =	vpack.i.b32.b16 v1, v5;
	v5 =	vpack.i.b32.b16 v0, v13;
	[tilespmem:s20+$0xFFFFFFE0] =	vst v2  }
0x56: {  	v12 =	vunpack.i.u.s16.s32 v12;
	v2 =	vld [tilespmem:s22+$0x20];
	v13 =	vunpack.i.u.s16.s32 v11;
	v11 =	vunpack.i.l.s16.s32 v11;
	[tilespmem:s20+$0xFFFFFF80] =	vst v1  }
0x57: {  	s20 =	sadd.s32 $0x100, s20;
	v0 =	vunpack.i.u.s16.s32 v9;
	v1 =	vunpack.i.l.s16.s32 v9;
	v9 =	vld [tilespmem:s22+$0xFFFFFE30];
	v12 =	vpack.i.b32.b16 v13, v12;
	[tilespmem:s19+$0x0] =	vst v5  }
0x58: {  	v6 =	vpack.i.b32.b16 v8, v6;
	v5 =	vunpack.i.u.s16.s32 v7;
	v7 =	vunpack.i.l.s16.s32 v7;
	v13 =	vld [tilespmem:s22+$0x30];
	[tilespmem:s20+$0x70] =	vst v12  }
0x59: {  	v4 =	vpack.i.b32.b16 v11, v4;
	v8 =	vunpack.i.u.s16.s32 v10;
	v10 =	vunpack.i.l.s16.s32 v10;
	v12 =	vld [tilespmem:s22+$0xFFFFFE40];
	[tilespmem:s19+$0x60] =	vst v6;
	s19 =	smov.u32 s20  }
0x5a: {  	v6 =	vpack.i.b32.b16 v10, v7;
	v7 =	vunpack.i.u.s16.s32 v3;
	v3 =	vunpack.i.l.s16.s32 v3;
	v11 =	vld [tilespmem:s22+$0x40];
	[tilespmem:s20+$0xFFFFFFF0] =	vst v4  }
.Ltmp4:
0x5b: {  	v5 =	vpack.i.b32.b16 v8, v5;
	[tilespmem:s20+$0xFFFFFF90] =	vst v6;
	v8 =	vunpack.i.u.s16.s32 v2;
	v2 =	vunpack.i.l.s16.s32 v2;
	v4 =	vld [tilespmem:s22+$0xFFFFFE50];
	(pc) =	sbr.rel @p0 .LBB1_5-.Ltmp4, $4  }
0x5c: {  	[tilespmem:s20+$0x10] =	vst v5;
	v2 =	vpack.i.b32.b16 v2, v3;
	v10 =	vunpack.i.u.s16.s32 v9;
	v3 =	vunpack.i.l.s16.s32 v9;
	v6 =	vld [tilespmem:s22+$0x50]  }
0x5d: {  	v5 =	vpack.i.b32.b16 v8, v7;
	[tilespmem:s20+$0xFFFFFFA0] =	vst v2;
	v9 =	vunpack.i.u.s16.s32 v13;
	v7 =	vunpack.i.l.s16.s32 v13;
	v2 =	vld [tilespmem:s22+$0xFFFFFE60]  }
0x5e: {  	[tilespmem:s20+$0x20] =	vst v5;
	v13 =	vpack.i.b32.b16 v7, v3;
	v7 =	vunpack.i.u.s16.s32 v12;
	v8 =	vunpack.i.l.s16.s32 v12;
	v3 =	vld [tilespmem:s22+$0x60]  }
0x5f: {  	v10 =	vpack.i.b32.b16 v9, v10;
	v5 =	vld [tilespmem:s22+$0xFFFFFE00];
	[tilespmem:s20+$0xFFFFFFB0] =	vst v13;
	v9 =	vunpack.i.u.s16.s32 v11;
	v11 =	vunpack.i.l.s16.s32 v11;
	s22 =	sadd.s32 $0x80, s22  }
0x60: {  	[tilespmem:s20+$0x30] =	vst v10;
	v8 =	vpack.i.b32.b16 v11, v8  }
0x61: {  	v51 =	vunpack.i.l.s16.s32 v4;
	v7 =	vpack.i.b32.b16 v9, v7;
	[tilespmem:s20+$0xFFFFFFC0] =	vst v8;
	v52 =	vunpack.i.l.s16.s32 v6  }
0x62: {  	v53 =	vunpack.i.u.s16.s32 v4;
	s18 =	sadd.s32 $0x1, s18;
	v54 =	vunpack.i.u.s16.s32 v6;
	[tilespmem:s20+$0x40] =	vst v7;
	v55 =	vpack.i.b32.b16 v52, v51  }
0x63: {  	p0 =	sne.s32 s18, s15;
	v56 =	vunpack.i.l.s16.s32 v2;
	v4 =	vpack.i.b32.b16 v54, v53;
	[tilespmem:s20+$0xFFFFFFD0] =	vst v55;
	v57 =	vunpack.i.l.s16.s32 v3  }
.Ltmp5:
0x64: {  	[tilespmem:s20+$0x50] =	vst v4;
	v58 =	vunpack.i.l.s16.s32 v5;
	v59 =	vpack.i.b32.b16 v57, v56;
	(pc) =	sbr.rel @p0 .LBB1_4-.Ltmp5, $4  }
.Ltmp6:
0x65: {  	v61 =	vunpack.i.u.s16.s32 v2;
	v62 =	vunpack.i.u.s16.s32 v3;
	v1 =	vpack.i.b32.b16 v1, v58;
	[tilespmem:s20+$0xFFFFFFE0] =	vst v59;
	(pc) =	sbr.rel @!p0 .LBB1_7-.Ltmp6, $4  }
0x66: {  	v60 =	vunpack.i.u.s16.s32 v5;
	v63 =	vpack.i.b32.b16 v62, v61;
	[tilespmem:s20+$0xFFFFFF80] =	vst v1  }
0x67: {  	v0 =	vpack.i.b32.b16 v0, v60;
	[tilespmem:s19+$0x60] =	vst v63  }
0x68: {  	s16 =	sadd.s32 $0x400, s16;
	s17 =	sadd.s32 $0x400, s17;
	[tilespmem:s19+$0x0] =	vst v0  }
0x69: {  	_ = 	snop  }
.LBB1_9:
0x6a: {  	_ =	sfence.sel $0x180000  }
0x6b: {  	s2 =	simm.s32 $0x1;
	[bflag:$0x0] =	sbarrier.arrive $0xFFFF  }
0x6c: {  	s31 =	simm.s32 $0x2;
	[sflag:s2] =	ssyncpa.u1 $0x1  }
0x6d: {  	[sflag:s31] =	ssyncpa.u1 $0x1  }
0x6e: {  	p0 =	sne.s32 s1, $0x0;
	_ =	strace $0x9000004A  }
0x6f: {  	s0 =	sadd.s32 @!p0 $0x100000, s0;
	[bflag:$0x2] =	sbarrier.arrive $0xFFFF  }
0x70: {  	[sflag:s0] =	ssyncadd.tile.s32 @!p0 $0x1;
	_ =	shalt  }
.Lfunc_end1:
_tile_overlayer_lowered:
.L_overlay_start_2:
0x71: {  	(tag) =	ssettag $0x2  }
0x72: {  	s0 =	rddreg [dreg:$0x0];
	s2 =	stileid.u32  }
0x73: {  	s1 =	rddreg [dreg:$0x1];
	p0 =	sne.s32 s2, $0x0  }
0x74: {  	s3 =	rddreg [dreg:$0x2];
	[bflag:$0x3] =	sbarrier.arrive $0xFFFF;
	s2 =	simm.s32 @!p0 $0x1C01  }
0x75: {  	[timem:s3], [sflag:s2] =	dma.local @!p0 [hbm:s0], s1  }
0x76: {  	s0 =	simm.s32 @!p0 $0x1  }
0x77: {  	_ =	swait.ge @!p0 [sflag:s0], s1  }
0x78: {  	s1 =	ssub.s32 @!p0 $0x0, s1;
	[sflag:s0] =	ssyncset.done @!p0 $0x0  }
0x79: {  	[sflag:s0] =	ssyncadd.s32 @!p0 s1  }
0x7a: {  	[bflag:$0x3] =	sbarrier.arrive $0xFFFF  }
0x7b: {  	_ =	shalt  }

</sc_bundles>
